<compile_context>
chip_gen: v7x
topology: tpu7x:2x2x1
jax: 0.10.2.dev20260603
libtpu: 0.0.44.dev20260713+nightly
codegen_flags: <defaults>
</compile_context>

<pallas_src>
import functools

import jax
import jax.numpy as jnp
from jax import lax
from jax.experimental import pallas as pl
from jax.experimental.pallas import tpu as pltpu
from jax.experimental.pallas import tpu_sc as plsc

BATCH = 16384
SEQ = 50
EMBED_DIM = 32
NUM_EMB = 1000002
VOCAB = 1000000
NTOK = BATCH * SEQ

NC = 2
NS = 16
NW = NC * NS
LANES = 16

L128 = 128
CHUNK_J = 4
CHUNK_TOK = CHUNK_J * L128
JBLK = BATCH // L128
NCHUNKS = SEQ * JBLK // CHUNK_J
CHUNKS_PER_W = NCHUNKS // NW
LINES_PER_W = CHUNKS_PER_W * CHUNK_J
DGRP = EMBED_DIM // 8
LANE_PAD = L128 + 1
JL_PAD = CHUNK_J + 1


def _sc_gather_body(idx_hbm, table_hbm, out_full,
                    idx_v, rows0, rows1, tb0, tb1,
                    gsem0, gsem1, osem0, osem1):
    wid = lax.axis_index("s") * NC + lax.axis_index("c")
    pltpu.sync_copy(idx_hbm.at[pl.ds(wid * LINES_PER_W, LINES_PER_W)], idx_v)
    c0 = wid * CHUNKS_PER_W
    rows = (rows0, rows1)
    tbuf = (tb0, tb1)
    gsem = (gsem0, gsem1)
    osem = (osem0, osem1)
    iota = lax.iota(jnp.int32, LANES)

    def gather_chunk(k, b):
        return [pltpu.make_async_copy(
            table_hbm.at[idx_v.at[k * CHUNK_J + jl]],
            rows[b].at[pl.ds(jl * L128, L128)], gsem[b])
            for jl in range(CHUNK_J)]

    def out_copy(k, b):
        c = c0 + k
        s_ix = c // (JBLK // CHUNK_J)
        j0 = (c % (JBLK // CHUNK_J)) * CHUNK_J
        return [pltpu.make_async_copy(
            tbuf[b].at[g, pl.ds(0, CHUNK_J), slice(None), pl.ds(0, L128)],
            out_full.at[s_ix, g, pl.ds(j0, CHUNK_J)], osem[b])
            for g in range(DGRP)]

    zero = jnp.full((LANES,), 0, jnp.int32)
    gconst = {d0: (d0 + iota) // 8 for d0 in (0, 16)}
    rconst = {d0: (d0 + iota) % 8 for d0 in (0, 16)}

    def transpose_chunk(b):
        for jl in range(CHUNK_J):
            jlv = jnp.full((LANES,), jl, jnp.int32)

            def tr(q, carry, jl=jl, jlv=jlv):
                vecs = [rows[b][jl * L128 + 4 * q + u, pl.ds(d0, LANES)]
                        for u in range(4) for d0 in (0, 16)]
                i = 0
                for u in range(4):
                    lanev = zero + (4 * q + u)
                    for d0 in (0, 16):
                        plsc.store_scatter(
                            tbuf[b], [gconst[d0], jlv, rconst[d0], lanev],
                            vecs[i])
                        i += 1
                return carry
            lax.fori_loop(0, L128 // 4, tr, 0)

    for c in gather_chunk(0, 0):
        c.start()

    def step(i, carry):
        for b in range(2):
            k = 2 * i + b
            nb = 1 - b

            @pl.when(k + 1 < CHUNKS_PER_W)
            def _():
                for c in gather_chunk(k + 1, nb):
                    c.start()

            for c in gather_chunk(k, b):
                c.wait()

            @pl.when(k >= 2)
            def _():
                for c in out_copy(k - 2, b):
                    c.wait()

            transpose_chunk(b)
            for c in out_copy(k, b):
                c.start()
        return carry

    lax.fori_loop(0, CHUNKS_PER_W // 2, step, 0)
    for c in out_copy(CHUNKS_PER_W - 2, 0):
        c.wait()
    for c in out_copy(CHUNKS_PER_W - 1, 1):
        c.wait()


_sc_gather = functools.partial(
    pl.kernel,
    mesh=plsc.VectorSubcoreMesh(core_axis_name="c", subcore_axis_name="s"),
    out_type=jax.ShapeDtypeStruct((SEQ, DGRP, JBLK, 8, L128), jnp.float32),
    scratch_types=[
        pltpu.VMEM((LINES_PER_W, L128), jnp.int32),
        pltpu.VMEM((CHUNK_TOK, EMBED_DIM), jnp.float32),
        pltpu.VMEM((CHUNK_TOK, EMBED_DIM), jnp.float32),
        pltpu.VMEM((DGRP, JL_PAD, 8, LANE_PAD), jnp.float32),
        pltpu.VMEM((DGRP, JL_PAD, 8, LANE_PAD), jnp.float32),
        pltpu.SemaphoreType.DMA,
        pltpu.SemaphoreType.DMA,
        pltpu.SemaphoreType.DMA,
        pltpu.SemaphoreType.DMA,
    ],
    compiler_params=pltpu.CompilerParams(use_tc_tiling_on_sc=False,
                                         needs_layout_passes=False),
)(_sc_gather_body)


def _mask_body(tok_ref, mask_ref):
    mask_ref[...] = tok_ref[...] != 0


_MASK_BLOCK = 2048
_mask_call = pl.pallas_call(
    _mask_body,
    out_shape=jax.ShapeDtypeStruct((SEQ, BATCH), jnp.bool_),
    grid=(BATCH // _MASK_BLOCK,),
    in_specs=[pl.BlockSpec((SEQ, _MASK_BLOCK), lambda i: (0, i))],
    out_specs=pl.BlockSpec((SEQ, _MASK_BLOCK), lambda i: (0, i)),
)


def kernel(tokens, weight):
    tok32 = tokens.astype(jnp.int32)
    tokT = tok32.T
    idx2d = tokT.reshape(NTOK // L128, L128)
    out5 = _sc_gather(idx2d, weight)
    emb = out5.transpose(2, 4, 0, 1, 3).reshape(BATCH, SEQ, EMBED_DIM)
    mask = _mask_call(tokT).T
    return emb, mask

# --- scband reference (transcript-rebuilt; emitter-appended) ---
"""Pipeline reference for scband-numeralize-pad-embed-79370995630833 (READ-ONLY COPY).

The authoritative reference and input builder live on the scoring server;
editing this copy changes nothing except your own understanding.
"""

import jax, jax.numpy as jnp
import numpy as np

BATCH = 16384
SEQ = 50
VOCAB = 1000000
NUM_EMBEDDINGS = VOCAB + 2  # pad_token (idx 0) + unk_token (idx 1) prepended by NumeralizePadEmbed
EMBED_DIM = 32
PAD_IDX = 0


def setup_inputs(seed: int = 0) -> dict:
    key = jax.random.key(seed)
    k_tok, k_w = jax.random.split(key)
    # tokens are pre-numeralized vocab indices in [0, VOCAB) -> all valid rows (< NUM_EMBEDDINGS).
    tokens = jax.random.randint(k_tok, (BATCH, SEQ), 0, VOCAB, dtype=jnp.int64)
    weight = jax.random.normal(k_w, (NUM_EMBEDDINGS, EMBED_DIM), dtype=jnp.float32) * 0.02
    # torch.nn.Embedding(padding_idx=0) zeroes the padding row
    weight = weight.at[PAD_IDX].set(0.0)
    return {"tokens": tokens, "weight": weight}


def reference(tokens, weight):
    # NumeralizePadEmbed.forward: numeralize (done offline here), embed, and return padding mask.
    embedded = jnp.take(weight, tokens, axis=0)          # gather: [B, S, D]
    mask = tokens != PAD_IDX                              # bool padding mask: [B, S]
    # padding positions contribute zero embedding (padding_idx row is zero)
    embedded = embedded * mask[..., None].astype(embedded.dtype)
    return embedded, mask

if __name__ == "__main__":
    import jax
    _d = setup_inputs()
    print(jax.jit(kernel)(*tuple(_d.values())))

</pallas_src>

<mosaic_0001>
#map = affine_map<(d0, d1) -> (0, 0)>
#map1 = affine_map<(d0, d1) -> (0, 0, 0, 0, 0)>
module attributes {stable_mosaic.version = 14 : i64} {
  func.func @_sc_gather_body(%arg0: i32, %arg1: i32, %arg2: memref<6400x128xi32, #tpu.memory_space<hbm>>, %arg3: memref<1000002x32xf32, #tpu.memory_space<hbm>>, %arg4: memref<50x4x128x8x128xf32, #tpu.memory_space<hbm>>, %arg5: memref<200x128xi32, #tpu.memory_space<vmem>>, %arg6: memref<512x32xf32, #tpu.memory_space<vmem>>, %arg7: memref<512x32xf32, #tpu.memory_space<vmem>>, %arg8: memref<4x5x8x129xf32, #tpu.memory_space<vmem>>, %arg9: memref<4x5x8x129xf32, #tpu.memory_space<vmem>>, %arg10: memref<!tpu.dma_semaphore, #tpu.memory_space<semaphore_mem>>, %arg11: memref<!tpu.dma_semaphore, #tpu.memory_space<semaphore_mem>>, %arg12: memref<!tpu.dma_semaphore, #tpu.memory_space<semaphore_mem>>, %arg13: memref<!tpu.dma_semaphore, #tpu.memory_space<semaphore_mem>>) attributes {dimension_semantics = [#tpu.dimension_semantics<core_parallel>, #tpu.dimension_semantics<subcore_parallel>], iteration_bounds = array<i64: 2, 16>, scalar_prefetch = 0 : i64, scratch_operands = 9 : i64, tpu.core_type = #tpu.core_type<sc_vector_subcore>, window_params = [{transform_indices = #map}, {transform_indices = #map}, {transform_indices = #map1}]} {
    %mul3A = arith.constant 2 : i32
    %mul3A_0 = arith.muli %arg1, %mul3A : i32
    %add3A = arith.addi %mul3A_0, %arg0 : i32
    %mul3A_1 = arith.constant 200 : i32
    %mul3A_2 = arith.muli %add3A, %mul3A_1 : i32
    "tpu.region"() ({
      %run_scoped3A = tpu.sem_alloc : memref<!tpu.dma_semaphore, #tpu.memory_space<semaphore_mem>>
      %dma_start3A_405 = arith.constant 0 : i32
      %dma_start3A_406 = tpu.memref_slice %arg2[%mul3A_2, %dma_start3A_405] : memref<6400x128xi32, #tpu.memory_space<hbm>> -> memref<200x128xi32, #tpu.memory_space<hbm>>
      %dma_start3A_407 = arith.constant 0 : i32
      %dma_start3A_408 = tpu.memref_slice %arg2[%mul3A_2, %dma_start3A_407] : memref<6400x128xi32, #tpu.memory_space<hbm>> -> memref<200x128xi32, #tpu.memory_space<hbm>>
      tpu.enqueue_dma source(%dma_start3A_408 : memref<200x128xi32, #tpu.memory_space<hbm>>) target(%arg5 : memref<200x128xi32, #tpu.memory_space<vmem>>) target_semaphore(%run_scoped3A : memref<!tpu.dma_semaphore, #tpu.memory_space<semaphore_mem>>)
      %dma_wait3A_409 = arith.constant 0 : i32
      %dma_wait3A_410 = tpu.memref_slice %arg2[%mul3A_2, %dma_wait3A_409] : memref<6400x128xi32, #tpu.memory_space<hbm>> -> memref<200x128xi32, #tpu.memory_space<hbm>>
      %dma_wait3A_411 = arith.constant 0 : i32
      %dma_wait3A_412 = tpu.memref_slice %arg2[%mul3A_2, %dma_wait3A_411] : memref<6400x128xi32, #tpu.memory_space<hbm>> -> memref<200x128xi32, #tpu.memory_space<hbm>>
      tpu.wait_dma2 semaphore(%run_scoped3A : memref<!tpu.dma_semaphore, #tpu.memory_space<semaphore_mem>>) src(%dma_wait3A_412 : memref<200x128xi32, #tpu.memory_space<hbm>>) dst(%arg5 : memref<200x128xi32, #tpu.memory_space<vmem>>)
      tpu.yield
    }) : () -> ()
    %mul3A_3 = arith.constant 50 : i32
    %mul3A_4 = arith.muli %add3A, %mul3A_3 : i32
    %iota3A = tpu.iota {dimensions = array<i32: 0>} : vector<16xi32>
    %broadcast_in_dim3A = arith.constant 0 : i32
    %broadcast_in_dim3A_5 = vector.broadcast %broadcast_in_dim3A : i32 to vector<16xi32>
    %add3A_6 = arith.constant 0 : i32
    %add3A_7 = vector.broadcast %add3A_6 : i32 to vector<16xi32>
    %add3A_8 = arith.addi %add3A_7, %iota3A : vector<16xi32>
    %jit3A = arith.constant 8 : i32
    %div3A = vector.broadcast %jit3A : i32 to vector<16xi32>
    %div3A_9 = arith.divsi %add3A_8, %div3A : vector<16xi32>
    %sign3A = arith.constant 0 : i32
    %sign3A_10 = vector.broadcast %sign3A : i32 to vector<16xi32>
    %sign3A_11 = arith.cmpi sgt, %add3A_8, %sign3A_10 : vector<16xi32>
    %sign3A_12 = arith.extui %sign3A_11 : vector<16xi1> to vector<16xi32>
    %sign3A_13 = arith.constant 0 : i32
    %sign3A_14 = vector.broadcast %sign3A_13 : i32 to vector<16xi32>
    %sign3A_15 = arith.cmpi slt, %add3A_8, %sign3A_14 : vector<16xi32>
    %sign3A_16 = arith.extui %sign3A_15 : vector<16xi1> to vector<16xi32>
    %sign3A_17 = arith.subi %sign3A_12, %sign3A_16 : vector<16xi32>
    %sign3A_18 = arith.constant 0 : i32
    %sign3A_19 = arith.cmpi sgt, %jit3A, %sign3A_18 : i32
    %sign3A_20 = arith.extui %sign3A_19 : i1 to i32
    %sign3A_21 = arith.constant 0 : i32
    %sign3A_22 = arith.cmpi slt, %jit3A, %sign3A_21 : i32
    %sign3A_23 = arith.extui %sign3A_22 : i1 to i32
    %sign3A_24 = arith.subi %sign3A_20, %sign3A_23 : i32
    %ne3A = vector.broadcast %sign3A_24 : i32 to vector<16xi32>
    %ne3A_25 = arith.cmpi ne, %sign3A_17, %ne3A : vector<16xi32>
    %rem3A = vector.broadcast %jit3A : i32 to vector<16xi32>
    %rem3A_26 = arith.remsi %add3A_8, %rem3A : vector<16xi32>
    %ne3A_27 = arith.constant 0 : i32
    %ne3A_28 = vector.broadcast %ne3A_27 : i32 to vector<16xi32>
    %ne3A_29 = arith.cmpi ne, %rem3A_26, %ne3A_28 : vector<16xi32>
    %and3A = arith.andi %ne3A_25, %ne3A_29 : vector<16xi1>
    %sub3A = arith.constant 1 : i32
    %sub3A_30 = vector.broadcast %sub3A : i32 to vector<16xi32>
    %sub3A_31 = arith.subi %div3A_9, %sub3A_30 : vector<16xi32>
    %select_n3A = arith.select %and3A, %sub3A_31, %div3A_9 : vector<16xi1>, vector<16xi32>
    %add3A_32 = arith.constant 16 : i32
    %add3A_33 = vector.broadcast %add3A_32 : i32 to vector<16xi32>
    %add3A_34 = arith.addi %add3A_33, %iota3A : vector<16xi32>
    %jit3A_35 = arith.constant 8 : i32
    %div3A_36 = vector.broadcast %jit3A_35 : i32 to vector<16xi32>
    %div3A_37 = arith.divsi %add3A_34, %div3A_36 : vector<16xi32>
    %sign3A_38 = arith.constant 0 : i32
    %sign3A_39 = vector.broadcast %sign3A_38 : i32 to vector<16xi32>
    %sign3A_40 = arith.cmpi sgt, %add3A_34, %sign3A_39 : vector<16xi32>
    %sign3A_41 = arith.extui %sign3A_40 : vector<16xi1> to vector<16xi32>
    %sign3A_42 = arith.constant 0 : i32
    %sign3A_43 = vector.broadcast %sign3A_42 : i32 to vector<16xi32>
    %sign3A_44 = arith.cmpi slt, %add3A_34, %sign3A_43 : vector<16xi32>
    %sign3A_45 = arith.extui %sign3A_44 : vector<16xi1> to vector<16xi32>
    %sign3A_46 = arith.subi %sign3A_41, %sign3A_45 : vector<16xi32>
    %sign3A_47 = arith.constant 0 : i32
    %sign3A_48 = arith.cmpi sgt, %jit3A_35, %sign3A_47 : i32
    %sign3A_49 = arith.extui %sign3A_48 : i1 to i32
    %sign3A_50 = arith.constant 0 : i32
    %sign3A_51 = arith.cmpi slt, %jit3A_35, %sign3A_50 : i32
    %sign3A_52 = arith.extui %sign3A_51 : i1 to i32
    %sign3A_53 = arith.subi %sign3A_49, %sign3A_52 : i32
    %ne3A_54 = vector.broadcast %sign3A_53 : i32 to vector<16xi32>
    %ne3A_55 = arith.cmpi ne, %sign3A_46, %ne3A_54 : vector<16xi32>
    %rem3A_56 = vector.broadcast %jit3A_35 : i32 to vector<16xi32>
    %rem3A_57 = arith.remsi %add3A_34, %rem3A_56 : vector<16xi32>
    %ne3A_58 = arith.constant 0 : i32
    %ne3A_59 = vector.broadcast %ne3A_58 : i32 to vector<16xi32>
    %ne3A_60 = arith.cmpi ne, %rem3A_57, %ne3A_59 : vector<16xi32>
    %and3A_61 = arith.andi %ne3A_55, %ne3A_60 : vector<16xi1>
    %sub3A_62 = arith.constant 1 : i32
    %sub3A_63 = vector.broadcast %sub3A_62 : i32 to vector<16xi32>
    %sub3A_64 = arith.subi %div3A_37, %sub3A_63 : vector<16xi32>
    %select_n3A_65 = arith.select %and3A_61, %sub3A_64, %div3A_37 : vector<16xi1>, vector<16xi32>
    %add3A_66 = arith.constant 0 : i32
    %add3A_67 = vector.broadcast %add3A_66 : i32 to vector<16xi32>
    %add3A_68 = arith.addi %add3A_67, %iota3A : vector<16xi32>
    %jit3A_69 = arith.constant 8 : i32
    %eq3A = arith.constant 0 : i32
    %eq3A_70 = arith.cmpi eq, %jit3A_69, %eq3A : i32
    %jit3A_71 = arith.constant 1 : i32
    %select_n3A_72 = arith.select %eq3A_70, %jit3A_71, %jit3A_69 : i32
    %rem3A_73 = vector.broadcast %select_n3A_72 : i32 to vector<16xi32>
    %rem3A_74 = arith.remsi %add3A_68, %rem3A_73 : vector<16xi32>
    %ne3A_75 = arith.constant 0 : i32
    %ne3A_76 = vector.broadcast %ne3A_75 : i32 to vector<16xi32>
    %ne3A_77 = arith.cmpi ne, %rem3A_74, %ne3A_76 : vector<16xi32>
    %lt3A = arith.constant 0 : i32
    %lt3A_78 = vector.broadcast %lt3A : i32 to vector<16xi32>
    %lt3A_79 = arith.cmpi slt, %rem3A_74, %lt3A_78 : vector<16xi32>
    %lt3A_80 = arith.constant 0 : i32
    %lt3A_81 = arith.cmpi slt, %select_n3A_72, %lt3A_80 : i32
    %ne3A_82 = vector.broadcast %lt3A_81 : i1 to vector<16xi1>
    %ne3A_83 = vector.broadcast %ne3A_82 : vector<16xi1> to vector<16xi1>
    %ne3A_84 = arith.xori %lt3A_79, %ne3A_83 : vector<16xi1>
    %and3A_85 = arith.andi %ne3A_84, %ne3A_77 : vector<16xi1>
    %add3A_86 = vector.broadcast %select_n3A_72 : i32 to vector<16xi32>
    %add3A_87 = arith.addi %rem3A_74, %add3A_86 : vector<16xi32>
    %select_n3A_88 = arith.select %and3A_85, %add3A_87, %rem3A_74 : vector<16xi1>, vector<16xi32>
    %add3A_89 = arith.constant 16 : i32
    %add3A_90 = vector.broadcast %add3A_89 : i32 to vector<16xi32>
    %add3A_91 = arith.addi %add3A_90, %iota3A : vector<16xi32>
    %jit3A_92 = arith.constant 8 : i32
    %eq3A_93 = arith.constant 0 : i32
    %eq3A_94 = arith.cmpi eq, %jit3A_92, %eq3A_93 : i32
    %jit3A_95 = arith.constant 1 : i32
    %select_n3A_96 = arith.select %eq3A_94, %jit3A_95, %jit3A_92 : i32
    %rem3A_97 = vector.broadcast %select_n3A_96 : i32 to vector<16xi32>
    %rem3A_98 = arith.remsi %add3A_91, %rem3A_97 : vector<16xi32>
    %ne3A_99 = arith.constant 0 : i32
    %ne3A_100 = vector.broadcast %ne3A_99 : i32 to vector<16xi32>
    %ne3A_101 = arith.cmpi ne, %rem3A_98, %ne3A_100 : vector<16xi32>
    %lt3A_102 = arith.constant 0 : i32
    %lt3A_103 = vector.broadcast %lt3A_102 : i32 to vector<16xi32>
    %lt3A_104 = arith.cmpi slt, %rem3A_98, %lt3A_103 : vector<16xi32>
    %lt3A_105 = arith.constant 0 : i32
    %lt3A_106 = arith.cmpi slt, %select_n3A_96, %lt3A_105 : i32
    %ne3A_107 = vector.broadcast %lt3A_106 : i1 to vector<16xi1>
    %ne3A_108 = vector.broadcast %ne3A_107 : vector<16xi1> to vector<16xi1>
    %ne3A_109 = arith.xori %lt3A_104, %ne3A_108 : vector<16xi1>
    %and3A_110 = arith.andi %ne3A_109, %ne3A_101 : vector<16xi1>
    %add3A_111 = vector.broadcast %select_n3A_96 : i32 to vector<16xi32>
    %add3A_112 = arith.addi %rem3A_98, %add3A_111 : vector<16xi32>
    %select_n3A_113 = arith.select %and3A_110, %add3A_112, %rem3A_98 : vector<16xi1>, vector<16xi32>
    %dma_start3A = arith.constant 0 : i32
    %dma_start3A_114 = arith.constant 0 : i32
    %dma_start3A_115 = arith.constant 0 : i32
    %dma_start3A_116 = tpu.memref_slice %arg6[%dma_start3A_114, %dma_start3A_115] : memref<512x32xf32, #tpu.memory_space<vmem>> -> memref<128x32xf32, #tpu.memory_space<vmem>>
    %dma_start3A_117 = arith.constant 0 : i32
    %dma_start3A_118 = tpu.memref_slice %arg5[%dma_start3A, %dma_start3A_117] : memref<200x128xi32, #tpu.memory_space<vmem>> -> memref<1x128xi32, #tpu.memory_space<vmem>>
    %dma_start3A_119 = tpu.memref_squeeze %dma_start3A_118 : memref<1x128xi32, #tpu.memory_space<vmem>> -> memref<128xi32, #tpu.memory_space<vmem>>
    %dma_start3A_120 = arith.constant 0 : i32
    %dma_start3A_121 = arith.constant 0 : i32
    %dma_start3A_122 = tpu.memref_slice %arg3[%dma_start3A_120, %dma_start3A_121] : memref<1000002x32xf32, #tpu.memory_space<hbm>> -> memref<1000002x32xf32, #tpu.memory_space<hbm>>
    tpu.enqueue_indirect_dma source(%dma_start3A_122 : memref<1000002x32xf32, #tpu.memory_space<hbm>>) target(%dma_start3A_116 : memref<128x32xf32, #tpu.memory_space<vmem>>) offsets(%dma_start3A_119 : memref<128xi32, #tpu.memory_space<vmem>>) semaphore(%arg10 : memref<!tpu.dma_semaphore, #tpu.memory_space<semaphore_mem>>)
    %dma_start3A_123 = arith.constant 1 : i32
    %dma_start3A_124 = arith.constant 128 : i32
    %dma_start3A_125 = arith.constant 0 : i32
    %dma_start3A_126 = tpu.memref_slice %arg6[%dma_start3A_124, %dma_start3A_125] : memref<512x32xf32, #tpu.memory_space<vmem>> -> memref<128x32xf32, #tpu.memory_space<vmem>>
    %dma_start3A_127 = arith.constant 0 : i32
    %dma_start3A_128 = tpu.memref_slice %arg5[%dma_start3A_123, %dma_start3A_127] : memref<200x128xi32, #tpu.memory_space<vmem>> -> memref<1x128xi32, #tpu.memory_space<vmem>>
    %dma_start3A_129 = tpu.memref_squeeze %dma_start3A_128 : memref<1x128xi32, #tpu.memory_space<vmem>> -> memref<128xi32, #tpu.memory_space<vmem>>
    %dma_start3A_130 = arith.constant 0 : i32
    %dma_start3A_131 = arith.constant 0 : i32
    %dma_start3A_132 = tpu.memref_slice %arg3[%dma_start3A_130, %dma_start3A_131] : memref<1000002x32xf32, #tpu.memory_space<hbm>> -> memref<1000002x32xf32, #tpu.memory_space<hbm>>
    tpu.enqueue_indirect_dma source(%dma_start3A_132 : memref<1000002x32xf32, #tpu.memory_space<hbm>>) target(%dma_start3A_126 : memref<128x32xf32, #tpu.memory_space<vmem>>) offsets(%dma_start3A_129 : memref<128xi32, #tpu.memory_space<vmem>>) semaphore(%arg10 : memref<!tpu.dma_semaphore, #tpu.memory_space<semaphore_mem>>)
    %dma_start3A_133 = arith.constant 2 : i32
    %dma_start3A_134 = arith.constant 256 : i32
    %dma_start3A_135 = arith.constant 0 : i32
    %dma_start3A_136 = tpu.memref_slice %arg6[%dma_start3A_134, %dma_start3A_135] : memref<512x32xf32, #tpu.memory_space<vmem>> -> memref<128x32xf32, #tpu.memory_space<vmem>>
    %dma_start3A_137 = arith.constant 0 : i32
    %dma_start3A_138 = tpu.memref_slice %arg5[%dma_start3A_133, %dma_start3A_137] : memref<200x128xi32, #tpu.memory_space<vmem>> -> memref<1x128xi32, #tpu.memory_space<vmem>>
    %dma_start3A_139 = tpu.memref_squeeze %dma_start3A_138 : memref<1x128xi32, #tpu.memory_space<vmem>> -> memref<128xi32, #tpu.memory_space<vmem>>
    %dma_start3A_140 = arith.constant 0 : i32
    %dma_start3A_141 = arith.constant 0 : i32
    %dma_start3A_142 = tpu.memref_slice %arg3[%dma_start3A_140, %dma_start3A_141] : memref<1000002x32xf32, #tpu.memory_space<hbm>> -> memref<1000002x32xf32, #tpu.memory_space<hbm>>
    tpu.enqueue_indirect_dma source(%dma_start3A_142 : memref<1000002x32xf32, #tpu.memory_space<hbm>>) target(%dma_start3A_136 : memref<128x32xf32, #tpu.memory_space<vmem>>) offsets(%dma_start3A_139 : memref<128xi32, #tpu.memory_space<vmem>>) semaphore(%arg10 : memref<!tpu.dma_semaphore, #tpu.memory_space<semaphore_mem>>)
    %dma_start3A_143 = arith.constant 3 : i32
    %dma_start3A_144 = arith.constant 384 : i32
    %dma_start3A_145 = arith.constant 0 : i32
    %dma_start3A_146 = tpu.memref_slice %arg6[%dma_start3A_144, %dma_start3A_145] : memref<512x32xf32, #tpu.memory_space<vmem>> -> memref<128x32xf32, #tpu.memory_space<vmem>>
    %dma_start3A_147 = arith.constant 0 : i32
    %dma_start3A_148 = tpu.memref_slice %arg5[%dma_start3A_143, %dma_start3A_147] : memref<200x128xi32, #tpu.memory_space<vmem>> -> memref<1x128xi32, #tpu.memory_space<vmem>>
    %dma_start3A_149 = tpu.memref_squeeze %dma_start3A_148 : memref<1x128xi32, #tpu.memory_space<vmem>> -> memref<128xi32, #tpu.memory_space<vmem>>
    %dma_start3A_150 = arith.constant 0 : i32
    %dma_start3A_151 = arith.constant 0 : i32
    %dma_start3A_152 = tpu.memref_slice %arg3[%dma_start3A_150, %dma_start3A_151] : memref<1000002x32xf32, #tpu.memory_space<hbm>> -> memref<1000002x32xf32, #tpu.memory_space<hbm>>
    tpu.enqueue_indirect_dma source(%dma_start3A_152 : memref<1000002x32xf32, #tpu.memory_space<hbm>>) target(%dma_start3A_146 : memref<128x32xf32, #tpu.memory_space<vmem>>) offsets(%dma_start3A_149 : memref<128xi32, #tpu.memory_space<vmem>>) semaphore(%arg10 : memref<!tpu.dma_semaphore, #tpu.memory_space<semaphore_mem>>)
    %scan3A = arith.constant 0 : i32
    %scan3A_153 = arith.constant 0 : i32
    %scan3A_154 = arith.constant 25 : i32
    %scan3A_155 = arith.addi %scan3A_153, %scan3A_154 : i32
    %scan3A_156 = arith.constant 1 : i32
    scf.for %scan3A_405 = %scan3A_153 to %scan3A_155 step %scan3A_156  : i32 {
      %mul3A_406 = arith.constant 2 : i32
      %mul3A_407 = arith.muli %mul3A_406, %scan3A_405 : i32
      %add3A_408 = arith.constant 0 : i32
      %add3A_409 = arith.addi %mul3A_407, %add3A_408 : i32
      %add3A_410 = arith.constant 1 : i32
      %add3A_411 = arith.addi %add3A_409, %add3A_410 : i32
      %lt3A_412 = arith.constant 50 : i32
      %lt3A_413 = arith.cmpi slt, %add3A_411, %lt3A_412 : i32
      %convert_element_type3A = arith.extui %lt3A_413 : i1 to i32
      %cond3A = arith.constant 0 : i32
      %cond3A_414 = arith.cmpi ne, %convert_element_type3A, %cond3A : i32
      scf.if %cond3A_414 {
        %add3A_849 = arith.constant 1 : i32
        %add3A_850 = arith.addi %add3A_409, %add3A_849 : i32
        %mul3A_851 = arith.constant 4 : i32
        %mul3A_852 = arith.muli %add3A_850, %mul3A_851 : i32
        %add3A_853 = arith.constant 0 : i32
        %add3A_854 = arith.addi %mul3A_852, %add3A_853 : i32
        %mul3A_855 = arith.constant 4 : i32
        %mul3A_856 = arith.muli %add3A_850, %mul3A_855 : i32
        %add3A_857 = arith.constant 1 : i32
        %add3A_858 = arith.addi %mul3A_856, %add3A_857 : i32
        %mul3A_859 = arith.constant 4 : i32
        %mul3A_860 = arith.muli %add3A_850, %mul3A_859 : i32
        %add3A_861 = arith.constant 2 : i32
        %add3A_862 = arith.addi %mul3A_860, %add3A_861 : i32
        %mul3A_863 = arith.constant 4 : i32
        %mul3A_864 = arith.muli %add3A_850, %mul3A_863 : i32
        %add3A_865 = arith.constant 3 : i32
        %add3A_866 = arith.addi %mul3A_864, %add3A_865 : i32
        %dma_start3A_867 = arith.constant 0 : i32
        %dma_start3A_868 = arith.constant 0 : i32
        %dma_start3A_869 = tpu.memref_slice %arg7[%dma_start3A_867, %dma_start3A_868] : memref<512x32xf32, #tpu.memory_space<vmem>> -> memref<128x32xf32, #tpu.memory_space<vmem>>
        %dma_start3A_870 = arith.constant 0 : i32
        %dma_start3A_871 = tpu.memref_slice %arg5[%add3A_854, %dma_start3A_870] : memref<200x128xi32, #tpu.memory_space<vmem>> -> memref<1x128xi32, #tpu.memory_space<vmem>>
        %dma_start3A_872 = tpu.memref_squeeze %dma_start3A_871 : memref<1x128xi32, #tpu.memory_space<vmem>> -> memref<128xi32, #tpu.memory_space<vmem>>
        %dma_start3A_873 = arith.constant 0 : i32
        %dma_start3A_874 = arith.constant 0 : i32
        %dma_start3A_875 = tpu.memref_slice %arg3[%dma_start3A_873, %dma_start3A_874] : memref<1000002x32xf32, #tpu.memory_space<hbm>> -> memref<1000002x32xf32, #tpu.memory_space<hbm>>
        tpu.enqueue_indirect_dma source(%dma_start3A_875 : memref<1000002x32xf32, #tpu.memory_space<hbm>>) target(%dma_start3A_869 : memref<128x32xf32, #tpu.memory_space<vmem>>) offsets(%dma_start3A_872 : memref<128xi32, #tpu.memory_space<vmem>>) semaphore(%arg11 : memref<!tpu.dma_semaphore, #tpu.memory_space<semaphore_mem>>)
        %dma_start3A_876 = arith.constant 128 : i32
        %dma_start3A_877 = arith.constant 0 : i32
        %dma_start3A_878 = tpu.memref_slice %arg7[%dma_start3A_876, %dma_start3A_877] : memref<512x32xf32, #tpu.memory_space<vmem>> -> memref<128x32xf32, #tpu.memory_space<vmem>>
        %dma_start3A_879 = arith.constant 0 : i32
        %dma_start3A_880 = tpu.memref_slice %arg5[%add3A_858, %dma_start3A_879] : memref<200x128xi32, #tpu.memory_space<vmem>> -> memref<1x128xi32, #tpu.memory_space<vmem>>
        %dma_start3A_881 = tpu.memref_squeeze %dma_start3A_880 : memref<1x128xi32, #tpu.memory_space<vmem>> -> memref<128xi32, #tpu.memory_space<vmem>>
        %dma_start3A_882 = arith.constant 0 : i32
        %dma_start3A_883 = arith.constant 0 : i32
        %dma_start3A_884 = tpu.memref_slice %arg3[%dma_start3A_882, %dma_start3A_883] : memref<1000002x32xf32, #tpu.memory_space<hbm>> -> memref<1000002x32xf32, #tpu.memory_space<hbm>>
        tpu.enqueue_indirect_dma source(%dma_start3A_884 : memref<1000002x32xf32, #tpu.memory_space<hbm>>) target(%dma_start3A_878 : memref<128x32xf32, #tpu.memory_space<vmem>>) offsets(%dma_start3A_881 : memref<128xi32, #tpu.memory_space<vmem>>) semaphore(%arg11 : memref<!tpu.dma_semaphore, #tpu.memory_space<semaphore_mem>>)
        %dma_start3A_885 = arith.constant 256 : i32
        %dma_start3A_886 = arith.constant 0 : i32
        %dma_start3A_887 = tpu.memref_slice %arg7[%dma_start3A_885, %dma_start3A_886] : memref<512x32xf32, #tpu.memory_space<vmem>> -> memref<128x32xf32, #tpu.memory_space<vmem>>
        %dma_start3A_888 = arith.constant 0 : i32
        %dma_start3A_889 = tpu.memref_slice %arg5[%add3A_862, %dma_start3A_888] : memref<200x128xi32, #tpu.memory_space<vmem>> -> memref<1x128xi32, #tpu.memory_space<vmem>>
        %dma_start3A_890 = tpu.memref_squeeze %dma_start3A_889 : memref<1x128xi32, #tpu.memory_space<vmem>> -> memref<128xi32, #tpu.memory_space<vmem>>
        %dma_start3A_891 = arith.constant 0 : i32
        %dma_start3A_892 = arith.constant 0 : i32
        %dma_start3A_893 = tpu.memref_slice %arg3[%dma_start3A_891, %dma_start3A_892] : memref<1000002x32xf32, #tpu.memory_space<hbm>> -> memref<1000002x32xf32, #tpu.memory_space<hbm>>
        tpu.enqueue_indirect_dma source(%dma_start3A_893 : memref<1000002x32xf32, #tpu.memory_space<hbm>>) target(%dma_start3A_887 : memref<128x32xf32, #tpu.memory_space<vmem>>) offsets(%dma_start3A_890 : memref<128xi32, #tpu.memory_space<vmem>>) semaphore(%arg11 : memref<!tpu.dma_semaphore, #tpu.memory_space<semaphore_mem>>)
        %dma_start3A_894 = arith.constant 384 : i32
        %dma_start3A_895 = arith.constant 0 : i32
        %dma_start3A_896 = tpu.memref_slice %arg7[%dma_start3A_894, %dma_start3A_895] : memref<512x32xf32, #tpu.memory_space<vmem>> -> memref<128x32xf32, #tpu.memory_space<vmem>>
        %dma_start3A_897 = arith.constant 0 : i32
        %dma_start3A_898 = tpu.memref_slice %arg5[%add3A_866, %dma_start3A_897] : memref<200x128xi32, #tpu.memory_space<vmem>> -> memref<1x128xi32, #tpu.memory_space<vmem>>
        %dma_start3A_899 = tpu.memref_squeeze %dma_start3A_898 : memref<1x128xi32, #tpu.memory_space<vmem>> -> memref<128xi32, #tpu.memory_space<vmem>>
        %dma_start3A_900 = arith.constant 0 : i32
        %dma_start3A_901 = arith.constant 0 : i32
        %dma_start3A_902 = tpu.memref_slice %arg3[%dma_start3A_900, %dma_start3A_901] : memref<1000002x32xf32, #tpu.memory_space<hbm>> -> memref<1000002x32xf32, #tpu.memory_space<hbm>>
        tpu.enqueue_indirect_dma source(%dma_start3A_902 : memref<1000002x32xf32, #tpu.memory_space<hbm>>) target(%dma_start3A_896 : memref<128x32xf32, #tpu.memory_space<vmem>>) offsets(%dma_start3A_899 : memref<128xi32, #tpu.memory_space<vmem>>) semaphore(%arg11 : memref<!tpu.dma_semaphore, #tpu.memory_space<semaphore_mem>>)
      } else {
      }
      %mul3A_415 = arith.constant 4 : i32
      %mul3A_416 = arith.muli %add3A_409, %mul3A_415 : i32
      %add3A_417 = arith.constant 0 : i32
      %add3A_418 = arith.addi %mul3A_416, %add3A_417 : i32
      %mul3A_419 = arith.constant 4 : i32
      %mul3A_420 = arith.muli %add3A_409, %mul3A_419 : i32
      %add3A_421 = arith.constant 1 : i32
      %add3A_422 = arith.addi %mul3A_420, %add3A_421 : i32
      %mul3A_423 = arith.constant 4 : i32
      %mul3A_424 = arith.muli %add3A_409, %mul3A_423 : i32
      %add3A_425 = arith.constant 2 : i32
      %add3A_426 = arith.addi %mul3A_424, %add3A_425 : i32
      %mul3A_427 = arith.constant 4 : i32
      %mul3A_428 = arith.muli %add3A_409, %mul3A_427 : i32
      %add3A_429 = arith.constant 3 : i32
      %add3A_430 = arith.addi %mul3A_428, %add3A_429 : i32
      %dma_wait3A_431 = arith.constant 0 : i32
      %dma_wait3A_432 = arith.constant 0 : i32
      %dma_wait3A_433 = tpu.memref_slice %arg6[%dma_wait3A_431, %dma_wait3A_432] : memref<512x32xf32, #tpu.memory_space<vmem>> -> memref<128x32xf32, #tpu.memory_space<vmem>>
      %dma_wait3A_434 = arith.constant 0 : i32
      %dma_wait3A_435 = tpu.memref_slice %arg5[%add3A_418, %dma_wait3A_434] : memref<200x128xi32, #tpu.memory_space<vmem>> -> memref<1x128xi32, #tpu.memory_space<vmem>>
      %dma_wait3A_436 = tpu.memref_squeeze %dma_wait3A_435 : memref<1x128xi32, #tpu.memory_space<vmem>> -> memref<128xi32, #tpu.memory_space<vmem>>
      %dma_wait3A_437 = arith.constant 0 : i32
      %dma_wait3A_438 = arith.constant 0 : i32
      %dma_wait3A_439 = tpu.memref_slice %arg3[%dma_wait3A_437, %dma_wait3A_438] : memref<1000002x32xf32, #tpu.memory_space<hbm>> -> memref<1000002x32xf32, #tpu.memory_space<hbm>>
      tpu.wait_indirect_dma semaphore(%arg10 : memref<!tpu.dma_semaphore, #tpu.memory_space<semaphore_mem>>) src(%dma_wait3A_439 : memref<1000002x32xf32, #tpu.memory_space<hbm>>) dst(%dma_wait3A_433 : memref<128x32xf32, #tpu.memory_space<vmem>>)
      %dma_wait3A_440 = arith.constant 128 : i32
      %dma_wait3A_441 = arith.constant 0 : i32
      %dma_wait3A_442 = tpu.memref_slice %arg6[%dma_wait3A_440, %dma_wait3A_441] : memref<512x32xf32, #tpu.memory_space<vmem>> -> memref<128x32xf32, #tpu.memory_space<vmem>>
      %dma_wait3A_443 = arith.constant 0 : i32
      %dma_wait3A_444 = tpu.memref_slice %arg5[%add3A_422, %dma_wait3A_443] : memref<200x128xi32, #tpu.memory_space<vmem>> -> memref<1x128xi32, #tpu.memory_space<vmem>>
      %dma_wait3A_445 = tpu.memref_squeeze %dma_wait3A_444 : memref<1x128xi32, #tpu.memory_space<vmem>> -> memref<128xi32, #tpu.memory_space<vmem>>
      %dma_wait3A_446 = arith.constant 0 : i32
      %dma_wait3A_447 = arith.constant 0 : i32
      %dma_wait3A_448 = tpu.memref_slice %arg3[%dma_wait3A_446, %dma_wait3A_447] : memref<1000002x32xf32, #tpu.memory_space<hbm>> -> memref<1000002x32xf32, #tpu.memory_space<hbm>>
      tpu.wait_indirect_dma semaphore(%arg10 : memref<!tpu.dma_semaphore, #tpu.memory_space<semaphore_mem>>) src(%dma_wait3A_448 : memref<1000002x32xf32, #tpu.memory_space<hbm>>) dst(%dma_wait3A_442 : memref<128x32xf32, #tpu.memory_space<vmem>>)
      %dma_wait3A_449 = arith.constant 256 : i32
      %dma_wait3A_450 = arith.constant 0 : i32
      %dma_wait3A_451 = tpu.memref_slice %arg6[%dma_wait3A_449, %dma_wait3A_450] : memref<512x32xf32, #tpu.memory_space<vmem>> -> memref<128x32xf32, #tpu.memory_space<vmem>>
      %dma_wait3A_452 = arith.constant 0 : i32
      %dma_wait3A_453 = tpu.memref_slice %arg5[%add3A_426, %dma_wait3A_452] : memref<200x128xi32, #tpu.memory_space<vmem>> -> memref<1x128xi32, #tpu.memory_space<vmem>>
      %dma_wait3A_454 = tpu.memref_squeeze %dma_wait3A_453 : memref<1x128xi32, #tpu.memory_space<vmem>> -> memref<128xi32, #tpu.memory_space<vmem>>
      %dma_wait3A_455 = arith.constant 0 : i32
      %dma_wait3A_456 = arith.constant 0 : i32
      %dma_wait3A_457 = tpu.memref_slice %arg3[%dma_wait3A_455, %dma_wait3A_456] : memref<1000002x32xf32, #tpu.memory_space<hbm>> -> memref<1000002x32xf32, #tpu.memory_space<hbm>>
      tpu.wait_indirect_dma semaphore(%arg10 : memref<!tpu.dma_semaphore, #tpu.memory_space<semaphore_mem>>) src(%dma_wait3A_457 : memref<1000002x32xf32, #tpu.memory_space<hbm>>) dst(%dma_wait3A_451 : memref<128x32xf32, #tpu.memory_space<vmem>>)
      %dma_wait3A_458 = arith.constant 384 : i32
      %dma_wait3A_459 = arith.constant 0 : i32
      %dma_wait3A_460 = tpu.memref_slice %arg6[%dma_wait3A_458, %dma_wait3A_459] : memref<512x32xf32, #tpu.memory_space<vmem>> -> memref<128x32xf32, #tpu.memory_space<vmem>>
      %dma_wait3A_461 = arith.constant 0 : i32
      %dma_wait3A_462 = tpu.memref_slice %arg5[%add3A_430, %dma_wait3A_461] : memref<200x128xi32, #tpu.memory_space<vmem>> -> memref<1x128xi32, #tpu.memory_space<vmem>>
      %dma_wait3A_463 = tpu.memref_squeeze %dma_wait3A_462 : memref<1x128xi32, #tpu.memory_space<vmem>> -> memref<128xi32, #tpu.memory_space<vmem>>
      %dma_wait3A_464 = arith.constant 0 : i32
      %dma_wait3A_465 = arith.constant 0 : i32
      %dma_wait3A_466 = tpu.memref_slice %arg3[%dma_wait3A_464, %dma_wait3A_465] : memref<1000002x32xf32, #tpu.memory_space<hbm>> -> memref<1000002x32xf32, #tpu.memory_space<hbm>>
      tpu.wait_indirect_dma semaphore(%arg10 : memref<!tpu.dma_semaphore, #tpu.memory_space<semaphore_mem>>) src(%dma_wait3A_466 : memref<1000002x32xf32, #tpu.memory_space<hbm>>) dst(%dma_wait3A_460 : memref<128x32xf32, #tpu.memory_space<vmem>>)
      %ge3A = arith.constant 2 : i32
      %ge3A_467 = arith.cmpi sge, %add3A_409, %ge3A : i32
      %convert_element_type3A_468 = arith.extui %ge3A_467 : i1 to i32
      %cond3A_469 = arith.constant 0 : i32
      %cond3A_470 = arith.cmpi ne, %convert_element_type3A_468, %cond3A_469 : i32
      scf.if %cond3A_470 {
        %sub3A_849 = arith.constant 2 : i32
        %sub3A_850 = arith.subi %add3A_409, %sub3A_849 : i32
        %add3A_851 = arith.addi %mul3A_4, %sub3A_850 : i32
        %jit3A_852 = arith.constant 32 : i32
        %div3A_853 = arith.divsi %add3A_851, %jit3A_852 : i32
        %sign3A_854 = arith.constant 0 : i32
        %sign3A_855 = arith.cmpi sgt, %add3A_851, %sign3A_854 : i32
        %sign3A_856 = arith.extui %sign3A_855 : i1 to i32
        %sign3A_857 = arith.constant 0 : i32
        %sign3A_858 = arith.cmpi slt, %add3A_851, %sign3A_857 : i32
        %sign3A_859 = arith.extui %sign3A_858 : i1 to i32
        %sign3A_860 = arith.subi %sign3A_856, %sign3A_859 : i32
        %sign3A_861 = arith.constant 0 : i32
        %sign3A_862 = arith.cmpi sgt, %jit3A_852, %sign3A_861 : i32
        %sign3A_863 = arith.extui %sign3A_862 : i1 to i32
        %sign3A_864 = arith.constant 0 : i32
        %sign3A_865 = arith.cmpi slt, %jit3A_852, %sign3A_864 : i32
        %sign3A_866 = arith.extui %sign3A_865 : i1 to i32
        %sign3A_867 = arith.subi %sign3A_863, %sign3A_866 : i32
        %ne3A_868 = arith.cmpi ne, %sign3A_860, %sign3A_867 : i32
        %rem3A_869 = arith.remsi %add3A_851, %jit3A_852 : i32
        %ne3A_870 = arith.constant 0 : i32
        %ne3A_871 = arith.cmpi ne, %rem3A_869, %ne3A_870 : i32
        %and3A_872 = arith.andi %ne3A_868, %ne3A_871 : i1
        %sub3A_873 = arith.constant 1 : i32
        %sub3A_874 = arith.subi %div3A_853, %sub3A_873 : i32
        %select_n3A_875 = arith.select %and3A_872, %sub3A_874, %div3A_853 : i32
        %jit3A_876 = arith.constant 32 : i32
        %eq3A_877 = arith.constant 0 : i32
        %eq3A_878 = arith.cmpi eq, %jit3A_876, %eq3A_877 : i32
        %jit3A_879 = arith.constant 1 : i32
        %select_n3A_880 = arith.select %eq3A_878, %jit3A_879, %jit3A_876 : i32
        %rem3A_881 = arith.remsi %add3A_851, %select_n3A_880 : i32
        %ne3A_882 = arith.constant 0 : i32
        %ne3A_883 = arith.cmpi ne, %rem3A_881, %ne3A_882 : i32
        %lt3A_884 = arith.constant 0 : i32
        %lt3A_885 = arith.cmpi slt, %rem3A_881, %lt3A_884 : i32
        %lt3A_886 = arith.constant 0 : i32
        %lt3A_887 = arith.cmpi slt, %select_n3A_880, %lt3A_886 : i32
        %ne3A_888 = arith.xori %lt3A_885, %lt3A_887 : i1
        %and3A_889 = arith.andi %ne3A_888, %ne3A_883 : i1
        %add3A_890 = arith.addi %rem3A_881, %select_n3A_880 : i32
        %select_n3A_891 = arith.select %and3A_889, %add3A_890, %rem3A_881 : i32
        %mul3A_892 = arith.constant 4 : i32
        %mul3A_893 = arith.muli %select_n3A_891, %mul3A_892 : i32
        %dma_wait3A_894 = arith.constant 0 : i32
        %dma_wait3A_895 = arith.constant 0 : i32
        %dma_wait3A_896 = arith.constant 0 : i32
        %dma_wait3A_897 = arith.constant 0 : i32
        %dma_wait3A_898 = arith.constant 0 : i32
        %dma_wait3A_899 = tpu.memref_slice %arg8[%dma_wait3A_894, %dma_wait3A_896, %dma_wait3A_897, %dma_wait3A_898] : memref<4x5x8x129xf32, #tpu.memory_space<vmem>> -> memref<1x4x8x128xf32, #tpu.memory_space<vmem>>
        %dma_wait3A_900 = tpu.memref_squeeze %dma_wait3A_899 : memref<1x4x8x128xf32, #tpu.memory_space<vmem>> -> memref<4x8x128xf32, #tpu.memory_space<vmem>>
        %dma_wait3A_901 = arith.constant 0 : i32
        %dma_wait3A_902 = arith.constant 0 : i32
        %dma_wait3A_903 = tpu.memref_slice %arg4[%select_n3A_875, %dma_wait3A_895, %mul3A_893, %dma_wait3A_901, %dma_wait3A_902] : memref<50x4x128x8x128xf32, #tpu.memory_space<hbm>> -> memref<1x1x4x8x128xf32, #tpu.memory_space<hbm>>
        %dma_wait3A_904 = tpu.memref_squeeze %dma_wait3A_903 : memref<1x1x4x8x128xf32, #tpu.memory_space<hbm>> -> memref<4x8x128xf32, #tpu.memory_space<hbm>>
        %dma_wait3A_905 = arith.constant 0 : i32
        %dma_wait3A_906 = arith.constant 0 : i32
        %dma_wait3A_907 = tpu.memref_slice %arg4[%select_n3A_875, %dma_wait3A_895, %mul3A_893, %dma_wait3A_905, %dma_wait3A_906] : memref<50x4x128x8x128xf32, #tpu.memory_space<hbm>> -> memref<1x1x4x8x128xf32, #tpu.memory_space<hbm>>
        %dma_wait3A_908 = tpu.memref_squeeze %dma_wait3A_907 : memref<1x1x4x8x128xf32, #tpu.memory_space<hbm>> -> memref<4x8x128xf32, #tpu.memory_space<hbm>>
        %dma_wait3A_909 = arith.constant 0 : i32
        %dma_wait3A_910 = arith.constant 0 : i32
        %dma_wait3A_911 = arith.constant 0 : i32
        %dma_wait3A_912 = tpu.memref_slice %arg8[%dma_wait3A_894, %dma_wait3A_909, %dma_wait3A_910, %dma_wait3A_911] : memref<4x5x8x129xf32, #tpu.memory_space<vmem>> -> memref<1x4x8x128xf32, #tpu.memory_space<vmem>>
        %dma_wait3A_913 = tpu.memref_squeeze %dma_wait3A_912 : memref<1x4x8x128xf32, #tpu.memory_space<vmem>> -> memref<4x8x128xf32, #tpu.memory_space<vmem>>
        tpu.wait_dma2 semaphore(%arg12 : memref<!tpu.dma_semaphore, #tpu.memory_space<semaphore_mem>>) src(%dma_wait3A_913 : memref<4x8x128xf32, #tpu.memory_space<vmem>>) dst(%dma_wait3A_908 : memref<4x8x128xf32, #tpu.memory_space<hbm>>)
        %dma_wait3A_914 = arith.constant 1 : i32
        %dma_wait3A_915 = arith.constant 1 : i32
        %dma_wait3A_916 = arith.constant 0 : i32
        %dma_wait3A_917 = arith.constant 0 : i32
        %dma_wait3A_918 = arith.constant 0 : i32
        %dma_wait3A_919 = tpu.memref_slice %arg8[%dma_wait3A_914, %dma_wait3A_916, %dma_wait3A_917, %dma_wait3A_918] : memref<4x5x8x129xf32, #tpu.memory_space<vmem>> -> memref<1x4x8x128xf32, #tpu.memory_space<vmem>>
        %dma_wait3A_920 = tpu.memref_squeeze %dma_wait3A_919 : memref<1x4x8x128xf32, #tpu.memory_space<vmem>> -> memref<4x8x128xf32, #tpu.memory_space<vmem>>
        %dma_wait3A_921 = arith.constant 0 : i32
        %dma_wait3A_922 = arith.constant 0 : i32
        %dma_wait3A_923 = tpu.memref_slice %arg4[%select_n3A_875, %dma_wait3A_915, %mul3A_893, %dma_wait3A_921, %dma_wait3A_922] : memref<50x4x128x8x128xf32, #tpu.memory_space<hbm>> -> memref<1x1x4x8x128xf32, #tpu.memory_space<hbm>>
        %dma_wait3A_924 = tpu.memref_squeeze %dma_wait3A_923 : memref<1x1x4x8x128xf32, #tpu.memory_space<hbm>> -> memref<4x8x128xf32, #tpu.memory_space<hbm>>
        %dma_wait3A_925 = arith.constant 0 : i32
        %dma_wait3A_926 = arith.constant 0 : i32
        %dma_wait3A_927 = tpu.memref_slice %arg4[%select_n3A_875, %dma_wait3A_915, %mul3A_893, %dma_wait3A_925, %dma_wait3A_926] : memref<50x4x128x8x128xf32, #tpu.memory_space<hbm>> -> memref<1x1x4x8x128xf32, #tpu.memory_space<hbm>>
        %dma_wait3A_928 = tpu.memref_squeeze %dma_wait3A_927 : memref<1x1x4x8x128xf32, #tpu.memory_space<hbm>> -> memref<4x8x128xf32, #tpu.memory_space<hbm>>
        %dma_wait3A_929 = arith.constant 0 : i32
        %dma_wait3A_930 = arith.constant 0 : i32
        %dma_wait3A_931 = arith.constant 0 : i32
        %dma_wait3A_932 = tpu.memref_slice %arg8[%dma_wait3A_914, %dma_wait3A_929, %dma_wait3A_930, %dma_wait3A_931] : memref<4x5x8x129xf32, #tpu.memory_space<vmem>> -> memref<1x4x8x128xf32, #tpu.memory_space<vmem>>
        %dma_wait3A_933 = tpu.memref_squeeze %dma_wait3A_932 : memref<1x4x8x128xf32, #tpu.memory_space<vmem>> -> memref<4x8x128xf32, #tpu.memory_space<vmem>>
        tpu.wait_dma2 semaphore(%arg12 : memref<!tpu.dma_semaphore, #tpu.memory_space<semaphore_mem>>) src(%dma_wait3A_933 : memref<4x8x128xf32, #tpu.memory_space<vmem>>) dst(%dma_wait3A_928 : memref<4x8x128xf32, #tpu.memory_space<hbm>>)
        %dma_wait3A_934 = arith.constant 2 : i32
        %dma_wait3A_935 = arith.constant 2 : i32
        %dma_wait3A_936 = arith.constant 0 : i32
        %dma_wait3A_937 = arith.constant 0 : i32
        %dma_wait3A_938 = arith.constant 0 : i32
        %dma_wait3A_939 = tpu.memref_slice %arg8[%dma_wait3A_934, %dma_wait3A_936, %dma_wait3A_937, %dma_wait3A_938] : memref<4x5x8x129xf32, #tpu.memory_space<vmem>> -> memref<1x4x8x128xf32, #tpu.memory_space<vmem>>
        %dma_wait3A_940 = tpu.memref_squeeze %dma_wait3A_939 : memref<1x4x8x128xf32, #tpu.memory_space<vmem>> -> memref<4x8x128xf32, #tpu.memory_space<vmem>>
        %dma_wait3A_941 = arith.constant 0 : i32
        %dma_wait3A_942 = arith.constant 0 : i32
        %dma_wait3A_943 = tpu.memref_slice %arg4[%select_n3A_875, %dma_wait3A_935, %mul3A_893, %dma_wait3A_941, %dma_wait3A_942] : memref<50x4x128x8x128xf32, #tpu.memory_space<hbm>> -> memref<1x1x4x8x128xf32, #tpu.memory_space<hbm>>
        %dma_wait3A_944 = tpu.memref_squeeze %dma_wait3A_943 : memref<1x1x4x8x128xf32, #tpu.memory_space<hbm>> -> memref<4x8x128xf32, #tpu.memory_space<hbm>>
        %dma_wait3A_945 = arith.constant 0 : i32
        %dma_wait3A_946 = arith.constant 0 : i32
        %dma_wait3A_947 = tpu.memref_slice %arg4[%select_n3A_875, %dma_wait3A_935, %mul3A_893, %dma_wait3A_945, %dma_wait3A_946] : memref<50x4x128x8x128xf32, #tpu.memory_space<hbm>> -> memref<1x1x4x8x128xf32, #tpu.memory_space<hbm>>
        %dma_wait3A_948 = tpu.memref_squeeze %dma_wait3A_947 : memref<1x1x4x8x128xf32, #tpu.memory_space<hbm>> -> memref<4x8x128xf32, #tpu.memory_space<hbm>>
        %dma_wait3A_949 = arith.constant 0 : i32
        %dma_wait3A_950 = arith.constant 0 : i32
        %dma_wait3A_951 = arith.constant 0 : i32
        %dma_wait3A_952 = tpu.memref_slice %arg8[%dma_wait3A_934, %dma_wait3A_949, %dma_wait3A_950, %dma_wait3A_951] : memref<4x5x8x129xf32, #tpu.memory_space<vmem>> -> memref<1x4x8x128xf32, #tpu.memory_space<vmem>>
        %dma_wait3A_953 = tpu.memref_squeeze %dma_wait3A_952 : memref<1x4x8x128xf32, #tpu.memory_space<vmem>> -> memref<4x8x128xf32, #tpu.memory_space<vmem>>
        tpu.wait_dma2 semaphore(%arg12 : memref<!tpu.dma_semaphore, #tpu.memory_space<semaphore_mem>>) src(%dma_wait3A_953 : memref<4x8x128xf32, #tpu.memory_space<vmem>>) dst(%dma_wait3A_948 : memref<4x8x128xf32, #tpu.memory_space<hbm>>)
        %dma_wait3A_954 = arith.constant 3 : i32
        %dma_wait3A_955 = arith.constant 3 : i32
        %dma_wait3A_956 = arith.constant 0 : i32
        %dma_wait3A_957 = arith.constant 0 : i32
        %dma_wait3A_958 = arith.constant 0 : i32
        %dma_wait3A_959 = tpu.memref_slice %arg8[%dma_wait3A_954, %dma_wait3A_956, %dma_wait3A_957, %dma_wait3A_958] : memref<4x5x8x129xf32, #tpu.memory_space<vmem>> -> memref<1x4x8x128xf32, #tpu.memory_space<vmem>>
        %dma_wait3A_960 = tpu.memref_squeeze %dma_wait3A_959 : memref<1x4x8x128xf32, #tpu.memory_space<vmem>> -> memref<4x8x128xf32, #tpu.memory_space<vmem>>
        %dma_wait3A_961 = arith.constant 0 : i32
        %dma_wait3A_962 = arith.constant 0 : i32
        %dma_wait3A_963 = tpu.memref_slice %arg4[%select_n3A_875, %dma_wait3A_955, %mul3A_893, %dma_wait3A_961, %dma_wait3A_962] : memref<50x4x128x8x128xf32, #tpu.memory_space<hbm>> -> memref<1x1x4x8x128xf32, #tpu.memory_space<hbm>>
        %dma_wait3A_964 = tpu.memref_squeeze %dma_wait3A_963 : memref<1x1x4x8x128xf32, #tpu.memory_space<hbm>> -> memref<4x8x128xf32, #tpu.memory_space<hbm>>
        %dma_wait3A_965 = arith.constant 0 : i32
        %dma_wait3A_966 = arith.constant 0 : i32
        %dma_wait3A_967 = tpu.memref_slice %arg4[%select_n3A_875, %dma_wait3A_955, %mul3A_893, %dma_wait3A_965, %dma_wait3A_966] : memref<50x4x128x8x128xf32, #tpu.memory_space<hbm>> -> memref<1x1x4x8x128xf32, #tpu.memory_space<hbm>>
        %dma_wait3A_968 = tpu.memref_squeeze %dma_wait3A_967 : memref<1x1x4x8x128xf32, #tpu.memory_space<hbm>> -> memref<4x8x128xf32, #tpu.memory_space<hbm>>
        %dma_wait3A_969 = arith.constant 0 : i32
        %dma_wait3A_970 = arith.constant 0 : i32
        %dma_wait3A_971 = arith.constant 0 : i32
        %dma_wait3A_972 = tpu.memref_slice %arg8[%dma_wait3A_954, %dma_wait3A_969, %dma_wait3A_970, %dma_wait3A_971] : memref<4x5x8x129xf32, #tpu.memory_space<vmem>> -> memref<1x4x8x128xf32, #tpu.memory_space<vmem>>
        %dma_wait3A_973 = tpu.memref_squeeze %dma_wait3A_972 : memref<1x4x8x128xf32, #tpu.memory_space<vmem>> -> memref<4x8x128xf32, #tpu.memory_space<vmem>>
        tpu.wait_dma2 semaphore(%arg12 : memref<!tpu.dma_semaphore, #tpu.memory_space<semaphore_mem>>) src(%dma_wait3A_973 : memref<4x8x128xf32, #tpu.memory_space<vmem>>) dst(%dma_wait3A_968 : memref<4x8x128xf32, #tpu.memory_space<hbm>>)
      } else {
      }
      %broadcast_in_dim3A_471 = arith.constant 0 : i32
      %broadcast_in_dim3A_472 = vector.broadcast %broadcast_in_dim3A_471 : i32 to vector<16xi32>
      %scan3A_473 = arith.constant 0 : i32
      %scan3A_474 = arith.constant 0 : i32
      %scan3A_475 = arith.constant 32 : i32
      %scan3A_476 = arith.addi %scan3A_474, %scan3A_475 : i32
      %scan3A_477 = arith.constant 1 : i32
      scf.for %scan3A_849 = %scan3A_474 to %scan3A_476 step %scan3A_477  : i32 {
        %mul3A_850 = arith.constant 4 : i32
        %mul3A_851 = arith.muli %mul3A_850, %scan3A_849 : i32
        %add3A_852 = arith.constant 0 : i32
        %add3A_853 = arith.addi %add3A_852, %mul3A_851 : i32
        %add3A_854 = arith.constant 0 : i32
        %add3A_855 = arith.addi %add3A_853, %add3A_854 : i32
        %get3A = arith.index_cast %add3A_855 : i32 to index
        %get3A_856 = arith.constant 0 : index
        %get3A_857 = tpu.vector_load %arg6[%get3A, %get3A_856] {strides = array<i32>} : memref<512x32xf32, #tpu.memory_space<vmem>>, vector<16xf32>,
        %mul3A_858 = arith.constant 4 : i32
        %mul3A_859 = arith.muli %mul3A_858, %scan3A_849 : i32
        %add3A_860 = arith.constant 0 : i32
        %add3A_861 = arith.addi %add3A_860, %mul3A_859 : i32
        %add3A_862 = arith.constant 0 : i32
        %add3A_863 = arith.addi %add3A_861, %add3A_862 : i32
        %get3A_864 = arith.index_cast %add3A_863 : i32 to index
        %get3A_865 = arith.constant 16 : index
        %get3A_866 = tpu.vector_load %arg6[%get3A_864, %get3A_865] {strides = array<i32>} : memref<512x32xf32, #tpu.memory_space<vmem>>, vector<16xf32>,
        %mul3A_867 = arith.constant 4 : i32
        %mul3A_868 = arith.muli %mul3A_867, %scan3A_849 : i32
        %add3A_869 = arith.constant 0 : i32
        %add3A_870 = arith.addi %add3A_869, %mul3A_868 : i32
        %add3A_871 = arith.constant 1 : i32
        %add3A_872 = arith.addi %add3A_870, %add3A_871 : i32
        %get3A_873 = arith.index_cast %add3A_872 : i32 to index
        %get3A_874 = arith.constant 0 : index
        %get3A_875 = tpu.vector_load %arg6[%get3A_873, %get3A_874] {strides = array<i32>} : memref<512x32xf32, #tpu.memory_space<vmem>>, vector<16xf32>,
        %mul3A_876 = arith.constant 4 : i32
        %mul3A_877 = arith.muli %mul3A_876, %scan3A_849 : i32
        %add3A_878 = arith.constant 0 : i32
        %add3A_879 = arith.addi %add3A_878, %mul3A_877 : i32
        %add3A_880 = arith.constant 1 : i32
        %add3A_881 = arith.addi %add3A_879, %add3A_880 : i32
        %get3A_882 = arith.index_cast %add3A_881 : i32 to index
        %get3A_883 = arith.constant 16 : index
        %get3A_884 = tpu.vector_load %arg6[%get3A_882, %get3A_883] {strides = array<i32>} : memref<512x32xf32, #tpu.memory_space<vmem>>, vector<16xf32>,
        %mul3A_885 = arith.constant 4 : i32
        %mul3A_886 = arith.muli %mul3A_885, %scan3A_849 : i32
        %add3A_887 = arith.constant 0 : i32
        %add3A_888 = arith.addi %add3A_887, %mul3A_886 : i32
        %add3A_889 = arith.constant 2 : i32
        %add3A_890 = arith.addi %add3A_888, %add3A_889 : i32
        %get3A_891 = arith.index_cast %add3A_890 : i32 to index
        %get3A_892 = arith.constant 0 : index
        %get3A_893 = tpu.vector_load %arg6[%get3A_891, %get3A_892] {strides = array<i32>} : memref<512x32xf32, #tpu.memory_space<vmem>>, vector<16xf32>,
        %mul3A_894 = arith.constant 4 : i32
        %mul3A_895 = arith.muli %mul3A_894, %scan3A_849 : i32
        %add3A_896 = arith.constant 0 : i32
        %add3A_897 = arith.addi %add3A_896, %mul3A_895 : i32
        %add3A_898 = arith.constant 2 : i32
        %add3A_899 = arith.addi %add3A_897, %add3A_898 : i32
        %get3A_900 = arith.index_cast %add3A_899 : i32 to index
        %get3A_901 = arith.constant 16 : index
        %get3A_902 = tpu.vector_load %arg6[%get3A_900, %get3A_901] {strides = array<i32>} : memref<512x32xf32, #tpu.memory_space<vmem>>, vector<16xf32>,
        %mul3A_903 = arith.constant 4 : i32
        %mul3A_904 = arith.muli %mul3A_903, %scan3A_849 : i32
        %add3A_905 = arith.constant 0 : i32
        %add3A_906 = arith.addi %add3A_905, %mul3A_904 : i32
        %add3A_907 = arith.constant 3 : i32
        %add3A_908 = arith.addi %add3A_906, %add3A_907 : i32
        %get3A_909 = arith.index_cast %add3A_908 : i32 to index
        %get3A_910 = arith.constant 0 : index
        %get3A_911 = tpu.vector_load %arg6[%get3A_909, %get3A_910] {strides = array<i32>} : memref<512x32xf32, #tpu.memory_space<vmem>>, vector<16xf32>,
        %mul3A_912 = arith.constant 4 : i32
        %mul3A_913 = arith.muli %mul3A_912, %scan3A_849 : i32
        %add3A_914 = arith.constant 0 : i32
        %add3A_915 = arith.addi %add3A_914, %mul3A_913 : i32
        %add3A_916 = arith.constant 3 : i32
        %add3A_917 = arith.addi %add3A_915, %add3A_916 : i32
        %get3A_918 = arith.index_cast %add3A_917 : i32 to index
        %get3A_919 = arith.constant 16 : index
        %get3A_920 = tpu.vector_load %arg6[%get3A_918, %get3A_919] {strides = array<i32>} : memref<512x32xf32, #tpu.memory_space<vmem>>, vector<16xf32>,
        %mul3A_921 = arith.constant 4 : i32
        %mul3A_922 = arith.muli %mul3A_921, %scan3A_849 : i32
        %add3A_923 = arith.constant 0 : i32
        %add3A_924 = arith.addi %mul3A_922, %add3A_923 : i32
        %add3A_925 = vector.broadcast %add3A_924 : i32 to vector<16xi32>
        %add3A_926 = arith.addi %broadcast_in_dim3A_5, %add3A_925 : vector<16xi32>
        tpu.vector_store_idx %arg8[%select_n3A, %broadcast_in_dim3A_472, %select_n3A_88, %add3A_926], %get3A_857 : memref<4x5x8x129xf32, #tpu.memory_space<vmem>>[vector<16xi32>, vector<16xi32>, vector<16xi32>, vector<16xi32>], vector<16xf32>,
        tpu.vector_store_idx %arg8[%select_n3A_65, %broadcast_in_dim3A_472, %select_n3A_113, %add3A_926], %get3A_866 : memref<4x5x8x129xf32, #tpu.memory_space<vmem>>[vector<16xi32>, vector<16xi32>, vector<16xi32>, vector<16xi32>], vector<16xf32>,
        %mul3A_927 = arith.constant 4 : i32
        %mul3A_928 = arith.muli %mul3A_927, %scan3A_849 : i32
        %add3A_929 = arith.constant 1 : i32
        %add3A_930 = arith.addi %mul3A_928, %add3A_929 : i32
        %add3A_931 = vector.broadcast %add3A_930 : i32 to vector<16xi32>
        %add3A_932 = arith.addi %broadcast_in_dim3A_5, %add3A_931 : vector<16xi32>
        tpu.vector_store_idx %arg8[%select_n3A, %broadcast_in_dim3A_472, %select_n3A_88, %add3A_932], %get3A_875 : memref<4x5x8x129xf32, #tpu.memory_space<vmem>>[vector<16xi32>, vector<16xi32>, vector<16xi32>, vector<16xi32>], vector<16xf32>,
        tpu.vector_store_idx %arg8[%select_n3A_65, %broadcast_in_dim3A_472, %select_n3A_113, %add3A_932], %get3A_884 : memref<4x5x8x129xf32, #tpu.memory_space<vmem>>[vector<16xi32>, vector<16xi32>, vector<16xi32>, vector<16xi32>], vector<16xf32>,
        %mul3A_933 = arith.constant 4 : i32
        %mul3A_934 = arith.muli %mul3A_933, %scan3A_849 : i32
        %add3A_935 = arith.constant 2 : i32
        %add3A_936 = arith.addi %mul3A_934, %add3A_935 : i32
        %add3A_937 = vector.broadcast %add3A_936 : i32 to vector<16xi32>
        %add3A_938 = arith.addi %broadcast_in_dim3A_5, %add3A_937 : vector<16xi32>
        tpu.vector_store_idx %arg8[%select_n3A, %broadcast_in_dim3A_472, %select_n3A_88, %add3A_938], %get3A_893 : memref<4x5x8x129xf32, #tpu.memory_space<vmem>>[vector<16xi32>, vector<16xi32>, vector<16xi32>, vector<16xi32>], vector<16xf32>,
        tpu.vector_store_idx %arg8[%select_n3A_65, %broadcast_in_dim3A_472, %select_n3A_113, %add3A_938], %get3A_902 : memref<4x5x8x129xf32, #tpu.memory_space<vmem>>[vector<16xi32>, vector<16xi32>, vector<16xi32>, vector<16xi32>], vector<16xf32>,
        %mul3A_939 = arith.constant 4 : i32
        %mul3A_940 = arith.muli %mul3A_939, %scan3A_849 : i32
        %add3A_941 = arith.constant 3 : i32
        %add3A_942 = arith.addi %mul3A_940, %add3A_941 : i32
        %add3A_943 = vector.broadcast %add3A_942 : i32 to vector<16xi32>
        %add3A_944 = arith.addi %broadcast_in_dim3A_5, %add3A_943 : vector<16xi32>
        tpu.vector_store_idx %arg8[%select_n3A, %broadcast_in_dim3A_472, %select_n3A_88, %add3A_944], %get3A_911 : memref<4x5x8x129xf32, #tpu.memory_space<vmem>>[vector<16xi32>, vector<16xi32>, vector<16xi32>, vector<16xi32>], vector<16xf32>,
        tpu.vector_store_idx %arg8[%select_n3A_65, %broadcast_in_dim3A_472, %select_n3A_113, %add3A_944], %get3A_920 : memref<4x5x8x129xf32, #tpu.memory_space<vmem>>[vector<16xi32>, vector<16xi32>, vector<16xi32>, vector<16xi32>], vector<16xf32>,
      }
      %scan3A_478 = arith.constant 32 : i32
      %broadcast_in_dim3A_479 = arith.constant 1 : i32
      %broadcast_in_dim3A_480 = vector.broadcast %broadcast_in_dim3A_479 : i32 to vector<16xi32>
      %scan3A_481 = arith.constant 0 : i32
      %scan3A_482 = arith.constant 0 : i32
      %scan3A_483 = arith.constant 32 : i32
      %scan3A_484 = arith.addi %scan3A_482, %scan3A_483 : i32
      %scan3A_485 = arith.constant 1 : i32
      scf.for %scan3A_849 = %scan3A_482 to %scan3A_484 step %scan3A_485  : i32 {
        %mul3A_850 = arith.constant 4 : i32
        %mul3A_851 = arith.muli %mul3A_850, %scan3A_849 : i32
        %add3A_852 = arith.constant 128 : i32
        %add3A_853 = arith.addi %add3A_852, %mul3A_851 : i32
        %add3A_854 = arith.constant 0 : i32
        %add3A_855 = arith.addi %add3A_853, %add3A_854 : i32
        %get3A = arith.index_cast %add3A_855 : i32 to index
        %get3A_856 = arith.constant 0 : index
        %get3A_857 = tpu.vector_load %arg6[%get3A, %get3A_856] {strides = array<i32>} : memref<512x32xf32, #tpu.memory_space<vmem>>, vector<16xf32>,
        %mul3A_858 = arith.constant 4 : i32
        %mul3A_859 = arith.muli %mul3A_858, %scan3A_849 : i32
        %add3A_860 = arith.constant 128 : i32
        %add3A_861 = arith.addi %add3A_860, %mul3A_859 : i32
        %add3A_862 = arith.constant 0 : i32
        %add3A_863 = arith.addi %add3A_861, %add3A_862 : i32
        %get3A_864 = arith.index_cast %add3A_863 : i32 to index
        %get3A_865 = arith.constant 16 : index
        %get3A_866 = tpu.vector_load %arg6[%get3A_864, %get3A_865] {strides = array<i32>} : memref<512x32xf32, #tpu.memory_space<vmem>>, vector<16xf32>,
        %mul3A_867 = arith.constant 4 : i32
        %mul3A_868 = arith.muli %mul3A_867, %scan3A_849 : i32
        %add3A_869 = arith.constant 128 : i32
        %add3A_870 = arith.addi %add3A_869, %mul3A_868 : i32
        %add3A_871 = arith.constant 1 : i32
        %add3A_872 = arith.addi %add3A_870, %add3A_871 : i32
        %get3A_873 = arith.index_cast %add3A_872 : i32 to index
        %get3A_874 = arith.constant 0 : index
        %get3A_875 = tpu.vector_load %arg6[%get3A_873, %get3A_874] {strides = array<i32>} : memref<512x32xf32, #tpu.memory_space<vmem>>, vector<16xf32>,
        %mul3A_876 = arith.constant 4 : i32
        %mul3A_877 = arith.muli %mul3A_876, %scan3A_849 : i32
        %add3A_878 = arith.constant 128 : i32
        %add3A_879 = arith.addi %add3A_878, %mul3A_877 : i32
        %add3A_880 = arith.constant 1 : i32
        %add3A_881 = arith.addi %add3A_879, %add3A_880 : i32
        %get3A_882 = arith.index_cast %add3A_881 : i32 to index
        %get3A_883 = arith.constant 16 : index
        %get3A_884 = tpu.vector_load %arg6[%get3A_882, %get3A_883] {strides = array<i32>} : memref<512x32xf32, #tpu.memory_space<vmem>>, vector<16xf32>,
        %mul3A_885 = arith.constant 4 : i32
        %mul3A_886 = arith.muli %mul3A_885, %scan3A_849 : i32
        %add3A_887 = arith.constant 128 : i32
        %add3A_888 = arith.addi %add3A_887, %mul3A_886 : i32
        %add3A_889 = arith.constant 2 : i32
        %add3A_890 = arith.addi %add3A_888, %add3A_889 : i32
        %get3A_891 = arith.index_cast %add3A_890 : i32 to index
        %get3A_892 = arith.constant 0 : index
        %get3A_893 = tpu.vector_load %arg6[%get3A_891, %get3A_892] {strides = array<i32>} : memref<512x32xf32, #tpu.memory_space<vmem>>, vector<16xf32>,
        %mul3A_894 = arith.constant 4 : i32
        %mul3A_895 = arith.muli %mul3A_894, %scan3A_849 : i32
        %add3A_896 = arith.constant 128 : i32
        %add3A_897 = arith.addi %add3A_896, %mul3A_895 : i32
        %add3A_898 = arith.constant 2 : i32
        %add3A_899 = arith.addi %add3A_897, %add3A_898 : i32
        %get3A_900 = arith.index_cast %add3A_899 : i32 to index
        %get3A_901 = arith.constant 16 : index
        %get3A_902 = tpu.vector_load %arg6[%get3A_900, %get3A_901] {strides = array<i32>} : memref<512x32xf32, #tpu.memory_space<vmem>>, vector<16xf32>,
        %mul3A_903 = arith.constant 4 : i32
        %mul3A_904 = arith.muli %mul3A_903, %scan3A_849 : i32
        %add3A_905 = arith.constant 128 : i32
        %add3A_906 = arith.addi %add3A_905, %mul3A_904 : i32
        %add3A_907 = arith.constant 3 : i32
        %add3A_908 = arith.addi %add3A_906, %add3A_907 : i32
        %get3A_909 = arith.index_cast %add3A_908 : i32 to index
        %get3A_910 = arith.constant 0 : index
        %get3A_911 = tpu.vector_load %arg6[%get3A_909, %get3A_910] {strides = array<i32>} : memref<512x32xf32, #tpu.memory_space<vmem>>, vector<16xf32>,
        %mul3A_912 = arith.constant 4 : i32
        %mul3A_913 = arith.muli %mul3A_912, %scan3A_849 : i32
        %add3A_914 = arith.constant 128 : i32
        %add3A_915 = arith.addi %add3A_914, %mul3A_913 : i32
        %add3A_916 = arith.constant 3 : i32
        %add3A_917 = arith.addi %add3A_915, %add3A_916 : i32
        %get3A_918 = arith.index_cast %add3A_917 : i32 to index
        %get3A_919 = arith.constant 16 : index
        %get3A_920 = tpu.vector_load %arg6[%get3A_918, %get3A_919] {strides = array<i32>} : memref<512x32xf32, #tpu.memory_space<vmem>>, vector<16xf32>,
        %mul3A_921 = arith.constant 4 : i32
        %mul3A_922 = arith.muli %mul3A_921, %scan3A_849 : i32
        %add3A_923 = arith.constant 0 : i32
        %add3A_924 = arith.addi %mul3A_922, %add3A_923 : i32
        %add3A_925 = vector.broadcast %add3A_924 : i32 to vector<16xi32>
        %add3A_926 = arith.addi %broadcast_in_dim3A_5, %add3A_925 : vector<16xi32>
        tpu.vector_store_idx %arg8[%select_n3A, %broadcast_in_dim3A_480, %select_n3A_88, %add3A_926], %get3A_857 : memref<4x5x8x129xf32, #tpu.memory_space<vmem>>[vector<16xi32>, vector<16xi32>, vector<16xi32>, vector<16xi32>], vector<16xf32>,
        tpu.vector_store_idx %arg8[%select_n3A_65, %broadcast_in_dim3A_480, %select_n3A_113, %add3A_926], %get3A_866 : memref<4x5x8x129xf32, #tpu.memory_space<vmem>>[vector<16xi32>, vector<16xi32>, vector<16xi32>, vector<16xi32>], vector<16xf32>,
        %mul3A_927 = arith.constant 4 : i32
        %mul3A_928 = arith.muli %mul3A_927, %scan3A_849 : i32
        %add3A_929 = arith.constant 1 : i32
        %add3A_930 = arith.addi %mul3A_928, %add3A_929 : i32
        %add3A_931 = vector.broadcast %add3A_930 : i32 to vector<16xi32>
        %add3A_932 = arith.addi %broadcast_in_dim3A_5, %add3A_931 : vector<16xi32>
        tpu.vector_store_idx %arg8[%select_n3A, %broadcast_in_dim3A_480, %select_n3A_88, %add3A_932], %get3A_875 : memref<4x5x8x129xf32, #tpu.memory_space<vmem>>[vector<16xi32>, vector<16xi32>, vector<16xi32>, vector<16xi32>], vector<16xf32>,
        tpu.vector_store_idx %arg8[%select_n3A_65, %broadcast_in_dim3A_480, %select_n3A_113, %add3A_932], %get3A_884 : memref<4x5x8x129xf32, #tpu.memory_space<vmem>>[vector<16xi32>, vector<16xi32>, vector<16xi32>, vector<16xi32>], vector<16xf32>,
        %mul3A_933 = arith.constant 4 : i32
        %mul3A_934 = arith.muli %mul3A_933, %scan3A_849 : i32
        %add3A_935 = arith.constant 2 : i32
        %add3A_936 = arith.addi %mul3A_934, %add3A_935 : i32
        %add3A_937 = vector.broadcast %add3A_936 : i32 to vector<16xi32>
        %add3A_938 = arith.addi %broadcast_in_dim3A_5, %add3A_937 : vector<16xi32>
        tpu.vector_store_idx %arg8[%select_n3A, %broadcast_in_dim3A_480, %select_n3A_88, %add3A_938], %get3A_893 : memref<4x5x8x129xf32, #tpu.memory_space<vmem>>[vector<16xi32>, vector<16xi32>, vector<16xi32>, vector<16xi32>], vector<16xf32>,
        tpu.vector_store_idx %arg8[%select_n3A_65, %broadcast_in_dim3A_480, %select_n3A_113, %add3A_938], %get3A_902 : memref<4x5x8x129xf32, #tpu.memory_space<vmem>>[vector<16xi32>, vector<16xi32>, vector<16xi32>, vector<16xi32>], vector<16xf32>,
        %mul3A_939 = arith.constant 4 : i32
        %mul3A_940 = arith.muli %mul3A_939, %scan3A_849 : i32
        %add3A_941 = arith.constant 3 : i32
        %add3A_942 = arith.addi %mul3A_940, %add3A_941 : i32
        %add3A_943 = vector.broadcast %add3A_942 : i32 to vector<16xi32>
        %add3A_944 = arith.addi %broadcast_in_dim3A_5, %add3A_943 : vector<16xi32>
        tpu.vector_store_idx %arg8[%select_n3A, %broadcast_in_dim3A_480, %select_n3A_88, %add3A_944], %get3A_911 : memref<4x5x8x129xf32, #tpu.memory_space<vmem>>[vector<16xi32>, vector<16xi32>, vector<16xi32>, vector<16xi32>], vector<16xf32>,
        tpu.vector_store_idx %arg8[%select_n3A_65, %broadcast_in_dim3A_480, %select_n3A_113, %add3A_944], %get3A_920 : memref<4x5x8x129xf32, #tpu.memory_space<vmem>>[vector<16xi32>, vector<16xi32>, vector<16xi32>, vector<16xi32>], vector<16xf32>,
      }
      %scan3A_486 = arith.constant 32 : i32
      %broadcast_in_dim3A_487 = arith.constant 2 : i32
      %broadcast_in_dim3A_488 = vector.broadcast %broadcast_in_dim3A_487 : i32 to vector<16xi32>
      %scan3A_489 = arith.constant 0 : i32
      %scan3A_490 = arith.constant 0 : i32
      %scan3A_491 = arith.constant 32 : i32
      %scan3A_492 = arith.addi %scan3A_490, %scan3A_491 : i32
      %scan3A_493 = arith.constant 1 : i32
      scf.for %scan3A_849 = %scan3A_490 to %scan3A_492 step %scan3A_493  : i32 {
        %mul3A_850 = arith.constant 4 : i32
        %mul3A_851 = arith.muli %mul3A_850, %scan3A_849 : i32
        %add3A_852 = arith.constant 256 : i32
        %add3A_853 = arith.addi %add3A_852, %mul3A_851 : i32
        %add3A_854 = arith.constant 0 : i32
        %add3A_855 = arith.addi %add3A_853, %add3A_854 : i32
        %get3A = arith.index_cast %add3A_855 : i32 to index
        %get3A_856 = arith.constant 0 : index
        %get3A_857 = tpu.vector_load %arg6[%get3A, %get3A_856] {strides = array<i32>} : memref<512x32xf32, #tpu.memory_space<vmem>>, vector<16xf32>,
        %mul3A_858 = arith.constant 4 : i32
        %mul3A_859 = arith.muli %mul3A_858, %scan3A_849 : i32
        %add3A_860 = arith.constant 256 : i32
        %add3A_861 = arith.addi %add3A_860, %mul3A_859 : i32
        %add3A_862 = arith.constant 0 : i32
        %add3A_863 = arith.addi %add3A_861, %add3A_862 : i32
        %get3A_864 = arith.index_cast %add3A_863 : i32 to index
        %get3A_865 = arith.constant 16 : index
        %get3A_866 = tpu.vector_load %arg6[%get3A_864, %get3A_865] {strides = array<i32>} : memref<512x32xf32, #tpu.memory_space<vmem>>, vector<16xf32>,
        %mul3A_867 = arith.constant 4 : i32
        %mul3A_868 = arith.muli %mul3A_867, %scan3A_849 : i32
        %add3A_869 = arith.constant 256 : i32
        %add3A_870 = arith.addi %add3A_869, %mul3A_868 : i32
        %add3A_871 = arith.constant 1 : i32
        %add3A_872 = arith.addi %add3A_870, %add3A_871 : i32
        %get3A_873 = arith.index_cast %add3A_872 : i32 to index
        %get3A_874 = arith.constant 0 : index
        %get3A_875 = tpu.vector_load %arg6[%get3A_873, %get3A_874] {strides = array<i32>} : memref<512x32xf32, #tpu.memory_space<vmem>>, vector<16xf32>,
        %mul3A_876 = arith.constant 4 : i32
        %mul3A_877 = arith.muli %mul3A_876, %scan3A_849 : i32
        %add3A_878 = arith.constant 256 : i32
        %add3A_879 = arith.addi %add3A_878, %mul3A_877 : i32
        %add3A_880 = arith.constant 1 : i32
        %add3A_881 = arith.addi %add3A_879, %add3A_880 : i32
        %get3A_882 = arith.index_cast %add3A_881 : i32 to index
        %get3A_883 = arith.constant 16 : index
        %get3A_884 = tpu.vector_load %arg6[%get3A_882, %get3A_883] {strides = array<i32>} : memref<512x32xf32, #tpu.memory_space<vmem>>, vector<16xf32>,
        %mul3A_885 = arith.constant 4 : i32
        %mul3A_886 = arith.muli %mul3A_885, %scan3A_849 : i32
        %add3A_887 = arith.constant 256 : i32
        %add3A_888 = arith.addi %add3A_887, %mul3A_886 : i32
        %add3A_889 = arith.constant 2 : i32
        %add3A_890 = arith.addi %add3A_888, %add3A_889 : i32
        %get3A_891 = arith.index_cast %add3A_890 : i32 to index
        %get3A_892 = arith.constant 0 : index
        %get3A_893 = tpu.vector_load %arg6[%get3A_891, %get3A_892] {strides = array<i32>} : memref<512x32xf32, #tpu.memory_space<vmem>>, vector<16xf32>,
        %mul3A_894 = arith.constant 4 : i32
        %mul3A_895 = arith.muli %mul3A_894, %scan3A_849 : i32
        %add3A_896 = arith.constant 256 : i32
        %add3A_897 = arith.addi %add3A_896, %mul3A_895 : i32
        %add3A_898 = arith.constant 2 : i32
        %add3A_899 = arith.addi %add3A_897, %add3A_898 : i32
        %get3A_900 = arith.index_cast %add3A_899 : i32 to index
        %get3A_901 = arith.constant 16 : index
        %get3A_902 = tpu.vector_load %arg6[%get3A_900, %get3A_901] {strides = array<i32>} : memref<512x32xf32, #tpu.memory_space<vmem>>, vector<16xf32>,
        %mul3A_903 = arith.constant 4 : i32
        %mul3A_904 = arith.muli %mul3A_903, %scan3A_849 : i32
        %add3A_905 = arith.constant 256 : i32
        %add3A_906 = arith.addi %add3A_905, %mul3A_904 : i32
        %add3A_907 = arith.constant 3 : i32
        %add3A_908 = arith.addi %add3A_906, %add3A_907 : i32
        %get3A_909 = arith.index_cast %add3A_908 : i32 to index
        %get3A_910 = arith.constant 0 : index
        %get3A_911 = tpu.vector_load %arg6[%get3A_909, %get3A_910] {strides = array<i32>} : memref<512x32xf32, #tpu.memory_space<vmem>>, vector<16xf32>,
        %mul3A_912 = arith.constant 4 : i32
        %mul3A_913 = arith.muli %mul3A_912, %scan3A_849 : i32
        %add3A_914 = arith.constant 256 : i32
        %add3A_915 = arith.addi %add3A_914, %mul3A_913 : i32
        %add3A_916 = arith.constant 3 : i32
        %add3A_917 = arith.addi %add3A_915, %add3A_916 : i32
        %get3A_918 = arith.index_cast %add3A_917 : i32 to index
        %get3A_919 = arith.constant 16 : index
        %get3A_920 = tpu.vector_load %arg6[%get3A_918, %get3A_919] {strides = array<i32>} : memref<512x32xf32, #tpu.memory_space<vmem>>, vector<16xf32>,
        %mul3A_921 = arith.constant 4 : i32
        %mul3A_922 = arith.muli %mul3A_921, %scan3A_849 : i32
        %add3A_923 = arith.constant 0 : i32
        %add3A_924 = arith.addi %mul3A_922, %add3A_923 : i32
        %add3A_925 = vector.broadcast %add3A_924 : i32 to vector<16xi32>
        %add3A_926 = arith.addi %broadcast_in_dim3A_5, %add3A_925 : vector<16xi32>
        tpu.vector_store_idx %arg8[%select_n3A, %broadcast_in_dim3A_488, %select_n3A_88, %add3A_926], %get3A_857 : memref<4x5x8x129xf32, #tpu.memory_space<vmem>>[vector<16xi32>, vector<16xi32>, vector<16xi32>, vector<16xi32>], vector<16xf32>,
        tpu.vector_store_idx %arg8[%select_n3A_65, %broadcast_in_dim3A_488, %select_n3A_113, %add3A_926], %get3A_866 : memref<4x5x8x129xf32, #tpu.memory_space<vmem>>[vector<16xi32>, vector<16xi32>, vector<16xi32>, vector<16xi32>], vector<16xf32>,
        %mul3A_927 = arith.constant 4 : i32
        %mul3A_928 = arith.muli %mul3A_927, %scan3A_849 : i32
        %add3A_929 = arith.constant 1 : i32
        %add3A_930 = arith.addi %mul3A_928, %add3A_929 : i32
        %add3A_931 = vector.broadcast %add3A_930 : i32 to vector<16xi32>
        %add3A_932 = arith.addi %broadcast_in_dim3A_5, %add3A_931 : vector<16xi32>
        tpu.vector_store_idx %arg8[%select_n3A, %broadcast_in_dim3A_488, %select_n3A_88, %add3A_932], %get3A_875 : memref<4x5x8x129xf32, #tpu.memory_space<vmem>>[vector<16xi32>, vector<16xi32>, vector<16xi32>, vector<16xi32>], vector<16xf32>,
        tpu.vector_store_idx %arg8[%select_n3A_65, %broadcast_in_dim3A_488, %select_n3A_113, %add3A_932], %get3A_884 : memref<4x5x8x129xf32, #tpu.memory_space<vmem>>[vector<16xi32>, vector<16xi32>, vector<16xi32>, vector<16xi32>], vector<16xf32>,
        %mul3A_933 = arith.constant 4 : i32
        %mul3A_934 = arith.muli %mul3A_933, %scan3A_849 : i32
        %add3A_935 = arith.constant 2 : i32
        %add3A_936 = arith.addi %mul3A_934, %add3A_935 : i32
        %add3A_937 = vector.broadcast %add3A_936 : i32 to vector<16xi32>
        %add3A_938 = arith.addi %broadcast_in_dim3A_5, %add3A_937 : vector<16xi32>
        tpu.vector_store_idx %arg8[%select_n3A, %broadcast_in_dim3A_488, %select_n3A_88, %add3A_938], %get3A_893 : memref<4x5x8x129xf32, #tpu.memory_space<vmem>>[vector<16xi32>, vector<16xi32>, vector<16xi32>, vector<16xi32>], vector<16xf32>,
        tpu.vector_store_idx %arg8[%select_n3A_65, %broadcast_in_dim3A_488, %select_n3A_113, %add3A_938], %get3A_902 : memref<4x5x8x129xf32, #tpu.memory_space<vmem>>[vector<16xi32>, vector<16xi32>, vector<16xi32>, vector<16xi32>], vector<16xf32>,
        %mul3A_939 = arith.constant 4 : i32
        %mul3A_940 = arith.muli %mul3A_939, %scan3A_849 : i32
        %add3A_941 = arith.constant 3 : i32
        %add3A_942 = arith.addi %mul3A_940, %add3A_941 : i32
        %add3A_943 = vector.broadcast %add3A_942 : i32 to vector<16xi32>
        %add3A_944 = arith.addi %broadcast_in_dim3A_5, %add3A_943 : vector<16xi32>
        tpu.vector_store_idx %arg8[%select_n3A, %broadcast_in_dim3A_488, %select_n3A_88, %add3A_944], %get3A_911 : memref<4x5x8x129xf32, #tpu.memory_space<vmem>>[vector<16xi32>, vector<16xi32>, vector<16xi32>, vector<16xi32>], vector<16xf32>,
        tpu.vector_store_idx %arg8[%select_n3A_65, %broadcast_in_dim3A_488, %select_n3A_113, %add3A_944], %get3A_920 : memref<4x5x8x129xf32, #tpu.memory_space<vmem>>[vector<16xi32>, vector<16xi32>, vector<16xi32>, vector<16xi32>], vector<16xf32>,
      }
      %scan3A_494 = arith.constant 32 : i32
      %broadcast_in_dim3A_495 = arith.constant 3 : i32
      %broadcast_in_dim3A_496 = vector.broadcast %broadcast_in_dim3A_495 : i32 to vector<16xi32>
      %scan3A_497 = arith.constant 0 : i32
      %scan3A_498 = arith.constant 0 : i32
      %scan3A_499 = arith.constant 32 : i32
      %scan3A_500 = arith.addi %scan3A_498, %scan3A_499 : i32
      %scan3A_501 = arith.constant 1 : i32
      scf.for %scan3A_849 = %scan3A_498 to %scan3A_500 step %scan3A_501  : i32 {
        %mul3A_850 = arith.constant 4 : i32
        %mul3A_851 = arith.muli %mul3A_850, %scan3A_849 : i32
        %add3A_852 = arith.constant 384 : i32
        %add3A_853 = arith.addi %add3A_852, %mul3A_851 : i32
        %add3A_854 = arith.constant 0 : i32
        %add3A_855 = arith.addi %add3A_853, %add3A_854 : i32
        %get3A = arith.index_cast %add3A_855 : i32 to index
        %get3A_856 = arith.constant 0 : index
        %get3A_857 = tpu.vector_load %arg6[%get3A, %get3A_856] {strides = array<i32>} : memref<512x32xf32, #tpu.memory_space<vmem>>, vector<16xf32>,
        %mul3A_858 = arith.constant 4 : i32
        %mul3A_859 = arith.muli %mul3A_858, %scan3A_849 : i32
        %add3A_860 = arith.constant 384 : i32
        %add3A_861 = arith.addi %add3A_860, %mul3A_859 : i32
        %add3A_862 = arith.constant 0 : i32
        %add3A_863 = arith.addi %add3A_861, %add3A_862 : i32
        %get3A_864 = arith.index_cast %add3A_863 : i32 to index
        %get3A_865 = arith.constant 16 : index
        %get3A_866 = tpu.vector_load %arg6[%get3A_864, %get3A_865] {strides = array<i32>} : memref<512x32xf32, #tpu.memory_space<vmem>>, vector<16xf32>,
        %mul3A_867 = arith.constant 4 : i32
        %mul3A_868 = arith.muli %mul3A_867, %scan3A_849 : i32
        %add3A_869 = arith.constant 384 : i32
        %add3A_870 = arith.addi %add3A_869, %mul3A_868 : i32
        %add3A_871 = arith.constant 1 : i32
        %add3A_872 = arith.addi %add3A_870, %add3A_871 : i32
        %get3A_873 = arith.index_cast %add3A_872 : i32 to index
        %get3A_874 = arith.constant 0 : index
        %get3A_875 = tpu.vector_load %arg6[%get3A_873, %get3A_874] {strides = array<i32>} : memref<512x32xf32, #tpu.memory_space<vmem>>, vector<16xf32>,
        %mul3A_876 = arith.constant 4 : i32
        %mul3A_877 = arith.muli %mul3A_876, %scan3A_849 : i32
        %add3A_878 = arith.constant 384 : i32
        %add3A_879 = arith.addi %add3A_878, %mul3A_877 : i32
        %add3A_880 = arith.constant 1 : i32
        %add3A_881 = arith.addi %add3A_879, %add3A_880 : i32
        %get3A_882 = arith.index_cast %add3A_881 : i32 to index
        %get3A_883 = arith.constant 16 : index
        %get3A_884 = tpu.vector_load %arg6[%get3A_882, %get3A_883] {strides = array<i32>} : memref<512x32xf32, #tpu.memory_space<vmem>>, vector<16xf32>,
        %mul3A_885 = arith.constant 4 : i32
        %mul3A_886 = arith.muli %mul3A_885, %scan3A_849 : i32
        %add3A_887 = arith.constant 384 : i32
        %add3A_888 = arith.addi %add3A_887, %mul3A_886 : i32
        %add3A_889 = arith.constant 2 : i32
        %add3A_890 = arith.addi %add3A_888, %add3A_889 : i32
        %get3A_891 = arith.index_cast %add3A_890 : i32 to index
        %get3A_892 = arith.constant 0 : index
        %get3A_893 = tpu.vector_load %arg6[%get3A_891, %get3A_892] {strides = array<i32>} : memref<512x32xf32, #tpu.memory_space<vmem>>, vector<16xf32>,
        %mul3A_894 = arith.constant 4 : i32
        %mul3A_895 = arith.muli %mul3A_894, %scan3A_849 : i32
        %add3A_896 = arith.constant 384 : i32
        %add3A_897 = arith.addi %add3A_896, %mul3A_895 : i32
        %add3A_898 = arith.constant 2 : i32
        %add3A_899 = arith.addi %add3A_897, %add3A_898 : i32
        %get3A_900 = arith.index_cast %add3A_899 : i32 to index
        %get3A_901 = arith.constant 16 : index
        %get3A_902 = tpu.vector_load %arg6[%get3A_900, %get3A_901] {strides = array<i32>} : memref<512x32xf32, #tpu.memory_space<vmem>>, vector<16xf32>,
        %mul3A_903 = arith.constant 4 : i32
        %mul3A_904 = arith.muli %mul3A_903, %scan3A_849 : i32
        %add3A_905 = arith.constant 384 : i32
        %add3A_906 = arith.addi %add3A_905, %mul3A_904 : i32
        %add3A_907 = arith.constant 3 : i32
        %add3A_908 = arith.addi %add3A_906, %add3A_907 : i32
        %get3A_909 = arith.index_cast %add3A_908 : i32 to index
        %get3A_910 = arith.constant 0 : index
        %get3A_911 = tpu.vector_load %arg6[%get3A_909, %get3A_910] {strides = array<i32>} : memref<512x32xf32, #tpu.memory_space<vmem>>, vector<16xf32>,
        %mul3A_912 = arith.constant 4 : i32
        %mul3A_913 = arith.muli %mul3A_912, %scan3A_849 : i32
        %add3A_914 = arith.constant 384 : i32
        %add3A_915 = arith.addi %add3A_914, %mul3A_913 : i32
        %add3A_916 = arith.constant 3 : i32
        %add3A_917 = arith.addi %add3A_915, %add3A_916 : i32
        %get3A_918 = arith.index_cast %add3A_917 : i32 to index
        %get3A_919 = arith.constant 16 : index
        %get3A_920 = tpu.vector_load %arg6[%get3A_918, %get3A_919] {strides = array<i32>} : memref<512x32xf32, #tpu.memory_space<vmem>>, vector<16xf32>,
        %mul3A_921 = arith.constant 4 : i32
        %mul3A_922 = arith.muli %mul3A_921, %scan3A_849 : i32
        %add3A_923 = arith.constant 0 : i32
        %add3A_924 = arith.addi %mul3A_922, %add3A_923 : i32
        %add3A_925 = vector.broadcast %add3A_924 : i32 to vector<16xi32>
        %add3A_926 = arith.addi %broadcast_in_dim3A_5, %add3A_925 : vector<16xi32>
        tpu.vector_store_idx %arg8[%select_n3A, %broadcast_in_dim3A_496, %select_n3A_88, %add3A_926], %get3A_857 : memref<4x5x8x129xf32, #tpu.memory_space<vmem>>[vector<16xi32>, vector<16xi32>, vector<16xi32>, vector<16xi32>], vector<16xf32>,
        tpu.vector_store_idx %arg8[%select_n3A_65, %broadcast_in_dim3A_496, %select_n3A_113, %add3A_926], %get3A_866 : memref<4x5x8x129xf32, #tpu.memory_space<vmem>>[vector<16xi32>, vector<16xi32>, vector<16xi32>, vector<16xi32>], vector<16xf32>,
        %mul3A_927 = arith.constant 4 : i32
        %mul3A_928 = arith.muli %mul3A_927, %scan3A_849 : i32
        %add3A_929 = arith.constant 1 : i32
        %add3A_930 = arith.addi %mul3A_928, %add3A_929 : i32
        %add3A_931 = vector.broadcast %add3A_930 : i32 to vector<16xi32>
        %add3A_932 = arith.addi %broadcast_in_dim3A_5, %add3A_931 : vector<16xi32>
        tpu.vector_store_idx %arg8[%select_n3A, %broadcast_in_dim3A_496, %select_n3A_88, %add3A_932], %get3A_875 : memref<4x5x8x129xf32, #tpu.memory_space<vmem>>[vector<16xi32>, vector<16xi32>, vector<16xi32>, vector<16xi32>], vector<16xf32>,
        tpu.vector_store_idx %arg8[%select_n3A_65, %broadcast_in_dim3A_496, %select_n3A_113, %add3A_932], %get3A_884 : memref<4x5x8x129xf32, #tpu.memory_space<vmem>>[vector<16xi32>, vector<16xi32>, vector<16xi32>, vector<16xi32>], vector<16xf32>,
        %mul3A_933 = arith.constant 4 : i32
        %mul3A_934 = arith.muli %mul3A_933, %scan3A_849 : i32
        %add3A_935 = arith.constant 2 : i32
        %add3A_936 = arith.addi %mul3A_934, %add3A_935 : i32
        %add3A_937 = vector.broadcast %add3A_936 : i32 to vector<16xi32>
        %add3A_938 = arith.addi %broadcast_in_dim3A_5, %add3A_937 : vector<16xi32>
        tpu.vector_store_idx %arg8[%select_n3A, %broadcast_in_dim3A_496, %select_n3A_88, %add3A_938], %get3A_893 : memref<4x5x8x129xf32, #tpu.memory_space<vmem>>[vector<16xi32>, vector<16xi32>, vector<16xi32>, vector<16xi32>], vector<16xf32>,
        tpu.vector_store_idx %arg8[%select_n3A_65, %broadcast_in_dim3A_496, %select_n3A_113, %add3A_938], %get3A_902 : memref<4x5x8x129xf32, #tpu.memory_space<vmem>>[vector<16xi32>, vector<16xi32>, vector<16xi32>, vector<16xi32>], vector<16xf32>,
        %mul3A_939 = arith.constant 4 : i32
        %mul3A_940 = arith.muli %mul3A_939, %scan3A_849 : i32
        %add3A_941 = arith.constant 3 : i32
        %add3A_942 = arith.addi %mul3A_940, %add3A_941 : i32
        %add3A_943 = vector.broadcast %add3A_942 : i32 to vector<16xi32>
        %add3A_944 = arith.addi %broadcast_in_dim3A_5, %add3A_943 : vector<16xi32>
        tpu.vector_store_idx %arg8[%select_n3A, %broadcast_in_dim3A_496, %select_n3A_88, %add3A_944], %get3A_911 : memref<4x5x8x129xf32, #tpu.memory_space<vmem>>[vector<16xi32>, vector<16xi32>, vector<16xi32>, vector<16xi32>], vector<16xf32>,
        tpu.vector_store_idx %arg8[%select_n3A_65, %broadcast_in_dim3A_496, %select_n3A_113, %add3A_944], %get3A_920 : memref<4x5x8x129xf32, #tpu.memory_space<vmem>>[vector<16xi32>, vector<16xi32>, vector<16xi32>, vector<16xi32>], vector<16xf32>,
      }
      %scan3A_502 = arith.constant 32 : i32
      %add3A_503 = arith.addi %mul3A_4, %add3A_409 : i32
      %jit3A_504 = arith.constant 32 : i32
      %div3A_505 = arith.divsi %add3A_503, %jit3A_504 : i32
      %sign3A_506 = arith.constant 0 : i32
      %sign3A_507 = arith.cmpi sgt, %add3A_503, %sign3A_506 : i32
      %sign3A_508 = arith.extui %sign3A_507 : i1 to i32
      %sign3A_509 = arith.constant 0 : i32
      %sign3A_510 = arith.cmpi slt, %add3A_503, %sign3A_509 : i32
      %sign3A_511 = arith.extui %sign3A_510 : i1 to i32
      %sign3A_512 = arith.subi %sign3A_508, %sign3A_511 : i32
      %sign3A_513 = arith.constant 0 : i32
      %sign3A_514 = arith.cmpi sgt, %jit3A_504, %sign3A_513 : i32
      %sign3A_515 = arith.extui %sign3A_514 : i1 to i32
      %sign3A_516 = arith.constant 0 : i32
      %sign3A_517 = arith.cmpi slt, %jit3A_504, %sign3A_516 : i32
      %sign3A_518 = arith.extui %sign3A_517 : i1 to i32
      %sign3A_519 = arith.subi %sign3A_515, %sign3A_518 : i32
      %ne3A_520 = arith.cmpi ne, %sign3A_512, %sign3A_519 : i32
      %rem3A_521 = arith.remsi %add3A_503, %jit3A_504 : i32
      %ne3A_522 = arith.constant 0 : i32
      %ne3A_523 = arith.cmpi ne, %rem3A_521, %ne3A_522 : i32
      %and3A_524 = arith.andi %ne3A_520, %ne3A_523 : i1
      %sub3A_525 = arith.constant 1 : i32
      %sub3A_526 = arith.subi %div3A_505, %sub3A_525 : i32
      %select_n3A_527 = arith.select %and3A_524, %sub3A_526, %div3A_505 : i32
      %jit3A_528 = arith.constant 32 : i32
      %eq3A_529 = arith.constant 0 : i32
      %eq3A_530 = arith.cmpi eq, %jit3A_528, %eq3A_529 : i32
      %jit3A_531 = arith.constant 1 : i32
      %select_n3A_532 = arith.select %eq3A_530, %jit3A_531, %jit3A_528 : i32
      %rem3A_533 = arith.remsi %add3A_503, %select_n3A_532 : i32
      %ne3A_534 = arith.constant 0 : i32
      %ne3A_535 = arith.cmpi ne, %rem3A_533, %ne3A_534 : i32
      %lt3A_536 = arith.constant 0 : i32
      %lt3A_537 = arith.cmpi slt, %rem3A_533, %lt3A_536 : i32
      %lt3A_538 = arith.constant 0 : i32
      %lt3A_539 = arith.cmpi slt, %select_n3A_532, %lt3A_538 : i32
      %ne3A_540 = arith.xori %lt3A_537, %lt3A_539 : i1
      %and3A_541 = arith.andi %ne3A_540, %ne3A_535 : i1
      %add3A_542 = arith.addi %rem3A_533, %select_n3A_532 : i32
      %select_n3A_543 = arith.select %and3A_541, %add3A_542, %rem3A_533 : i32
      %mul3A_544 = arith.constant 4 : i32
      %mul3A_545 = arith.muli %select_n3A_543, %mul3A_544 : i32
      %dma_start3A_546 = arith.constant 0 : i32
      %dma_start3A_547 = arith.constant 0 : i32
      %dma_start3A_548 = arith.constant 0 : i32
      %dma_start3A_549 = arith.constant 0 : i32
      %dma_start3A_550 = arith.constant 0 : i32
      %dma_start3A_551 = tpu.memref_slice %arg8[%dma_start3A_546, %dma_start3A_548, %dma_start3A_549, %dma_start3A_550] : memref<4x5x8x129xf32, #tpu.memory_space<vmem>> -> memref<1x4x8x128xf32, #tpu.memory_space<vmem>>
      %dma_start3A_552 = tpu.memref_squeeze %dma_start3A_551 : memref<1x4x8x128xf32, #tpu.memory_space<vmem>> -> memref<4x8x128xf32, #tpu.memory_space<vmem>>
      %dma_start3A_553 = arith.constant 0 : i32
      %dma_start3A_554 = arith.constant 0 : i32
      %dma_start3A_555 = tpu.memref_slice %arg4[%select_n3A_527, %dma_start3A_547, %mul3A_545, %dma_start3A_553, %dma_start3A_554] : memref<50x4x128x8x128xf32, #tpu.memory_space<hbm>> -> memref<1x1x4x8x128xf32, #tpu.memory_space<hbm>>
      %dma_start3A_556 = tpu.memref_squeeze %dma_start3A_555 : memref<1x1x4x8x128xf32, #tpu.memory_space<hbm>> -> memref<4x8x128xf32, #tpu.memory_space<hbm>>
      %dma_start3A_557 = arith.constant 0 : i32
      %dma_start3A_558 = arith.constant 0 : i32
      %dma_start3A_559 = tpu.memref_slice %arg4[%select_n3A_527, %dma_start3A_547, %mul3A_545, %dma_start3A_557, %dma_start3A_558] : memref<50x4x128x8x128xf32, #tpu.memory_space<hbm>> -> memref<1x1x4x8x128xf32, #tpu.memory_space<hbm>>
      %dma_start3A_560 = tpu.memref_squeeze %dma_start3A_559 : memref<1x1x4x8x128xf32, #tpu.memory_space<hbm>> -> memref<4x8x128xf32, #tpu.memory_space<hbm>>
      %dma_start3A_561 = arith.constant 0 : i32
      %dma_start3A_562 = arith.constant 0 : i32
      %dma_start3A_563 = arith.constant 0 : i32
      %dma_start3A_564 = tpu.memref_slice %arg8[%dma_start3A_546, %dma_start3A_561, %dma_start3A_562, %dma_start3A_563] : memref<4x5x8x129xf32, #tpu.memory_space<vmem>> -> memref<1x4x8x128xf32, #tpu.memory_space<vmem>>
      %dma_start3A_565 = tpu.memref_squeeze %dma_start3A_564 : memref<1x4x8x128xf32, #tpu.memory_space<vmem>> -> memref<4x8x128xf32, #tpu.memory_space<vmem>>
      tpu.enqueue_dma source(%dma_start3A_565 : memref<4x8x128xf32, #tpu.memory_space<vmem>>) target(%dma_start3A_560 : memref<4x8x128xf32, #tpu.memory_space<hbm>>) target_semaphore(%arg12 : memref<!tpu.dma_semaphore, #tpu.memory_space<semaphore_mem>>)
      %dma_start3A_566 = arith.constant 1 : i32
      %dma_start3A_567 = arith.constant 1 : i32
      %dma_start3A_568 = arith.constant 0 : i32
      %dma_start3A_569 = arith.constant 0 : i32
      %dma_start3A_570 = arith.constant 0 : i32
      %dma_start3A_571 = tpu.memref_slice %arg8[%dma_start3A_566, %dma_start3A_568, %dma_start3A_569, %dma_start3A_570] : memref<4x5x8x129xf32, #tpu.memory_space<vmem>> -> memref<1x4x8x128xf32, #tpu.memory_space<vmem>>
      %dma_start3A_572 = tpu.memref_squeeze %dma_start3A_571 : memref<1x4x8x128xf32, #tpu.memory_space<vmem>> -> memref<4x8x128xf32, #tpu.memory_space<vmem>>
      %dma_start3A_573 = arith.constant 0 : i32
      %dma_start3A_574 = arith.constant 0 : i32
      %dma_start3A_575 = tpu.memref_slice %arg4[%select_n3A_527, %dma_start3A_567, %mul3A_545, %dma_start3A_573, %dma_start3A_574] : memref<50x4x128x8x128xf32, #tpu.memory_space<hbm>> -> memref<1x1x4x8x128xf32, #tpu.memory_space<hbm>>
      %dma_start3A_576 = tpu.memref_squeeze %dma_start3A_575 : memref<1x1x4x8x128xf32, #tpu.memory_space<hbm>> -> memref<4x8x128xf32, #tpu.memory_space<hbm>>
      %dma_start3A_577 = arith.constant 0 : i32
      %dma_start3A_578 = arith.constant 0 : i32
      %dma_start3A_579 = tpu.memref_slice %arg4[%select_n3A_527, %dma_start3A_567, %mul3A_545, %dma_start3A_577, %dma_start3A_578] : memref<50x4x128x8x128xf32, #tpu.memory_space<hbm>> -> memref<1x1x4x8x128xf32, #tpu.memory_space<hbm>>
      %dma_start3A_580 = tpu.memref_squeeze %dma_start3A_579 : memref<1x1x4x8x128xf32, #tpu.memory_space<hbm>> -> memref<4x8x128xf32, #tpu.memory_space<hbm>>
      %dma_start3A_581 = arith.constant 0 : i32
      %dma_start3A_582 = arith.constant 0 : i32
      %dma_start3A_583 = arith.constant 0 : i32
      %dma_start3A_584 = tpu.memref_slice %arg8[%dma_start3A_566, %dma_start3A_581, %dma_start3A_582, %dma_start3A_583] : memref<4x5x8x129xf32, #tpu.memory_space<vmem>> -> memref<1x4x8x128xf32, #tpu.memory_space<vmem>>
      %dma_start3A_585 = tpu.memref_squeeze %dma_start3A_584 : memref<1x4x8x128xf32, #tpu.memory_space<vmem>> -> memref<4x8x128xf32, #tpu.memory_space<vmem>>
      tpu.enqueue_dma source(%dma_start3A_585 : memref<4x8x128xf32, #tpu.memory_space<vmem>>) target(%dma_start3A_580 : memref<4x8x128xf32, #tpu.memory_space<hbm>>) target_semaphore(%arg12 : memref<!tpu.dma_semaphore, #tpu.memory_space<semaphore_mem>>)
      %dma_start3A_586 = arith.constant 2 : i32
      %dma_start3A_587 = arith.constant 2 : i32
      %dma_start3A_588 = arith.constant 0 : i32
      %dma_start3A_589 = arith.constant 0 : i32
      %dma_start3A_590 = arith.constant 0 : i32
      %dma_start3A_591 = tpu.memref_slice %arg8[%dma_start3A_586, %dma_start3A_588, %dma_start3A_589, %dma_start3A_590] : memref<4x5x8x129xf32, #tpu.memory_space<vmem>> -> memref<1x4x8x128xf32, #tpu.memory_space<vmem>>
      %dma_start3A_592 = tpu.memref_squeeze %dma_start3A_591 : memref<1x4x8x128xf32, #tpu.memory_space<vmem>> -> memref<4x8x128xf32, #tpu.memory_space<vmem>>
      %dma_start3A_593 = arith.constant 0 : i32
      %dma_start3A_594 = arith.constant 0 : i32
      %dma_start3A_595 = tpu.memref_slice %arg4[%select_n3A_527, %dma_start3A_587, %mul3A_545, %dma_start3A_593, %dma_start3A_594] : memref<50x4x128x8x128xf32, #tpu.memory_space<hbm>> -> memref<1x1x4x8x128xf32, #tpu.memory_space<hbm>>
      %dma_start3A_596 = tpu.memref_squeeze %dma_start3A_595 : memref<1x1x4x8x128xf32, #tpu.memory_space<hbm>> -> memref<4x8x128xf32, #tpu.memory_space<hbm>>
      %dma_start3A_597 = arith.constant 0 : i32
      %dma_start3A_598 = arith.constant 0 : i32
      %dma_start3A_599 = tpu.memref_slice %arg4[%select_n3A_527, %dma_start3A_587, %mul3A_545, %dma_start3A_597, %dma_start3A_598] : memref<50x4x128x8x128xf32, #tpu.memory_space<hbm>> -> memref<1x1x4x8x128xf32, #tpu.memory_space<hbm>>
      %dma_start3A_600 = tpu.memref_squeeze %dma_start3A_599 : memref<1x1x4x8x128xf32, #tpu.memory_space<hbm>> -> memref<4x8x128xf32, #tpu.memory_space<hbm>>
      %dma_start3A_601 = arith.constant 0 : i32
      %dma_start3A_602 = arith.constant 0 : i32
      %dma_start3A_603 = arith.constant 0 : i32
      %dma_start3A_604 = tpu.memref_slice %arg8[%dma_start3A_586, %dma_start3A_601, %dma_start3A_602, %dma_start3A_603] : memref<4x5x8x129xf32, #tpu.memory_space<vmem>> -> memref<1x4x8x128xf32, #tpu.memory_space<vmem>>
      %dma_start3A_605 = tpu.memref_squeeze %dma_start3A_604 : memref<1x4x8x128xf32, #tpu.memory_space<vmem>> -> memref<4x8x128xf32, #tpu.memory_space<vmem>>
      tpu.enqueue_dma source(%dma_start3A_605 : memref<4x8x128xf32, #tpu.memory_space<vmem>>) target(%dma_start3A_600 : memref<4x8x128xf32, #tpu.memory_space<hbm>>) target_semaphore(%arg12 : memref<!tpu.dma_semaphore, #tpu.memory_space<semaphore_mem>>)
      %dma_start3A_606 = arith.constant 3 : i32
      %dma_start3A_607 = arith.constant 3 : i32
      %dma_start3A_608 = arith.constant 0 : i32
      %dma_start3A_609 = arith.constant 0 : i32
      %dma_start3A_610 = arith.constant 0 : i32
      %dma_start3A_611 = tpu.memref_slice %arg8[%dma_start3A_606, %dma_start3A_608, %dma_start3A_609, %dma_start3A_610] : memref<4x5x8x129xf32, #tpu.memory_space<vmem>> -> memref<1x4x8x128xf32, #tpu.memory_space<vmem>>
      %dma_start3A_612 = tpu.memref_squeeze %dma_start3A_611 : memref<1x4x8x128xf32, #tpu.memory_space<vmem>> -> memref<4x8x128xf32, #tpu.memory_space<vmem>>
      %dma_start3A_613 = arith.constant 0 : i32
      %dma_start3A_614 = arith.constant 0 : i32
      %dma_start3A_615 = tpu.memref_slice %arg4[%select_n3A_527, %dma_start3A_607, %mul3A_545, %dma_start3A_613, %dma_start3A_614] : memref<50x4x128x8x128xf32, #tpu.memory_space<hbm>> -> memref<1x1x4x8x128xf32, #tpu.memory_space<hbm>>
      %dma_start3A_616 = tpu.memref_squeeze %dma_start3A_615 : memref<1x1x4x8x128xf32, #tpu.memory_space<hbm>> -> memref<4x8x128xf32, #tpu.memory_space<hbm>>
      %dma_start3A_617 = arith.constant 0 : i32
      %dma_start3A_618 = arith.constant 0 : i32
      %dma_start3A_619 = tpu.memref_slice %arg4[%select_n3A_527, %dma_start3A_607, %mul3A_545, %dma_start3A_617, %dma_start3A_618] : memref<50x4x128x8x128xf32, #tpu.memory_space<hbm>> -> memref<1x1x4x8x128xf32, #tpu.memory_space<hbm>>
      %dma_start3A_620 = tpu.memref_squeeze %dma_start3A_619 : memref<1x1x4x8x128xf32, #tpu.memory_space<hbm>> -> memref<4x8x128xf32, #tpu.memory_space<hbm>>
      %dma_start3A_621 = arith.constant 0 : i32
      %dma_start3A_622 = arith.constant 0 : i32
      %dma_start3A_623 = arith.constant 0 : i32
      %dma_start3A_624 = tpu.memref_slice %arg8[%dma_start3A_606, %dma_start3A_621, %dma_start3A_622, %dma_start3A_623] : memref<4x5x8x129xf32, #tpu.memory_space<vmem>> -> memref<1x4x8x128xf32, #tpu.memory_space<vmem>>
      %dma_start3A_625 = tpu.memref_squeeze %dma_start3A_624 : memref<1x4x8x128xf32, #tpu.memory_space<vmem>> -> memref<4x8x128xf32, #tpu.memory_space<vmem>>
      tpu.enqueue_dma source(%dma_start3A_625 : memref<4x8x128xf32, #tpu.memory_space<vmem>>) target(%dma_start3A_620 : memref<4x8x128xf32, #tpu.memory_space<hbm>>) target_semaphore(%arg12 : memref<!tpu.dma_semaphore, #tpu.memory_space<semaphore_mem>>)
      %mul3A_626 = arith.constant 2 : i32
      %mul3A_627 = arith.muli %mul3A_626, %scan3A_405 : i32
      %add3A_628 = arith.constant 1 : i32
      %add3A_629 = arith.addi %mul3A_627, %add3A_628 : i32
      %add3A_630 = arith.constant 1 : i32
      %add3A_631 = arith.addi %add3A_629, %add3A_630 : i32
      %lt3A_632 = arith.constant 50 : i32
      %lt3A_633 = arith.cmpi slt, %add3A_631, %lt3A_632 : i32
      %convert_element_type3A_634 = arith.extui %lt3A_633 : i1 to i32
      %cond3A_635 = arith.constant 0 : i32
      %cond3A_636 = arith.cmpi ne, %convert_element_type3A_634, %cond3A_635 : i32
      scf.if %cond3A_636 {
        %add3A_849 = arith.constant 1 : i32
        %add3A_850 = arith.addi %add3A_629, %add3A_849 : i32
        %mul3A_851 = arith.constant 4 : i32
        %mul3A_852 = arith.muli %add3A_850, %mul3A_851 : i32
        %add3A_853 = arith.constant 0 : i32
        %add3A_854 = arith.addi %mul3A_852, %add3A_853 : i32
        %mul3A_855 = arith.constant 4 : i32
        %mul3A_856 = arith.muli %add3A_850, %mul3A_855 : i32
        %add3A_857 = arith.constant 1 : i32
        %add3A_858 = arith.addi %mul3A_856, %add3A_857 : i32
        %mul3A_859 = arith.constant 4 : i32
        %mul3A_860 = arith.muli %add3A_850, %mul3A_859 : i32
        %add3A_861 = arith.constant 2 : i32
        %add3A_862 = arith.addi %mul3A_860, %add3A_861 : i32
        %mul3A_863 = arith.constant 4 : i32
        %mul3A_864 = arith.muli %add3A_850, %mul3A_863 : i32
        %add3A_865 = arith.constant 3 : i32
        %add3A_866 = arith.addi %mul3A_864, %add3A_865 : i32
        %dma_start3A_867 = arith.constant 0 : i32
        %dma_start3A_868 = arith.constant 0 : i32
        %dma_start3A_869 = tpu.memref_slice %arg6[%dma_start3A_867, %dma_start3A_868] : memref<512x32xf32, #tpu.memory_space<vmem>> -> memref<128x32xf32, #tpu.memory_space<vmem>>
        %dma_start3A_870 = arith.constant 0 : i32
        %dma_start3A_871 = tpu.memref_slice %arg5[%add3A_854, %dma_start3A_870] : memref<200x128xi32, #tpu.memory_space<vmem>> -> memref<1x128xi32, #tpu.memory_space<vmem>>
        %dma_start3A_872 = tpu.memref_squeeze %dma_start3A_871 : memref<1x128xi32, #tpu.memory_space<vmem>> -> memref<128xi32, #tpu.memory_space<vmem>>
        %dma_start3A_873 = arith.constant 0 : i32
        %dma_start3A_874 = arith.constant 0 : i32
        %dma_start3A_875 = tpu.memref_slice %arg3[%dma_start3A_873, %dma_start3A_874] : memref<1000002x32xf32, #tpu.memory_space<hbm>> -> memref<1000002x32xf32, #tpu.memory_space<hbm>>
        tpu.enqueue_indirect_dma source(%dma_start3A_875 : memref<1000002x32xf32, #tpu.memory_space<hbm>>) target(%dma_start3A_869 : memref<128x32xf32, #tpu.memory_space<vmem>>) offsets(%dma_start3A_872 : memref<128xi32, #tpu.memory_space<vmem>>) semaphore(%arg10 : memref<!tpu.dma_semaphore, #tpu.memory_space<semaphore_mem>>)
        %dma_start3A_876 = arith.constant 128 : i32
        %dma_start3A_877 = arith.constant 0 : i32
        %dma_start3A_878 = tpu.memref_slice %arg6[%dma_start3A_876, %dma_start3A_877] : memref<512x32xf32, #tpu.memory_space<vmem>> -> memref<128x32xf32, #tpu.memory_space<vmem>>
        %dma_start3A_879 = arith.constant 0 : i32
        %dma_start3A_880 = tpu.memref_slice %arg5[%add3A_858, %dma_start3A_879] : memref<200x128xi32, #tpu.memory_space<vmem>> -> memref<1x128xi32, #tpu.memory_space<vmem>>
        %dma_start3A_881 = tpu.memref_squeeze %dma_start3A_880 : memref<1x128xi32, #tpu.memory_space<vmem>> -> memref<128xi32, #tpu.memory_space<vmem>>
        %dma_start3A_882 = arith.constant 0 : i32
        %dma_start3A_883 = arith.constant 0 : i32
        %dma_start3A_884 = tpu.memref_slice %arg3[%dma_start3A_882, %dma_start3A_883] : memref<1000002x32xf32, #tpu.memory_space<hbm>> -> memref<1000002x32xf32, #tpu.memory_space<hbm>>
        tpu.enqueue_indirect_dma source(%dma_start3A_884 : memref<1000002x32xf32, #tpu.memory_space<hbm>>) target(%dma_start3A_878 : memref<128x32xf32, #tpu.memory_space<vmem>>) offsets(%dma_start3A_881 : memref<128xi32, #tpu.memory_space<vmem>>) semaphore(%arg10 : memref<!tpu.dma_semaphore, #tpu.memory_space<semaphore_mem>>)
        %dma_start3A_885 = arith.constant 256 : i32
        %dma_start3A_886 = arith.constant 0 : i32
        %dma_start3A_887 = tpu.memref_slice %arg6[%dma_start3A_885, %dma_start3A_886] : memref<512x32xf32, #tpu.memory_space<vmem>> -> memref<128x32xf32, #tpu.memory_space<vmem>>
        %dma_start3A_888 = arith.constant 0 : i32
        %dma_start3A_889 = tpu.memref_slice %arg5[%add3A_862, %dma_start3A_888] : memref<200x128xi32, #tpu.memory_space<vmem>> -> memref<1x128xi32, #tpu.memory_space<vmem>>
        %dma_start3A_890 = tpu.memref_squeeze %dma_start3A_889 : memref<1x128xi32, #tpu.memory_space<vmem>> -> memref<128xi32, #tpu.memory_space<vmem>>
        %dma_start3A_891 = arith.constant 0 : i32
        %dma_start3A_892 = arith.constant 0 : i32
        %dma_start3A_893 = tpu.memref_slice %arg3[%dma_start3A_891, %dma_start3A_892] : memref<1000002x32xf32, #tpu.memory_space<hbm>> -> memref<1000002x32xf32, #tpu.memory_space<hbm>>
        tpu.enqueue_indirect_dma source(%dma_start3A_893 : memref<1000002x32xf32, #tpu.memory_space<hbm>>) target(%dma_start3A_887 : memref<128x32xf32, #tpu.memory_space<vmem>>) offsets(%dma_start3A_890 : memref<128xi32, #tpu.memory_space<vmem>>) semaphore(%arg10 : memref<!tpu.dma_semaphore, #tpu.memory_space<semaphore_mem>>)
        %dma_start3A_894 = arith.constant 384 : i32
        %dma_start3A_895 = arith.constant 0 : i32
        %dma_start3A_896 = tpu.memref_slice %arg6[%dma_start3A_894, %dma_start3A_895] : memref<512x32xf32, #tpu.memory_space<vmem>> -> memref<128x32xf32, #tpu.memory_space<vmem>>
        %dma_start3A_897 = arith.constant 0 : i32
        %dma_start3A_898 = tpu.memref_slice %arg5[%add3A_866, %dma_start3A_897] : memref<200x128xi32, #tpu.memory_space<vmem>> -> memref<1x128xi32, #tpu.memory_space<vmem>>
        %dma_start3A_899 = tpu.memref_squeeze %dma_start3A_898 : memref<1x128xi32, #tpu.memory_space<vmem>> -> memref<128xi32, #tpu.memory_space<vmem>>
        %dma_start3A_900 = arith.constant 0 : i32
        %dma_start3A_901 = arith.constant 0 : i32
        %dma_start3A_902 = tpu.memref_slice %arg3[%dma_start3A_900, %dma_start3A_901] : memref<1000002x32xf32, #tpu.memory_space<hbm>> -> memref<1000002x32xf32, #tpu.memory_space<hbm>>
        tpu.enqueue_indirect_dma source(%dma_start3A_902 : memref<1000002x32xf32, #tpu.memory_space<hbm>>) target(%dma_start3A_896 : memref<128x32xf32, #tpu.memory_space<vmem>>) offsets(%dma_start3A_899 : memref<128xi32, #tpu.memory_space<vmem>>) semaphore(%arg10 : memref<!tpu.dma_semaphore, #tpu.memory_space<semaphore_mem>>)
      } else {
      }
      %mul3A_637 = arith.constant 4 : i32
      %mul3A_638 = arith.muli %add3A_629, %mul3A_637 : i32
      %add3A_639 = arith.constant 0 : i32
      %add3A_640 = arith.addi %mul3A_638, %add3A_639 : i32
      %mul3A_641 = arith.constant 4 : i32
      %mul3A_642 = arith.muli %add3A_629, %mul3A_641 : i32
      %add3A_643 = arith.constant 1 : i32
      %add3A_644 = arith.addi %mul3A_642, %add3A_643 : i32
      %mul3A_645 = arith.constant 4 : i32
      %mul3A_646 = arith.muli %add3A_629, %mul3A_645 : i32
      %add3A_647 = arith.constant 2 : i32
      %add3A_648 = arith.addi %mul3A_646, %add3A_647 : i32
      %mul3A_649 = arith.constant 4 : i32
      %mul3A_650 = arith.muli %add3A_629, %mul3A_649 : i32
      %add3A_651 = arith.constant 3 : i32
      %add3A_652 = arith.addi %mul3A_650, %add3A_651 : i32
      %dma_wait3A_653 = arith.constant 0 : i32
      %dma_wait3A_654 = arith.constant 0 : i32
      %dma_wait3A_655 = tpu.memref_slice %arg7[%dma_wait3A_653, %dma_wait3A_654] : memref<512x32xf32, #tpu.memory_space<vmem>> -> memref<128x32xf32, #tpu.memory_space<vmem>>
      %dma_wait3A_656 = arith.constant 0 : i32
      %dma_wait3A_657 = tpu.memref_slice %arg5[%add3A_640, %dma_wait3A_656] : memref<200x128xi32, #tpu.memory_space<vmem>> -> memref<1x128xi32, #tpu.memory_space<vmem>>
      %dma_wait3A_658 = tpu.memref_squeeze %dma_wait3A_657 : memref<1x128xi32, #tpu.memory_space<vmem>> -> memref<128xi32, #tpu.memory_space<vmem>>
      %dma_wait3A_659 = arith.constant 0 : i32
      %dma_wait3A_660 = arith.constant 0 : i32
      %dma_wait3A_661 = tpu.memref_slice %arg3[%dma_wait3A_659, %dma_wait3A_660] : memref<1000002x32xf32, #tpu.memory_space<hbm>> -> memref<1000002x32xf32, #tpu.memory_space<hbm>>
      tpu.wait_indirect_dma semaphore(%arg11 : memref<!tpu.dma_semaphore, #tpu.memory_space<semaphore_mem>>) src(%dma_wait3A_661 : memref<1000002x32xf32, #tpu.memory_space<hbm>>) dst(%dma_wait3A_655 : memref<128x32xf32, #tpu.memory_space<vmem>>)
      %dma_wait3A_662 = arith.constant 128 : i32
      %dma_wait3A_663 = arith.constant 0 : i32
      %dma_wait3A_664 = tpu.memref_slice %arg7[%dma_wait3A_662, %dma_wait3A_663] : memref<512x32xf32, #tpu.memory_space<vmem>> -> memref<128x32xf32, #tpu.memory_space<vmem>>
      %dma_wait3A_665 = arith.constant 0 : i32
      %dma_wait3A_666 = tpu.memref_slice %arg5[%add3A_644, %dma_wait3A_665] : memref<200x128xi32, #tpu.memory_space<vmem>> -> memref<1x128xi32, #tpu.memory_space<vmem>>
      %dma_wait3A_667 = tpu.memref_squeeze %dma_wait3A_666 : memref<1x128xi32, #tpu.memory_space<vmem>> -> memref<128xi32, #tpu.memory_space<vmem>>
      %dma_wait3A_668 = arith.constant 0 : i32
      %dma_wait3A_669 = arith.constant 0 : i32
      %dma_wait3A_670 = tpu.memref_slice %arg3[%dma_wait3A_668, %dma_wait3A_669] : memref<1000002x32xf32, #tpu.memory_space<hbm>> -> memref<1000002x32xf32, #tpu.memory_space<hbm>>
      tpu.wait_indirect_dma semaphore(%arg11 : memref<!tpu.dma_semaphore, #tpu.memory_space<semaphore_mem>>) src(%dma_wait3A_670 : memref<1000002x32xf32, #tpu.memory_space<hbm>>) dst(%dma_wait3A_664 : memref<128x32xf32, #tpu.memory_space<vmem>>)
      %dma_wait3A_671 = arith.constant 256 : i32
      %dma_wait3A_672 = arith.constant 0 : i32
      %dma_wait3A_673 = tpu.memref_slice %arg7[%dma_wait3A_671, %dma_wait3A_672] : memref<512x32xf32, #tpu.memory_space<vmem>> -> memref<128x32xf32, #tpu.memory_space<vmem>>
      %dma_wait3A_674 = arith.constant 0 : i32
      %dma_wait3A_675 = tpu.memref_slice %arg5[%add3A_648, %dma_wait3A_674] : memref<200x128xi32, #tpu.memory_space<vmem>> -> memref<1x128xi32, #tpu.memory_space<vmem>>
      %dma_wait3A_676 = tpu.memref_squeeze %dma_wait3A_675 : memref<1x128xi32, #tpu.memory_space<vmem>> -> memref<128xi32, #tpu.memory_space<vmem>>
      %dma_wait3A_677 = arith.constant 0 : i32
      %dma_wait3A_678 = arith.constant 0 : i32
      %dma_wait3A_679 = tpu.memref_slice %arg3[%dma_wait3A_677, %dma_wait3A_678] : memref<1000002x32xf32, #tpu.memory_space<hbm>> -> memref<1000002x32xf32, #tpu.memory_space<hbm>>
      tpu.wait_indirect_dma semaphore(%arg11 : memref<!tpu.dma_semaphore, #tpu.memory_space<semaphore_mem>>) src(%dma_wait3A_679 : memref<1000002x32xf32, #tpu.memory_space<hbm>>) dst(%dma_wait3A_673 : memref<128x32xf32, #tpu.memory_space<vmem>>)
      %dma_wait3A_680 = arith.constant 384 : i32
      %dma_wait3A_681 = arith.constant 0 : i32
      %dma_wait3A_682 = tpu.memref_slice %arg7[%dma_wait3A_680, %dma_wait3A_681] : memref<512x32xf32, #tpu.memory_space<vmem>> -> memref<128x32xf32, #tpu.memory_space<vmem>>
      %dma_wait3A_683 = arith.constant 0 : i32
      %dma_wait3A_684 = tpu.memref_slice %arg5[%add3A_652, %dma_wait3A_683] : memref<200x128xi32, #tpu.memory_space<vmem>> -> memref<1x128xi32, #tpu.memory_space<vmem>>
      %dma_wait3A_685 = tpu.memref_squeeze %dma_wait3A_684 : memref<1x128xi32, #tpu.memory_space<vmem>> -> memref<128xi32, #tpu.memory_space<vmem>>
      %dma_wait3A_686 = arith.constant 0 : i32
      %dma_wait3A_687 = arith.constant 0 : i32
      %dma_wait3A_688 = tpu.memref_slice %arg3[%dma_wait3A_686, %dma_wait3A_687] : memref<1000002x32xf32, #tpu.memory_space<hbm>> -> memref<1000002x32xf32, #tpu.memory_space<hbm>>
      tpu.wait_indirect_dma semaphore(%arg11 : memref<!tpu.dma_semaphore, #tpu.memory_space<semaphore_mem>>) src(%dma_wait3A_688 : memref<1000002x32xf32, #tpu.memory_space<hbm>>) dst(%dma_wait3A_682 : memref<128x32xf32, #tpu.memory_space<vmem>>)
      %ge3A_689 = arith.constant 2 : i32
      %ge3A_690 = arith.cmpi sge, %add3A_629, %ge3A_689 : i32
      %convert_element_type3A_691 = arith.extui %ge3A_690 : i1 to i32
      %cond3A_692 = arith.constant 0 : i32
      %cond3A_693 = arith.cmpi ne, %convert_element_type3A_691, %cond3A_692 : i32
      scf.if %cond3A_693 {
        %sub3A_849 = arith.constant 2 : i32
        %sub3A_850 = arith.subi %add3A_629, %sub3A_849 : i32
        %add3A_851 = arith.addi %mul3A_4, %sub3A_850 : i32
        %jit3A_852 = arith.constant 32 : i32
        %div3A_853 = arith.divsi %add3A_851, %jit3A_852 : i32
        %sign3A_854 = arith.constant 0 : i32
        %sign3A_855 = arith.cmpi sgt, %add3A_851, %sign3A_854 : i32
        %sign3A_856 = arith.extui %sign3A_855 : i1 to i32
        %sign3A_857 = arith.constant 0 : i32
        %sign3A_858 = arith.cmpi slt, %add3A_851, %sign3A_857 : i32
        %sign3A_859 = arith.extui %sign3A_858 : i1 to i32
        %sign3A_860 = arith.subi %sign3A_856, %sign3A_859 : i32
        %sign3A_861 = arith.constant 0 : i32
        %sign3A_862 = arith.cmpi sgt, %jit3A_852, %sign3A_861 : i32
        %sign3A_863 = arith.extui %sign3A_862 : i1 to i32
        %sign3A_864 = arith.constant 0 : i32
        %sign3A_865 = arith.cmpi slt, %jit3A_852, %sign3A_864 : i32
        %sign3A_866 = arith.extui %sign3A_865 : i1 to i32
        %sign3A_867 = arith.subi %sign3A_863, %sign3A_866 : i32
        %ne3A_868 = arith.cmpi ne, %sign3A_860, %sign3A_867 : i32
        %rem3A_869 = arith.remsi %add3A_851, %jit3A_852 : i32
        %ne3A_870 = arith.constant 0 : i32
        %ne3A_871 = arith.cmpi ne, %rem3A_869, %ne3A_870 : i32
        %and3A_872 = arith.andi %ne3A_868, %ne3A_871 : i1
        %sub3A_873 = arith.constant 1 : i32
        %sub3A_874 = arith.subi %div3A_853, %sub3A_873 : i32
        %select_n3A_875 = arith.select %and3A_872, %sub3A_874, %div3A_853 : i32
        %jit3A_876 = arith.constant 32 : i32
        %eq3A_877 = arith.constant 0 : i32
        %eq3A_878 = arith.cmpi eq, %jit3A_876, %eq3A_877 : i32
        %jit3A_879 = arith.constant 1 : i32
        %select_n3A_880 = arith.select %eq3A_878, %jit3A_879, %jit3A_876 : i32
        %rem3A_881 = arith.remsi %add3A_851, %select_n3A_880 : i32
        %ne3A_882 = arith.constant 0 : i32
        %ne3A_883 = arith.cmpi ne, %rem3A_881, %ne3A_882 : i32
        %lt3A_884 = arith.constant 0 : i32
        %lt3A_885 = arith.cmpi slt, %rem3A_881, %lt3A_884 : i32
        %lt3A_886 = arith.constant 0 : i32
        %lt3A_887 = arith.cmpi slt, %select_n3A_880, %lt3A_886 : i32
        %ne3A_888 = arith.xori %lt3A_885, %lt3A_887 : i1
        %and3A_889 = arith.andi %ne3A_888, %ne3A_883 : i1
        %add3A_890 = arith.addi %rem3A_881, %select_n3A_880 : i32
        %select_n3A_891 = arith.select %and3A_889, %add3A_890, %rem3A_881 : i32
        %mul3A_892 = arith.constant 4 : i32
        %mul3A_893 = arith.muli %select_n3A_891, %mul3A_892 : i32
        %dma_wait3A_894 = arith.constant 0 : i32
        %dma_wait3A_895 = arith.constant 0 : i32
        %dma_wait3A_896 = arith.constant 0 : i32
        %dma_wait3A_897 = arith.constant 0 : i32
        %dma_wait3A_898 = arith.constant 0 : i32
        %dma_wait3A_899 = tpu.memref_slice %arg9[%dma_wait3A_894, %dma_wait3A_896, %dma_wait3A_897, %dma_wait3A_898] : memref<4x5x8x129xf32, #tpu.memory_space<vmem>> -> memref<1x4x8x128xf32, #tpu.memory_space<vmem>>
        %dma_wait3A_900 = tpu.memref_squeeze %dma_wait3A_899 : memref<1x4x8x128xf32, #tpu.memory_space<vmem>> -> memref<4x8x128xf32, #tpu.memory_space<vmem>>
        %dma_wait3A_901 = arith.constant 0 : i32
        %dma_wait3A_902 = arith.constant 0 : i32
        %dma_wait3A_903 = tpu.memref_slice %arg4[%select_n3A_875, %dma_wait3A_895, %mul3A_893, %dma_wait3A_901, %dma_wait3A_902] : memref<50x4x128x8x128xf32, #tpu.memory_space<hbm>> -> memref<1x1x4x8x128xf32, #tpu.memory_space<hbm>>
        %dma_wait3A_904 = tpu.memref_squeeze %dma_wait3A_903 : memref<1x1x4x8x128xf32, #tpu.memory_space<hbm>> -> memref<4x8x128xf32, #tpu.memory_space<hbm>>
        %dma_wait3A_905 = arith.constant 0 : i32
        %dma_wait3A_906 = arith.constant 0 : i32
        %dma_wait3A_907 = tpu.memref_slice %arg4[%select_n3A_875, %dma_wait3A_895, %mul3A_893, %dma_wait3A_905, %dma_wait3A_906] : memref<50x4x128x8x128xf32, #tpu.memory_space<hbm>> -> memref<1x1x4x8x128xf32, #tpu.memory_space<hbm>>
        %dma_wait3A_908 = tpu.memref_squeeze %dma_wait3A_907 : memref<1x1x4x8x128xf32, #tpu.memory_space<hbm>> -> memref<4x8x128xf32, #tpu.memory_space<hbm>>
        %dma_wait3A_909 = arith.constant 0 : i32
        %dma_wait3A_910 = arith.constant 0 : i32
        %dma_wait3A_911 = arith.constant 0 : i32
        %dma_wait3A_912 = tpu.memref_slice %arg9[%dma_wait3A_894, %dma_wait3A_909, %dma_wait3A_910, %dma_wait3A_911] : memref<4x5x8x129xf32, #tpu.memory_space<vmem>> -> memref<1x4x8x128xf32, #tpu.memory_space<vmem>>
        %dma_wait3A_913 = tpu.memref_squeeze %dma_wait3A_912 : memref<1x4x8x128xf32, #tpu.memory_space<vmem>> -> memref<4x8x128xf32, #tpu.memory_space<vmem>>
        tpu.wait_dma2 semaphore(%arg13 : memref<!tpu.dma_semaphore, #tpu.memory_space<semaphore_mem>>) src(%dma_wait3A_913 : memref<4x8x128xf32, #tpu.memory_space<vmem>>) dst(%dma_wait3A_908 : memref<4x8x128xf32, #tpu.memory_space<hbm>>)
        %dma_wait3A_914 = arith.constant 1 : i32
        %dma_wait3A_915 = arith.constant 1 : i32
        %dma_wait3A_916 = arith.constant 0 : i32
        %dma_wait3A_917 = arith.constant 0 : i32
        %dma_wait3A_918 = arith.constant 0 : i32
        %dma_wait3A_919 = tpu.memref_slice %arg9[%dma_wait3A_914, %dma_wait3A_916, %dma_wait3A_917, %dma_wait3A_918] : memref<4x5x8x129xf32, #tpu.memory_space<vmem>> -> memref<1x4x8x128xf32, #tpu.memory_space<vmem>>
        %dma_wait3A_920 = tpu.memref_squeeze %dma_wait3A_919 : memref<1x4x8x128xf32, #tpu.memory_space<vmem>> -> memref<4x8x128xf32, #tpu.memory_space<vmem>>
        %dma_wait3A_921 = arith.constant 0 : i32
        %dma_wait3A_922 = arith.constant 0 : i32
        %dma_wait3A_923 = tpu.memref_slice %arg4[%select_n3A_875, %dma_wait3A_915, %mul3A_893, %dma_wait3A_921, %dma_wait3A_922] : memref<50x4x128x8x128xf32, #tpu.memory_space<hbm>> -> memref<1x1x4x8x128xf32, #tpu.memory_space<hbm>>
        %dma_wait3A_924 = tpu.memref_squeeze %dma_wait3A_923 : memref<1x1x4x8x128xf32, #tpu.memory_space<hbm>> -> memref<4x8x128xf32, #tpu.memory_space<hbm>>
        %dma_wait3A_925 = arith.constant 0 : i32
        %dma_wait3A_926 = arith.constant 0 : i32
        %dma_wait3A_927 = tpu.memref_slice %arg4[%select_n3A_875, %dma_wait3A_915, %mul3A_893, %dma_wait3A_925, %dma_wait3A_926] : memref<50x4x128x8x128xf32, #tpu.memory_space<hbm>> -> memref<1x1x4x8x128xf32, #tpu.memory_space<hbm>>
        %dma_wait3A_928 = tpu.memref_squeeze %dma_wait3A_927 : memref<1x1x4x8x128xf32, #tpu.memory_space<hbm>> -> memref<4x8x128xf32, #tpu.memory_space<hbm>>
        %dma_wait3A_929 = arith.constant 0 : i32
        %dma_wait3A_930 = arith.constant 0 : i32
        %dma_wait3A_931 = arith.constant 0 : i32
        %dma_wait3A_932 = tpu.memref_slice %arg9[%dma_wait3A_914, %dma_wait3A_929, %dma_wait3A_930, %dma_wait3A_931] : memref<4x5x8x129xf32, #tpu.memory_space<vmem>> -> memref<1x4x8x128xf32, #tpu.memory_space<vmem>>
        %dma_wait3A_933 = tpu.memref_squeeze %dma_wait3A_932 : memref<1x4x8x128xf32, #tpu.memory_space<vmem>> -> memref<4x8x128xf32, #tpu.memory_space<vmem>>
        tpu.wait_dma2 semaphore(%arg13 : memref<!tpu.dma_semaphore, #tpu.memory_space<semaphore_mem>>) src(%dma_wait3A_933 : memref<4x8x128xf32, #tpu.memory_space<vmem>>) dst(%dma_wait3A_928 : memref<4x8x128xf32, #tpu.memory_space<hbm>>)
        %dma_wait3A_934 = arith.constant 2 : i32
        %dma_wait3A_935 = arith.constant 2 : i32
        %dma_wait3A_936 = arith.constant 0 : i32
        %dma_wait3A_937 = arith.constant 0 : i32
        %dma_wait3A_938 = arith.constant 0 : i32
        %dma_wait3A_939 = tpu.memref_slice %arg9[%dma_wait3A_934, %dma_wait3A_936, %dma_wait3A_937, %dma_wait3A_938] : memref<4x5x8x129xf32, #tpu.memory_space<vmem>> -> memref<1x4x8x128xf32, #tpu.memory_space<vmem>>
        %dma_wait3A_940 = tpu.memref_squeeze %dma_wait3A_939 : memref<1x4x8x128xf32, #tpu.memory_space<vmem>> -> memref<4x8x128xf32, #tpu.memory_space<vmem>>
        %dma_wait3A_941 = arith.constant 0 : i32
        %dma_wait3A_942 = arith.constant 0 : i32
        %dma_wait3A_943 = tpu.memref_slice %arg4[%select_n3A_875, %dma_wait3A_935, %mul3A_893, %dma_wait3A_941, %dma_wait3A_942] : memref<50x4x128x8x128xf32, #tpu.memory_space<hbm>> -> memref<1x1x4x8x128xf32, #tpu.memory_space<hbm>>
        %dma_wait3A_944 = tpu.memref_squeeze %dma_wait3A_943 : memref<1x1x4x8x128xf32, #tpu.memory_space<hbm>> -> memref<4x8x128xf32, #tpu.memory_space<hbm>>
        %dma_wait3A_945 = arith.constant 0 : i32
        %dma_wait3A_946 = arith.constant 0 : i32
        %dma_wait3A_947 = tpu.memref_slice %arg4[%select_n3A_875, %dma_wait3A_935, %mul3A_893, %dma_wait3A_945, %dma_wait3A_946] : memref<50x4x128x8x128xf32, #tpu.memory_space<hbm>> -> memref<1x1x4x8x128xf32, #tpu.memory_space<hbm>>
        %dma_wait3A_948 = tpu.memref_squeeze %dma_wait3A_947 : memref<1x1x4x8x128xf32, #tpu.memory_space<hbm>> -> memref<4x8x128xf32, #tpu.memory_space<hbm>>
        %dma_wait3A_949 = arith.constant 0 : i32
        %dma_wait3A_950 = arith.constant 0 : i32
        %dma_wait3A_951 = arith.constant 0 : i32
        %dma_wait3A_952 = tpu.memref_slice %arg9[%dma_wait3A_934, %dma_wait3A_949, %dma_wait3A_950, %dma_wait3A_951] : memref<4x5x8x129xf32, #tpu.memory_space<vmem>> -> memref<1x4x8x128xf32, #tpu.memory_space<vmem>>
        %dma_wait3A_953 = tpu.memref_squeeze %dma_wait3A_952 : memref<1x4x8x128xf32, #tpu.memory_space<vmem>> -> memref<4x8x128xf32, #tpu.memory_space<vmem>>
        tpu.wait_dma2 semaphore(%arg13 : memref<!tpu.dma_semaphore, #tpu.memory_space<semaphore_mem>>) src(%dma_wait3A_953 : memref<4x8x128xf32, #tpu.memory_space<vmem>>) dst(%dma_wait3A_948 : memref<4x8x128xf32, #tpu.memory_space<hbm>>)
        %dma_wait3A_954 = arith.constant 3 : i32
        %dma_wait3A_955 = arith.constant 3 : i32
        %dma_wait3A_956 = arith.constant 0 : i32
        %dma_wait3A_957 = arith.constant 0 : i32
        %dma_wait3A_958 = arith.constant 0 : i32
        %dma_wait3A_959 = tpu.memref_slice %arg9[%dma_wait3A_954, %dma_wait3A_956, %dma_wait3A_957, %dma_wait3A_958] : memref<4x5x8x129xf32, #tpu.memory_space<vmem>> -> memref<1x4x8x128xf32, #tpu.memory_space<vmem>>
        %dma_wait3A_960 = tpu.memref_squeeze %dma_wait3A_959 : memref<1x4x8x128xf32, #tpu.memory_space<vmem>> -> memref<4x8x128xf32, #tpu.memory_space<vmem>>
        %dma_wait3A_961 = arith.constant 0 : i32
        %dma_wait3A_962 = arith.constant 0 : i32
        %dma_wait3A_963 = tpu.memref_slice %arg4[%select_n3A_875, %dma_wait3A_955, %mul3A_893, %dma_wait3A_961, %dma_wait3A_962] : memref<50x4x128x8x128xf32, #tpu.memory_space<hbm>> -> memref<1x1x4x8x128xf32, #tpu.memory_space<hbm>>
        %dma_wait3A_964 = tpu.memref_squeeze %dma_wait3A_963 : memref<1x1x4x8x128xf32, #tpu.memory_space<hbm>> -> memref<4x8x128xf32, #tpu.memory_space<hbm>>
        %dma_wait3A_965 = arith.constant 0 : i32
        %dma_wait3A_966 = arith.constant 0 : i32
        %dma_wait3A_967 = tpu.memref_slice %arg4[%select_n3A_875, %dma_wait3A_955, %mul3A_893, %dma_wait3A_965, %dma_wait3A_966] : memref<50x4x128x8x128xf32, #tpu.memory_space<hbm>> -> memref<1x1x4x8x128xf32, #tpu.memory_space<hbm>>
        %dma_wait3A_968 = tpu.memref_squeeze %dma_wait3A_967 : memref<1x1x4x8x128xf32, #tpu.memory_space<hbm>> -> memref<4x8x128xf32, #tpu.memory_space<hbm>>
        %dma_wait3A_969 = arith.constant 0 : i32
        %dma_wait3A_970 = arith.constant 0 : i32
        %dma_wait3A_971 = arith.constant 0 : i32
        %dma_wait3A_972 = tpu.memref_slice %arg9[%dma_wait3A_954, %dma_wait3A_969, %dma_wait3A_970, %dma_wait3A_971] : memref<4x5x8x129xf32, #tpu.memory_space<vmem>> -> memref<1x4x8x128xf32, #tpu.memory_space<vmem>>
        %dma_wait3A_973 = tpu.memref_squeeze %dma_wait3A_972 : memref<1x4x8x128xf32, #tpu.memory_space<vmem>> -> memref<4x8x128xf32, #tpu.memory_space<vmem>>
        tpu.wait_dma2 semaphore(%arg13 : memref<!tpu.dma_semaphore, #tpu.memory_space<semaphore_mem>>) src(%dma_wait3A_973 : memref<4x8x128xf32, #tpu.memory_space<vmem>>) dst(%dma_wait3A_968 : memref<4x8x128xf32, #tpu.memory_space<hbm>>)
      } else {
      }
      %broadcast_in_dim3A_694 = arith.constant 0 : i32
      %broadcast_in_dim3A_695 = vector.broadcast %broadcast_in_dim3A_694 : i32 to vector<16xi32>
      %scan3A_696 = arith.constant 0 : i32
      %scan3A_697 = arith.constant 0 : i32
      %scan3A_698 = arith.constant 32 : i32
      %scan3A_699 = arith.addi %scan3A_697, %scan3A_698 : i32
      %scan3A_700 = arith.constant 1 : i32
      scf.for %scan3A_849 = %scan3A_697 to %scan3A_699 step %scan3A_700  : i32 {
        %mul3A_850 = arith.constant 4 : i32
        %mul3A_851 = arith.muli %mul3A_850, %scan3A_849 : i32
        %add3A_852 = arith.constant 0 : i32
        %add3A_853 = arith.addi %add3A_852, %mul3A_851 : i32
        %add3A_854 = arith.constant 0 : i32
        %add3A_855 = arith.addi %add3A_853, %add3A_854 : i32
        %get3A = arith.index_cast %add3A_855 : i32 to index
        %get3A_856 = arith.constant 0 : index
        %get3A_857 = tpu.vector_load %arg7[%get3A, %get3A_856] {strides = array<i32>} : memref<512x32xf32, #tpu.memory_space<vmem>>, vector<16xf32>,
        %mul3A_858 = arith.constant 4 : i32
        %mul3A_859 = arith.muli %mul3A_858, %scan3A_849 : i32
        %add3A_860 = arith.constant 0 : i32
        %add3A_861 = arith.addi %add3A_860, %mul3A_859 : i32
        %add3A_862 = arith.constant 0 : i32
        %add3A_863 = arith.addi %add3A_861, %add3A_862 : i32
        %get3A_864 = arith.index_cast %add3A_863 : i32 to index
        %get3A_865 = arith.constant 16 : index
        %get3A_866 = tpu.vector_load %arg7[%get3A_864, %get3A_865] {strides = array<i32>} : memref<512x32xf32, #tpu.memory_space<vmem>>, vector<16xf32>,
        %mul3A_867 = arith.constant 4 : i32
        %mul3A_868 = arith.muli %mul3A_867, %scan3A_849 : i32
        %add3A_869 = arith.constant 0 : i32
        %add3A_870 = arith.addi %add3A_869, %mul3A_868 : i32
        %add3A_871 = arith.constant 1 : i32
        %add3A_872 = arith.addi %add3A_870, %add3A_871 : i32
        %get3A_873 = arith.index_cast %add3A_872 : i32 to index
        %get3A_874 = arith.constant 0 : index
        %get3A_875 = tpu.vector_load %arg7[%get3A_873, %get3A_874] {strides = array<i32>} : memref<512x32xf32, #tpu.memory_space<vmem>>, vector<16xf32>,
        %mul3A_876 = arith.constant 4 : i32
        %mul3A_877 = arith.muli %mul3A_876, %scan3A_849 : i32
        %add3A_878 = arith.constant 0 : i32
        %add3A_879 = arith.addi %add3A_878, %mul3A_877 : i32
        %add3A_880 = arith.constant 1 : i32
        %add3A_881 = arith.addi %add3A_879, %add3A_880 : i32
        %get3A_882 = arith.index_cast %add3A_881 : i32 to index
        %get3A_883 = arith.constant 16 : index
        %get3A_884 = tpu.vector_load %arg7[%get3A_882, %get3A_883] {strides = array<i32>} : memref<512x32xf32, #tpu.memory_space<vmem>>, vector<16xf32>,
        %mul3A_885 = arith.constant 4 : i32
        %mul3A_886 = arith.muli %mul3A_885, %scan3A_849 : i32
        %add3A_887 = arith.constant 0 : i32
        %add3A_888 = arith.addi %add3A_887, %mul3A_886 : i32
        %add3A_889 = arith.constant 2 : i32
        %add3A_890 = arith.addi %add3A_888, %add3A_889 : i32
        %get3A_891 = arith.index_cast %add3A_890 : i32 to index
        %get3A_892 = arith.constant 0 : index
        %get3A_893 = tpu.vector_load %arg7[%get3A_891, %get3A_892] {strides = array<i32>} : memref<512x32xf32, #tpu.memory_space<vmem>>, vector<16xf32>,
        %mul3A_894 = arith.constant 4 : i32
        %mul3A_895 = arith.muli %mul3A_894, %scan3A_849 : i32
        %add3A_896 = arith.constant 0 : i32
        %add3A_897 = arith.addi %add3A_896, %mul3A_895 : i32
        %add3A_898 = arith.constant 2 : i32
        %add3A_899 = arith.addi %add3A_897, %add3A_898 : i32
        %get3A_900 = arith.index_cast %add3A_899 : i32 to index
        %get3A_901 = arith.constant 16 : index
        %get3A_902 = tpu.vector_load %arg7[%get3A_900, %get3A_901] {strides = array<i32>} : memref<512x32xf32, #tpu.memory_space<vmem>>, vector<16xf32>,
        %mul3A_903 = arith.constant 4 : i32
        %mul3A_904 = arith.muli %mul3A_903, %scan3A_849 : i32
        %add3A_905 = arith.constant 0 : i32
        %add3A_906 = arith.addi %add3A_905, %mul3A_904 : i32
        %add3A_907 = arith.constant 3 : i32
        %add3A_908 = arith.addi %add3A_906, %add3A_907 : i32
        %get3A_909 = arith.index_cast %add3A_908 : i32 to index
        %get3A_910 = arith.constant 0 : index
        %get3A_911 = tpu.vector_load %arg7[%get3A_909, %get3A_910] {strides = array<i32>} : memref<512x32xf32, #tpu.memory_space<vmem>>, vector<16xf32>,
        %mul3A_912 = arith.constant 4 : i32
        %mul3A_913 = arith.muli %mul3A_912, %scan3A_849 : i32
        %add3A_914 = arith.constant 0 : i32
        %add3A_915 = arith.addi %add3A_914, %mul3A_913 : i32
        %add3A_916 = arith.constant 3 : i32
        %add3A_917 = arith.addi %add3A_915, %add3A_916 : i32
        %get3A_918 = arith.index_cast %add3A_917 : i32 to index
        %get3A_919 = arith.constant 16 : index
        %get3A_920 = tpu.vector_load %arg7[%get3A_918, %get3A_919] {strides = array<i32>} : memref<512x32xf32, #tpu.memory_space<vmem>>, vector<16xf32>,
        %mul3A_921 = arith.constant 4 : i32
        %mul3A_922 = arith.muli %mul3A_921, %scan3A_849 : i32
        %add3A_923 = arith.constant 0 : i32
        %add3A_924 = arith.addi %mul3A_922, %add3A_923 : i32
        %add3A_925 = vector.broadcast %add3A_924 : i32 to vector<16xi32>
        %add3A_926 = arith.addi %broadcast_in_dim3A_5, %add3A_925 : vector<16xi32>
        tpu.vector_store_idx %arg9[%select_n3A, %broadcast_in_dim3A_695, %select_n3A_88, %add3A_926], %get3A_857 : memref<4x5x8x129xf32, #tpu.memory_space<vmem>>[vector<16xi32>, vector<16xi32>, vector<16xi32>, vector<16xi32>], vector<16xf32>,
        tpu.vector_store_idx %arg9[%select_n3A_65, %broadcast_in_dim3A_695, %select_n3A_113, %add3A_926], %get3A_866 : memref<4x5x8x129xf32, #tpu.memory_space<vmem>>[vector<16xi32>, vector<16xi32>, vector<16xi32>, vector<16xi32>], vector<16xf32>,
        %mul3A_927 = arith.constant 4 : i32
        %mul3A_928 = arith.muli %mul3A_927, %scan3A_849 : i32
        %add3A_929 = arith.constant 1 : i32
        %add3A_930 = arith.addi %mul3A_928, %add3A_929 : i32
        %add3A_931 = vector.broadcast %add3A_930 : i32 to vector<16xi32>
        %add3A_932 = arith.addi %broadcast_in_dim3A_5, %add3A_931 : vector<16xi32>
        tpu.vector_store_idx %arg9[%select_n3A, %broadcast_in_dim3A_695, %select_n3A_88, %add3A_932], %get3A_875 : memref<4x5x8x129xf32, #tpu.memory_space<vmem>>[vector<16xi32>, vector<16xi32>, vector<16xi32>, vector<16xi32>], vector<16xf32>,
        tpu.vector_store_idx %arg9[%select_n3A_65, %broadcast_in_dim3A_695, %select_n3A_113, %add3A_932], %get3A_884 : memref<4x5x8x129xf32, #tpu.memory_space<vmem>>[vector<16xi32>, vector<16xi32>, vector<16xi32>, vector<16xi32>], vector<16xf32>,
        %mul3A_933 = arith.constant 4 : i32
        %mul3A_934 = arith.muli %mul3A_933, %scan3A_849 : i32
        %add3A_935 = arith.constant 2 : i32
        %add3A_936 = arith.addi %mul3A_934, %add3A_935 : i32
        %add3A_937 = vector.broadcast %add3A_936 : i32 to vector<16xi32>
        %add3A_938 = arith.addi %broadcast_in_dim3A_5, %add3A_937 : vector<16xi32>
        tpu.vector_store_idx %arg9[%select_n3A, %broadcast_in_dim3A_695, %select_n3A_88, %add3A_938], %get3A_893 : memref<4x5x8x129xf32, #tpu.memory_space<vmem>>[vector<16xi32>, vector<16xi32>, vector<16xi32>, vector<16xi32>], vector<16xf32>,
        tpu.vector_store_idx %arg9[%select_n3A_65, %broadcast_in_dim3A_695, %select_n3A_113, %add3A_938], %get3A_902 : memref<4x5x8x129xf32, #tpu.memory_space<vmem>>[vector<16xi32>, vector<16xi32>, vector<16xi32>, vector<16xi32>], vector<16xf32>,
        %mul3A_939 = arith.constant 4 : i32
        %mul3A_940 = arith.muli %mul3A_939, %scan3A_849 : i32
        %add3A_941 = arith.constant 3 : i32
        %add3A_942 = arith.addi %mul3A_940, %add3A_941 : i32
        %add3A_943 = vector.broadcast %add3A_942 : i32 to vector<16xi32>
        %add3A_944 = arith.addi %broadcast_in_dim3A_5, %add3A_943 : vector<16xi32>
        tpu.vector_store_idx %arg9[%select_n3A, %broadcast_in_dim3A_695, %select_n3A_88, %add3A_944], %get3A_911 : memref<4x5x8x129xf32, #tpu.memory_space<vmem>>[vector<16xi32>, vector<16xi32>, vector<16xi32>, vector<16xi32>], vector<16xf32>,
        tpu.vector_store_idx %arg9[%select_n3A_65, %broadcast_in_dim3A_695, %select_n3A_113, %add3A_944], %get3A_920 : memref<4x5x8x129xf32, #tpu.memory_space<vmem>>[vector<16xi32>, vector<16xi32>, vector<16xi32>, vector<16xi32>], vector<16xf32>,
      }
      %scan3A_701 = arith.constant 32 : i32
      %broadcast_in_dim3A_702 = arith.constant 1 : i32
      %broadcast_in_dim3A_703 = vector.broadcast %broadcast_in_dim3A_702 : i32 to vector<16xi32>
      %scan3A_704 = arith.constant 0 : i32
      %scan3A_705 = arith.constant 0 : i32
      %scan3A_706 = arith.constant 32 : i32
      %scan3A_707 = arith.addi %scan3A_705, %scan3A_706 : i32
      %scan3A_708 = arith.constant 1 : i32
      scf.for %scan3A_849 = %scan3A_705 to %scan3A_707 step %scan3A_708  : i32 {
        %mul3A_850 = arith.constant 4 : i32
        %mul3A_851 = arith.muli %mul3A_850, %scan3A_849 : i32
        %add3A_852 = arith.constant 128 : i32
        %add3A_853 = arith.addi %add3A_852, %mul3A_851 : i32
        %add3A_854 = arith.constant 0 : i32
        %add3A_855 = arith.addi %add3A_853, %add3A_854 : i32
        %get3A = arith.index_cast %add3A_855 : i32 to index
        %get3A_856 = arith.constant 0 : index
        %get3A_857 = tpu.vector_load %arg7[%get3A, %get3A_856] {strides = array<i32>} : memref<512x32xf32, #tpu.memory_space<vmem>>, vector<16xf32>,
        %mul3A_858 = arith.constant 4 : i32
        %mul3A_859 = arith.muli %mul3A_858, %scan3A_849 : i32
        %add3A_860 = arith.constant 128 : i32
        %add3A_861 = arith.addi %add3A_860, %mul3A_859 : i32
        %add3A_862 = arith.constant 0 : i32
        %add3A_863 = arith.addi %add3A_861, %add3A_862 : i32
        %get3A_864 = arith.index_cast %add3A_863 : i32 to index
        %get3A_865 = arith.constant 16 : index
        %get3A_866 = tpu.vector_load %arg7[%get3A_864, %get3A_865] {strides = array<i32>} : memref<512x32xf32, #tpu.memory_space<vmem>>, vector<16xf32>,
        %mul3A_867 = arith.constant 4 : i32
        %mul3A_868 = arith.muli %mul3A_867, %scan3A_849 : i32
        %add3A_869 = arith.constant 128 : i32
        %add3A_870 = arith.addi %add3A_869, %mul3A_868 : i32
        %add3A_871 = arith.constant 1 : i32
        %add3A_872 = arith.addi %add3A_870, %add3A_871 : i32
        %get3A_873 = arith.index_cast %add3A_872 : i32 to index
        %get3A_874 = arith.constant 0 : index
        %get3A_875 = tpu.vector_load %arg7[%get3A_873, %get3A_874] {strides = array<i32>} : memref<512x32xf32, #tpu.memory_space<vmem>>, vector<16xf32>,
        %mul3A_876 = arith.constant 4 : i32
        %mul3A_877 = arith.muli %mul3A_876, %scan3A_849 : i32
        %add3A_878 = arith.constant 128 : i32
        %add3A_879 = arith.addi %add3A_878, %mul3A_877 : i32
        %add3A_880 = arith.constant 1 : i32
        %add3A_881 = arith.addi %add3A_879, %add3A_880 : i32
        %get3A_882 = arith.index_cast %add3A_881 : i32 to index
        %get3A_883 = arith.constant 16 : index
        %get3A_884 = tpu.vector_load %arg7[%get3A_882, %get3A_883] {strides = array<i32>} : memref<512x32xf32, #tpu.memory_space<vmem>>, vector<16xf32>,
        %mul3A_885 = arith.constant 4 : i32
        %mul3A_886 = arith.muli %mul3A_885, %scan3A_849 : i32
        %add3A_887 = arith.constant 128 : i32
        %add3A_888 = arith.addi %add3A_887, %mul3A_886 : i32
        %add3A_889 = arith.constant 2 : i32
        %add3A_890 = arith.addi %add3A_888, %add3A_889 : i32
        %get3A_891 = arith.index_cast %add3A_890 : i32 to index
        %get3A_892 = arith.constant 0 : index
        %get3A_893 = tpu.vector_load %arg7[%get3A_891, %get3A_892] {strides = array<i32>} : memref<512x32xf32, #tpu.memory_space<vmem>>, vector<16xf32>,
        %mul3A_894 = arith.constant 4 : i32
        %mul3A_895 = arith.muli %mul3A_894, %scan3A_849 : i32
        %add3A_896 = arith.constant 128 : i32
        %add3A_897 = arith.addi %add3A_896, %mul3A_895 : i32
        %add3A_898 = arith.constant 2 : i32
        %add3A_899 = arith.addi %add3A_897, %add3A_898 : i32
        %get3A_900 = arith.index_cast %add3A_899 : i32 to index
        %get3A_901 = arith.constant 16 : index
        %get3A_902 = tpu.vector_load %arg7[%get3A_900, %get3A_901] {strides = array<i32>} : memref<512x32xf32, #tpu.memory_space<vmem>>, vector<16xf32>,
        %mul3A_903 = arith.constant 4 : i32
        %mul3A_904 = arith.muli %mul3A_903, %scan3A_849 : i32
        %add3A_905 = arith.constant 128 : i32
        %add3A_906 = arith.addi %add3A_905, %mul3A_904 : i32
        %add3A_907 = arith.constant 3 : i32
        %add3A_908 = arith.addi %add3A_906, %add3A_907 : i32
        %get3A_909 = arith.index_cast %add3A_908 : i32 to index
        %get3A_910 = arith.constant 0 : index
        %get3A_911 = tpu.vector_load %arg7[%get3A_909, %get3A_910] {strides = array<i32>} : memref<512x32xf32, #tpu.memory_space<vmem>>, vector<16xf32>,
        %mul3A_912 = arith.constant 4 : i32
        %mul3A_913 = arith.muli %mul3A_912, %scan3A_849 : i32
        %add3A_914 = arith.constant 128 : i32
        %add3A_915 = arith.addi %add3A_914, %mul3A_913 : i32
        %add3A_916 = arith.constant 3 : i32
        %add3A_917 = arith.addi %add3A_915, %add3A_916 : i32
        %get3A_918 = arith.index_cast %add3A_917 : i32 to index
        %get3A_919 = arith.constant 16 : index
        %get3A_920 = tpu.vector_load %arg7[%get3A_918, %get3A_919] {strides = array<i32>} : memref<512x32xf32, #tpu.memory_space<vmem>>, vector<16xf32>,
        %mul3A_921 = arith.constant 4 : i32
        %mul3A_922 = arith.muli %mul3A_921, %scan3A_849 : i32
        %add3A_923 = arith.constant 0 : i32
        %add3A_924 = arith.addi %mul3A_922, %add3A_923 : i32
        %add3A_925 = vector.broadcast %add3A_924 : i32 to vector<16xi32>
        %add3A_926 = arith.addi %broadcast_in_dim3A_5, %add3A_925 : vector<16xi32>
        tpu.vector_store_idx %arg9[%select_n3A, %broadcast_in_dim3A_703, %select_n3A_88, %add3A_926], %get3A_857 : memref<4x5x8x129xf32, #tpu.memory_space<vmem>>[vector<16xi32>, vector<16xi32>, vector<16xi32>, vector<16xi32>], vector<16xf32>,
        tpu.vector_store_idx %arg9[%select_n3A_65, %broadcast_in_dim3A_703, %select_n3A_113, %add3A_926], %get3A_866 : memref<4x5x8x129xf32, #tpu.memory_space<vmem>>[vector<16xi32>, vector<16xi32>, vector<16xi32>, vector<16xi32>], vector<16xf32>,
        %mul3A_927 = arith.constant 4 : i32
        %mul3A_928 = arith.muli %mul3A_927, %scan3A_849 : i32
        %add3A_929 = arith.constant 1 : i32
        %add3A_930 = arith.addi %mul3A_928, %add3A_929 : i32
        %add3A_931 = vector.broadcast %add3A_930 : i32 to vector<16xi32>
        %add3A_932 = arith.addi %broadcast_in_dim3A_5, %add3A_931 : vector<16xi32>
        tpu.vector_store_idx %arg9[%select_n3A, %broadcast_in_dim3A_703, %select_n3A_88, %add3A_932], %get3A_875 : memref<4x5x8x129xf32, #tpu.memory_space<vmem>>[vector<16xi32>, vector<16xi32>, vector<16xi32>, vector<16xi32>], vector<16xf32>,
        tpu.vector_store_idx %arg9[%select_n3A_65, %broadcast_in_dim3A_703, %select_n3A_113, %add3A_932], %get3A_884 : memref<4x5x8x129xf32, #tpu.memory_space<vmem>>[vector<16xi32>, vector<16xi32>, vector<16xi32>, vector<16xi32>], vector<16xf32>,
        %mul3A_933 = arith.constant 4 : i32
        %mul3A_934 = arith.muli %mul3A_933, %scan3A_849 : i32
        %add3A_935 = arith.constant 2 : i32
        %add3A_936 = arith.addi %mul3A_934, %add3A_935 : i32
        %add3A_937 = vector.broadcast %add3A_936 : i32 to vector<16xi32>
        %add3A_938 = arith.addi %broadcast_in_dim3A_5, %add3A_937 : vector<16xi32>
        tpu.vector_store_idx %arg9[%select_n3A, %broadcast_in_dim3A_703, %select_n3A_88, %add3A_938], %get3A_893 : memref<4x5x8x129xf32, #tpu.memory_space<vmem>>[vector<16xi32>, vector<16xi32>, vector<16xi32>, vector<16xi32>], vector<16xf32>,
        tpu.vector_store_idx %arg9[%select_n3A_65, %broadcast_in_dim3A_703, %select_n3A_113, %add3A_938], %get3A_902 : memref<4x5x8x129xf32, #tpu.memory_space<vmem>>[vector<16xi32>, vector<16xi32>, vector<16xi32>, vector<16xi32>], vector<16xf32>,
        %mul3A_939 = arith.constant 4 : i32
        %mul3A_940 = arith.muli %mul3A_939, %scan3A_849 : i32
        %add3A_941 = arith.constant 3 : i32
        %add3A_942 = arith.addi %mul3A_940, %add3A_941 : i32
        %add3A_943 = vector.broadcast %add3A_942 : i32 to vector<16xi32>
        %add3A_944 = arith.addi %broadcast_in_dim3A_5, %add3A_943 : vector<16xi32>
        tpu.vector_store_idx %arg9[%select_n3A, %broadcast_in_dim3A_703, %select_n3A_88, %add3A_944], %get3A_911 : memref<4x5x8x129xf32, #tpu.memory_space<vmem>>[vector<16xi32>, vector<16xi32>, vector<16xi32>, vector<16xi32>], vector<16xf32>,
        tpu.vector_store_idx %arg9[%select_n3A_65, %broadcast_in_dim3A_703, %select_n3A_113, %add3A_944], %get3A_920 : memref<4x5x8x129xf32, #tpu.memory_space<vmem>>[vector<16xi32>, vector<16xi32>, vector<16xi32>, vector<16xi32>], vector<16xf32>,
      }
      %scan3A_709 = arith.constant 32 : i32
      %broadcast_in_dim3A_710 = arith.constant 2 : i32
      %broadcast_in_dim3A_711 = vector.broadcast %broadcast_in_dim3A_710 : i32 to vector<16xi32>
      %scan3A_712 = arith.constant 0 : i32
      %scan3A_713 = arith.constant 0 : i32
      %scan3A_714 = arith.constant 32 : i32
      %scan3A_715 = arith.addi %scan3A_713, %scan3A_714 : i32
      %scan3A_716 = arith.constant 1 : i32
      scf.for %scan3A_849 = %scan3A_713 to %scan3A_715 step %scan3A_716  : i32 {
        %mul3A_850 = arith.constant 4 : i32
        %mul3A_851 = arith.muli %mul3A_850, %scan3A_849 : i32
        %add3A_852 = arith.constant 256 : i32
        %add3A_853 = arith.addi %add3A_852, %mul3A_851 : i32
        %add3A_854 = arith.constant 0 : i32
        %add3A_855 = arith.addi %add3A_853, %add3A_854 : i32
        %get3A = arith.index_cast %add3A_855 : i32 to index
        %get3A_856 = arith.constant 0 : index
        %get3A_857 = tpu.vector_load %arg7[%get3A, %get3A_856] {strides = array<i32>} : memref<512x32xf32, #tpu.memory_space<vmem>>, vector<16xf32>,
        %mul3A_858 = arith.constant 4 : i32
        %mul3A_859 = arith.muli %mul3A_858, %scan3A_849 : i32
        %add3A_860 = arith.constant 256 : i32
        %add3A_861 = arith.addi %add3A_860, %mul3A_859 : i32
        %add3A_862 = arith.constant 0 : i32
        %add3A_863 = arith.addi %add3A_861, %add3A_862 : i32
        %get3A_864 = arith.index_cast %add3A_863 : i32 to index
        %get3A_865 = arith.constant 16 : index
        %get3A_866 = tpu.vector_load %arg7[%get3A_864, %get3A_865] {strides = array<i32>} : memref<512x32xf32, #tpu.memory_space<vmem>>, vector<16xf32>,
        %mul3A_867 = arith.constant 4 : i32
        %mul3A_868 = arith.muli %mul3A_867, %scan3A_849 : i32
        %add3A_869 = arith.constant 256 : i32
        %add3A_870 = arith.addi %add3A_869, %mul3A_868 : i32
        %add3A_871 = arith.constant 1 : i32
        %add3A_872 = arith.addi %add3A_870, %add3A_871 : i32
        %get3A_873 = arith.index_cast %add3A_872 : i32 to index
        %get3A_874 = arith.constant 0 : index
        %get3A_875 = tpu.vector_load %arg7[%get3A_873, %get3A_874] {strides = array<i32>} : memref<512x32xf32, #tpu.memory_space<vmem>>, vector<16xf32>,
        %mul3A_876 = arith.constant 4 : i32
        %mul3A_877 = arith.muli %mul3A_876, %scan3A_849 : i32
        %add3A_878 = arith.constant 256 : i32
        %add3A_879 = arith.addi %add3A_878, %mul3A_877 : i32
        %add3A_880 = arith.constant 1 : i32
        %add3A_881 = arith.addi %add3A_879, %add3A_880 : i32
        %get3A_882 = arith.index_cast %add3A_881 : i32 to index
        %get3A_883 = arith.constant 16 : index
        %get3A_884 = tpu.vector_load %arg7[%get3A_882, %get3A_883] {strides = array<i32>} : memref<512x32xf32, #tpu.memory_space<vmem>>, vector<16xf32>,
        %mul3A_885 = arith.constant 4 : i32
        %mul3A_886 = arith.muli %mul3A_885, %scan3A_849 : i32
        %add3A_887 = arith.constant 256 : i32
        %add3A_888 = arith.addi %add3A_887, %mul3A_886 : i32
        %add3A_889 = arith.constant 2 : i32
        %add3A_890 = arith.addi %add3A_888, %add3A_889 : i32
        %get3A_891 = arith.index_cast %add3A_890 : i32 to index
        %get3A_892 = arith.constant 0 : index
        %get3A_893 = tpu.vector_load %arg7[%get3A_891, %get3A_892] {strides = array<i32>} : memref<512x32xf32, #tpu.memory_space<vmem>>, vector<16xf32>,
        %mul3A_894 = arith.constant 4 : i32
        %mul3A_895 = arith.muli %mul3A_894, %scan3A_849 : i32
        %add3A_896 = arith.constant 256 : i32
        %add3A_897 = arith.addi %add3A_896, %mul3A_895 : i32
        %add3A_898 = arith.constant 2 : i32
        %add3A_899 = arith.addi %add3A_897, %add3A_898 : i32
        %get3A_900 = arith.index_cast %add3A_899 : i32 to index
        %get3A_901 = arith.constant 16 : index
        %get3A_902 = tpu.vector_load %arg7[%get3A_900, %get3A_901] {strides = array<i32>} : memref<512x32xf32, #tpu.memory_space<vmem>>, vector<16xf32>,
        %mul3A_903 = arith.constant 4 : i32
        %mul3A_904 = arith.muli %mul3A_903, %scan3A_849 : i32
        %add3A_905 = arith.constant 256 : i32
        %add3A_906 = arith.addi %add3A_905, %mul3A_904 : i32
        %add3A_907 = arith.constant 3 : i32
        %add3A_908 = arith.addi %add3A_906, %add3A_907 : i32
        %get3A_909 = arith.index_cast %add3A_908 : i32 to index
        %get3A_910 = arith.constant 0 : index
        %get3A_911 = tpu.vector_load %arg7[%get3A_909, %get3A_910] {strides = array<i32>} : memref<512x32xf32, #tpu.memory_space<vmem>>, vector<16xf32>,
        %mul3A_912 = arith.constant 4 : i32
        %mul3A_913 = arith.muli %mul3A_912, %scan3A_849 : i32
        %add3A_914 = arith.constant 256 : i32
        %add3A_915 = arith.addi %add3A_914, %mul3A_913 : i32
        %add3A_916 = arith.constant 3 : i32
        %add3A_917 = arith.addi %add3A_915, %add3A_916 : i32
        %get3A_918 = arith.index_cast %add3A_917 : i32 to index
        %get3A_919 = arith.constant 16 : index
        %get3A_920 = tpu.vector_load %arg7[%get3A_918, %get3A_919] {strides = array<i32>} : memref<512x32xf32, #tpu.memory_space<vmem>>, vector<16xf32>,
        %mul3A_921 = arith.constant 4 : i32
        %mul3A_922 = arith.muli %mul3A_921, %scan3A_849 : i32
        %add3A_923 = arith.constant 0 : i32
        %add3A_924 = arith.addi %mul3A_922, %add3A_923 : i32
        %add3A_925 = vector.broadcast %add3A_924 : i32 to vector<16xi32>
        %add3A_926 = arith.addi %broadcast_in_dim3A_5, %add3A_925 : vector<16xi32>
        tpu.vector_store_idx %arg9[%select_n3A, %broadcast_in_dim3A_711, %select_n3A_88, %add3A_926], %get3A_857 : memref<4x5x8x129xf32, #tpu.memory_space<vmem>>[vector<16xi32>, vector<16xi32>, vector<16xi32>, vector<16xi32>], vector<16xf32>,
        tpu.vector_store_idx %arg9[%select_n3A_65, %broadcast_in_dim3A_711, %select_n3A_113, %add3A_926], %get3A_866 : memref<4x5x8x129xf32, #tpu.memory_space<vmem>>[vector<16xi32>, vector<16xi32>, vector<16xi32>, vector<16xi32>], vector<16xf32>,
        %mul3A_927 = arith.constant 4 : i32
        %mul3A_928 = arith.muli %mul3A_927, %scan3A_849 : i32
        %add3A_929 = arith.constant 1 : i32
        %add3A_930 = arith.addi %mul3A_928, %add3A_929 : i32
        %add3A_931 = vector.broadcast %add3A_930 : i32 to vector<16xi32>
        %add3A_932 = arith.addi %broadcast_in_dim3A_5, %add3A_931 : vector<16xi32>
        tpu.vector_store_idx %arg9[%select_n3A, %broadcast_in_dim3A_711, %select_n3A_88, %add3A_932], %get3A_875 : memref<4x5x8x129xf32, #tpu.memory_space<vmem>>[vector<16xi32>, vector<16xi32>, vector<16xi32>, vector<16xi32>], vector<16xf32>,
        tpu.vector_store_idx %arg9[%select_n3A_65, %broadcast_in_dim3A_711, %select_n3A_113, %add3A_932], %get3A_884 : memref<4x5x8x129xf32, #tpu.memory_space<vmem>>[vector<16xi32>, vector<16xi32>, vector<16xi32>, vector<16xi32>], vector<16xf32>,
        %mul3A_933 = arith.constant 4 : i32
        %mul3A_934 = arith.muli %mul3A_933, %scan3A_849 : i32
        %add3A_935 = arith.constant 2 : i32
        %add3A_936 = arith.addi %mul3A_934, %add3A_935 : i32
        %add3A_937 = vector.broadcast %add3A_936 : i32 to vector<16xi32>
        %add3A_938 = arith.addi %broadcast_in_dim3A_5, %add3A_937 : vector<16xi32>
        tpu.vector_store_idx %arg9[%select_n3A, %broadcast_in_dim3A_711, %select_n3A_88, %add3A_938], %get3A_893 : memref<4x5x8x129xf32, #tpu.memory_space<vmem>>[vector<16xi32>, vector<16xi32>, vector<16xi32>, vector<16xi32>], vector<16xf32>,
        tpu.vector_store_idx %arg9[%select_n3A_65, %broadcast_in_dim3A_711, %select_n3A_113, %add3A_938], %get3A_902 : memref<4x5x8x129xf32, #tpu.memory_space<vmem>>[vector<16xi32>, vector<16xi32>, vector<16xi32>, vector<16xi32>], vector<16xf32>,
        %mul3A_939 = arith.constant 4 : i32
        %mul3A_940 = arith.muli %mul3A_939, %scan3A_849 : i32
        %add3A_941 = arith.constant 3 : i32
        %add3A_942 = arith.addi %mul3A_940, %add3A_941 : i32
        %add3A_943 = vector.broadcast %add3A_942 : i32 to vector<16xi32>
        %add3A_944 = arith.addi %broadcast_in_dim3A_5, %add3A_943 : vector<16xi32>
        tpu.vector_store_idx %arg9[%select_n3A, %broadcast_in_dim3A_711, %select_n3A_88, %add3A_944], %get3A_911 : memref<4x5x8x129xf32, #tpu.memory_space<vmem>>[vector<16xi32>, vector<16xi32>, vector<16xi32>, vector<16xi32>], vector<16xf32>,
        tpu.vector_store_idx %arg9[%select_n3A_65, %broadcast_in_dim3A_711, %select_n3A_113, %add3A_944], %get3A_920 : memref<4x5x8x129xf32, #tpu.memory_space<vmem>>[vector<16xi32>, vector<16xi32>, vector<16xi32>, vector<16xi32>], vector<16xf32>,
      }
      %scan3A_717 = arith.constant 32 : i32
      %broadcast_in_dim3A_718 = arith.constant 3 : i32
      %broadcast_in_dim3A_719 = vector.broadcast %broadcast_in_dim3A_718 : i32 to vector<16xi32>
      %scan3A_720 = arith.constant 0 : i32
      %scan3A_721 = arith.constant 0 : i32
      %scan3A_722 = arith.constant 32 : i32
      %scan3A_723 = arith.addi %scan3A_721, %scan3A_722 : i32
      %scan3A_724 = arith.constant 1 : i32
      scf.for %scan3A_849 = %scan3A_721 to %scan3A_723 step %scan3A_724  : i32 {
        %mul3A_850 = arith.constant 4 : i32
        %mul3A_851 = arith.muli %mul3A_850, %scan3A_849 : i32
        %add3A_852 = arith.constant 384 : i32
        %add3A_853 = arith.addi %add3A_852, %mul3A_851 : i32
        %add3A_854 = arith.constant 0 : i32
        %add3A_855 = arith.addi %add3A_853, %add3A_854 : i32
        %get3A = arith.index_cast %add3A_855 : i32 to index
        %get3A_856 = arith.constant 0 : index
        %get3A_857 = tpu.vector_load %arg7[%get3A, %get3A_856] {strides = array<i32>} : memref<512x32xf32, #tpu.memory_space<vmem>>, vector<16xf32>,
        %mul3A_858 = arith.constant 4 : i32
        %mul3A_859 = arith.muli %mul3A_858, %scan3A_849 : i32
        %add3A_860 = arith.constant 384 : i32
        %add3A_861 = arith.addi %add3A_860, %mul3A_859 : i32
        %add3A_862 = arith.constant 0 : i32
        %add3A_863 = arith.addi %add3A_861, %add3A_862 : i32
        %get3A_864 = arith.index_cast %add3A_863 : i32 to index
        %get3A_865 = arith.constant 16 : index
        %get3A_866 = tpu.vector_load %arg7[%get3A_864, %get3A_865] {strides = array<i32>} : memref<512x32xf32, #tpu.memory_space<vmem>>, vector<16xf32>,
        %mul3A_867 = arith.constant 4 : i32
        %mul3A_868 = arith.muli %mul3A_867, %scan3A_849 : i32
        %add3A_869 = arith.constant 384 : i32
        %add3A_870 = arith.addi %add3A_869, %mul3A_868 : i32
        %add3A_871 = arith.constant 1 : i32
        %add3A_872 = arith.addi %add3A_870, %add3A_871 : i32
        %get3A_873 = arith.index_cast %add3A_872 : i32 to index
        %get3A_874 = arith.constant 0 : index
        %get3A_875 = tpu.vector_load %arg7[%get3A_873, %get3A_874] {strides = array<i32>} : memref<512x32xf32, #tpu.memory_space<vmem>>, vector<16xf32>,
        %mul3A_876 = arith.constant 4 : i32
        %mul3A_877 = arith.muli %mul3A_876, %scan3A_849 : i32
        %add3A_878 = arith.constant 384 : i32
        %add3A_879 = arith.addi %add3A_878, %mul3A_877 : i32
        %add3A_880 = arith.constant 1 : i32
        %add3A_881 = arith.addi %add3A_879, %add3A_880 : i32
        %get3A_882 = arith.index_cast %add3A_881 : i32 to index
        %get3A_883 = arith.constant 16 : index
        %get3A_884 = tpu.vector_load %arg7[%get3A_882, %get3A_883] {strides = array<i32>} : memref<512x32xf32, #tpu.memory_space<vmem>>, vector<16xf32>,
        %mul3A_885 = arith.constant 4 : i32
        %mul3A_886 = arith.muli %mul3A_885, %scan3A_849 : i32
        %add3A_887 = arith.constant 384 : i32
        %add3A_888 = arith.addi %add3A_887, %mul3A_886 : i32
        %add3A_889 = arith.constant 2 : i32
        %add3A_890 = arith.addi %add3A_888, %add3A_889 : i32
        %get3A_891 = arith.index_cast %add3A_890 : i32 to index
        %get3A_892 = arith.constant 0 : index
        %get3A_893 = tpu.vector_load %arg7[%get3A_891, %get3A_892] {strides = array<i32>} : memref<512x32xf32, #tpu.memory_space<vmem>>, vector<16xf32>,
        %mul3A_894 = arith.constant 4 : i32
        %mul3A_895 = arith.muli %mul3A_894, %scan3A_849 : i32
        %add3A_896 = arith.constant 384 : i32
        %add3A_897 = arith.addi %add3A_896, %mul3A_895 : i32
        %add3A_898 = arith.constant 2 : i32
        %add3A_899 = arith.addi %add3A_897, %add3A_898 : i32
        %get3A_900 = arith.index_cast %add3A_899 : i32 to index
        %get3A_901 = arith.constant 16 : index
        %get3A_902 = tpu.vector_load %arg7[%get3A_900, %get3A_901] {strides = array<i32>} : memref<512x32xf32, #tpu.memory_space<vmem>>, vector<16xf32>,
        %mul3A_903 = arith.constant 4 : i32
        %mul3A_904 = arith.muli %mul3A_903, %scan3A_849 : i32
        %add3A_905 = arith.constant 384 : i32
        %add3A_906 = arith.addi %add3A_905, %mul3A_904 : i32
        %add3A_907 = arith.constant 3 : i32
        %add3A_908 = arith.addi %add3A_906, %add3A_907 : i32
        %get3A_909 = arith.index_cast %add3A_908 : i32 to index
        %get3A_910 = arith.constant 0 : index
        %get3A_911 = tpu.vector_load %arg7[%get3A_909, %get3A_910] {strides = array<i32>} : memref<512x32xf32, #tpu.memory_space<vmem>>, vector<16xf32>,
        %mul3A_912 = arith.constant 4 : i32
        %mul3A_913 = arith.muli %mul3A_912, %scan3A_849 : i32
        %add3A_914 = arith.constant 384 : i32
        %add3A_915 = arith.addi %add3A_914, %mul3A_913 : i32
        %add3A_916 = arith.constant 3 : i32
        %add3A_917 = arith.addi %add3A_915, %add3A_916 : i32
        %get3A_918 = arith.index_cast %add3A_917 : i32 to index
        %get3A_919 = arith.constant 16 : index
        %get3A_920 = tpu.vector_load %arg7[%get3A_918, %get3A_919] {strides = array<i32>} : memref<512x32xf32, #tpu.memory_space<vmem>>, vector<16xf32>,
        %mul3A_921 = arith.constant 4 : i32
        %mul3A_922 = arith.muli %mul3A_921, %scan3A_849 : i32
        %add3A_923 = arith.constant 0 : i32
        %add3A_924 = arith.addi %mul3A_922, %add3A_923 : i32
        %add3A_925 = vector.broadcast %add3A_924 : i32 to vector<16xi32>
        %add3A_926 = arith.addi %broadcast_in_dim3A_5, %add3A_925 : vector<16xi32>
        tpu.vector_store_idx %arg9[%select_n3A, %broadcast_in_dim3A_719, %select_n3A_88, %add3A_926], %get3A_857 : memref<4x5x8x129xf32, #tpu.memory_space<vmem>>[vector<16xi32>, vector<16xi32>, vector<16xi32>, vector<16xi32>], vector<16xf32>,
        tpu.vector_store_idx %arg9[%select_n3A_65, %broadcast_in_dim3A_719, %select_n3A_113, %add3A_926], %get3A_866 : memref<4x5x8x129xf32, #tpu.memory_space<vmem>>[vector<16xi32>, vector<16xi32>, vector<16xi32>, vector<16xi32>], vector<16xf32>,
        %mul3A_927 = arith.constant 4 : i32
        %mul3A_928 = arith.muli %mul3A_927, %scan3A_849 : i32
        %add3A_929 = arith.constant 1 : i32
        %add3A_930 = arith.addi %mul3A_928, %add3A_929 : i32
        %add3A_931 = vector.broadcast %add3A_930 : i32 to vector<16xi32>
        %add3A_932 = arith.addi %broadcast_in_dim3A_5, %add3A_931 : vector<16xi32>
        tpu.vector_store_idx %arg9[%select_n3A, %broadcast_in_dim3A_719, %select_n3A_88, %add3A_932], %get3A_875 : memref<4x5x8x129xf32, #tpu.memory_space<vmem>>[vector<16xi32>, vector<16xi32>, vector<16xi32>, vector<16xi32>], vector<16xf32>,
        tpu.vector_store_idx %arg9[%select_n3A_65, %broadcast_in_dim3A_719, %select_n3A_113, %add3A_932], %get3A_884 : memref<4x5x8x129xf32, #tpu.memory_space<vmem>>[vector<16xi32>, vector<16xi32>, vector<16xi32>, vector<16xi32>], vector<16xf32>,
        %mul3A_933 = arith.constant 4 : i32
        %mul3A_934 = arith.muli %mul3A_933, %scan3A_849 : i32
        %add3A_935 = arith.constant 2 : i32
        %add3A_936 = arith.addi %mul3A_934, %add3A_935 : i32
        %add3A_937 = vector.broadcast %add3A_936 : i32 to vector<16xi32>
        %add3A_938 = arith.addi %broadcast_in_dim3A_5, %add3A_937 : vector<16xi32>
        tpu.vector_store_idx %arg9[%select_n3A, %broadcast_in_dim3A_719, %select_n3A_88, %add3A_938], %get3A_893 : memref<4x5x8x129xf32, #tpu.memory_space<vmem>>[vector<16xi32>, vector<16xi32>, vector<16xi32>, vector<16xi32>], vector<16xf32>,
        tpu.vector_store_idx %arg9[%select_n3A_65, %broadcast_in_dim3A_719, %select_n3A_113, %add3A_938], %get3A_902 : memref<4x5x8x129xf32, #tpu.memory_space<vmem>>[vector<16xi32>, vector<16xi32>, vector<16xi32>, vector<16xi32>], vector<16xf32>,
        %mul3A_939 = arith.constant 4 : i32
        %mul3A_940 = arith.muli %mul3A_939, %scan3A_849 : i32
        %add3A_941 = arith.constant 3 : i32
        %add3A_942 = arith.addi %mul3A_940, %add3A_941 : i32
        %add3A_943 = vector.broadcast %add3A_942 : i32 to vector<16xi32>
        %add3A_944 = arith.addi %broadcast_in_dim3A_5, %add3A_943 : vector<16xi32>
        tpu.vector_store_idx %arg9[%select_n3A, %broadcast_in_dim3A_719, %select_n3A_88, %add3A_944], %get3A_911 : memref<4x5x8x129xf32, #tpu.memory_space<vmem>>[vector<16xi32>, vector<16xi32>, vector<16xi32>, vector<16xi32>], vector<16xf32>,
        tpu.vector_store_idx %arg9[%select_n3A_65, %broadcast_in_dim3A_719, %select_n3A_113, %add3A_944], %get3A_920 : memref<4x5x8x129xf32, #tpu.memory_space<vmem>>[vector<16xi32>, vector<16xi32>, vector<16xi32>, vector<16xi32>], vector<16xf32>,
      }
      %scan3A_725 = arith.constant 32 : i32
      %add3A_726 = arith.addi %mul3A_4, %add3A_629 : i32
      %jit3A_727 = arith.constant 32 : i32
      %div3A_728 = arith.divsi %add3A_726, %jit3A_727 : i32
      %sign3A_729 = arith.constant 0 : i32
      %sign3A_730 = arith.cmpi sgt, %add3A_726, %sign3A_729 : i32
      %sign3A_731 = arith.extui %sign3A_730 : i1 to i32
      %sign3A_732 = arith.constant 0 : i32
      %sign3A_733 = arith.cmpi slt, %add3A_726, %sign3A_732 : i32
      %sign3A_734 = arith.extui %sign3A_733 : i1 to i32
      %sign3A_735 = arith.subi %sign3A_731, %sign3A_734 : i32
      %sign3A_736 = arith.constant 0 : i32
      %sign3A_737 = arith.cmpi sgt, %jit3A_727, %sign3A_736 : i32
      %sign3A_738 = arith.extui %sign3A_737 : i1 to i32
      %sign3A_739 = arith.constant 0 : i32
      %sign3A_740 = arith.cmpi slt, %jit3A_727, %sign3A_739 : i32
      %sign3A_741 = arith.extui %sign3A_740 : i1 to i32
      %sign3A_742 = arith.subi %sign3A_738, %sign3A_741 : i32
      %ne3A_743 = arith.cmpi ne, %sign3A_735, %sign3A_742 : i32
      %rem3A_744 = arith.remsi %add3A_726, %jit3A_727 : i32
      %ne3A_745 = arith.constant 0 : i32
      %ne3A_746 = arith.cmpi ne, %rem3A_744, %ne3A_745 : i32
      %and3A_747 = arith.andi %ne3A_743, %ne3A_746 : i1
      %sub3A_748 = arith.constant 1 : i32
      %sub3A_749 = arith.subi %div3A_728, %sub3A_748 : i32
      %select_n3A_750 = arith.select %and3A_747, %sub3A_749, %div3A_728 : i32
      %jit3A_751 = arith.constant 32 : i32
      %eq3A_752 = arith.constant 0 : i32
      %eq3A_753 = arith.cmpi eq, %jit3A_751, %eq3A_752 : i32
      %jit3A_754 = arith.constant 1 : i32
      %select_n3A_755 = arith.select %eq3A_753, %jit3A_754, %jit3A_751 : i32
      %rem3A_756 = arith.remsi %add3A_726, %select_n3A_755 : i32
      %ne3A_757 = arith.constant 0 : i32
      %ne3A_758 = arith.cmpi ne, %rem3A_756, %ne3A_757 : i32
      %lt3A_759 = arith.constant 0 : i32
      %lt3A_760 = arith.cmpi slt, %rem3A_756, %lt3A_759 : i32
      %lt3A_761 = arith.constant 0 : i32
      %lt3A_762 = arith.cmpi slt, %select_n3A_755, %lt3A_761 : i32
      %ne3A_763 = arith.xori %lt3A_760, %lt3A_762 : i1
      %and3A_764 = arith.andi %ne3A_763, %ne3A_758 : i1
      %add3A_765 = arith.addi %rem3A_756, %select_n3A_755 : i32
      %select_n3A_766 = arith.select %and3A_764, %add3A_765, %rem3A_756 : i32
      %mul3A_767 = arith.constant 4 : i32
      %mul3A_768 = arith.muli %select_n3A_766, %mul3A_767 : i32
      %dma_start3A_769 = arith.constant 0 : i32
      %dma_start3A_770 = arith.constant 0 : i32
      %dma_start3A_771 = arith.constant 0 : i32
      %dma_start3A_772 = arith.constant 0 : i32
      %dma_start3A_773 = arith.constant 0 : i32
      %dma_start3A_774 = tpu.memref_slice %arg9[%dma_start3A_769, %dma_start3A_771, %dma_start3A_772, %dma_start3A_773] : memref<4x5x8x129xf32, #tpu.memory_space<vmem>> -> memref<1x4x8x128xf32, #tpu.memory_space<vmem>>
      %dma_start3A_775 = tpu.memref_squeeze %dma_start3A_774 : memref<1x4x8x128xf32, #tpu.memory_space<vmem>> -> memref<4x8x128xf32, #tpu.memory_space<vmem>>
      %dma_start3A_776 = arith.constant 0 : i32
      %dma_start3A_777 = arith.constant 0 : i32
      %dma_start3A_778 = tpu.memref_slice %arg4[%select_n3A_750, %dma_start3A_770, %mul3A_768, %dma_start3A_776, %dma_start3A_777] : memref<50x4x128x8x128xf32, #tpu.memory_space<hbm>> -> memref<1x1x4x8x128xf32, #tpu.memory_space<hbm>>
      %dma_start3A_779 = tpu.memref_squeeze %dma_start3A_778 : memref<1x1x4x8x128xf32, #tpu.memory_space<hbm>> -> memref<4x8x128xf32, #tpu.memory_space<hbm>>
      %dma_start3A_780 = arith.constant 0 : i32
      %dma_start3A_781 = arith.constant 0 : i32
      %dma_start3A_782 = tpu.memref_slice %arg4[%select_n3A_750, %dma_start3A_770, %mul3A_768, %dma_start3A_780, %dma_start3A_781] : memref<50x4x128x8x128xf32, #tpu.memory_space<hbm>> -> memref<1x1x4x8x128xf32, #tpu.memory_space<hbm>>
      %dma_start3A_783 = tpu.memref_squeeze %dma_start3A_782 : memref<1x1x4x8x128xf32, #tpu.memory_space<hbm>> -> memref<4x8x128xf32, #tpu.memory_space<hbm>>
      %dma_start3A_784 = arith.constant 0 : i32
      %dma_start3A_785 = arith.constant 0 : i32
      %dma_start3A_786 = arith.constant 0 : i32
      %dma_start3A_787 = tpu.memref_slice %arg9[%dma_start3A_769, %dma_start3A_784, %dma_start3A_785, %dma_start3A_786] : memref<4x5x8x129xf32, #tpu.memory_space<vmem>> -> memref<1x4x8x128xf32, #tpu.memory_space<vmem>>
      %dma_start3A_788 = tpu.memref_squeeze %dma_start3A_787 : memref<1x4x8x128xf32, #tpu.memory_space<vmem>> -> memref<4x8x128xf32, #tpu.memory_space<vmem>>
      tpu.enqueue_dma source(%dma_start3A_788 : memref<4x8x128xf32, #tpu.memory_space<vmem>>) target(%dma_start3A_783 : memref<4x8x128xf32, #tpu.memory_space<hbm>>) target_semaphore(%arg13 : memref<!tpu.dma_semaphore, #tpu.memory_space<semaphore_mem>>)
      %dma_start3A_789 = arith.constant 1 : i32
      %dma_start3A_790 = arith.constant 1 : i32
      %dma_start3A_791 = arith.constant 0 : i32
      %dma_start3A_792 = arith.constant 0 : i32
      %dma_start3A_793 = arith.constant 0 : i32
      %dma_start3A_794 = tpu.memref_slice %arg9[%dma_start3A_789, %dma_start3A_791, %dma_start3A_792, %dma_start3A_793] : memref<4x5x8x129xf32, #tpu.memory_space<vmem>> -> memref<1x4x8x128xf32, #tpu.memory_space<vmem>>
      %dma_start3A_795 = tpu.memref_squeeze %dma_start3A_794 : memref<1x4x8x128xf32, #tpu.memory_space<vmem>> -> memref<4x8x128xf32, #tpu.memory_space<vmem>>
      %dma_start3A_796 = arith.constant 0 : i32
      %dma_start3A_797 = arith.constant 0 : i32
      %dma_start3A_798 = tpu.memref_slice %arg4[%select_n3A_750, %dma_start3A_790, %mul3A_768, %dma_start3A_796, %dma_start3A_797] : memref<50x4x128x8x128xf32, #tpu.memory_space<hbm>> -> memref<1x1x4x8x128xf32, #tpu.memory_space<hbm>>
      %dma_start3A_799 = tpu.memref_squeeze %dma_start3A_798 : memref<1x1x4x8x128xf32, #tpu.memory_space<hbm>> -> memref<4x8x128xf32, #tpu.memory_space<hbm>>
      %dma_start3A_800 = arith.constant 0 : i32
      %dma_start3A_801 = arith.constant 0 : i32
      %dma_start3A_802 = tpu.memref_slice %arg4[%select_n3A_750, %dma_start3A_790, %mul3A_768, %dma_start3A_800, %dma_start3A_801] : memref<50x4x128x8x128xf32, #tpu.memory_space<hbm>> -> memref<1x1x4x8x128xf32, #tpu.memory_space<hbm>>
      %dma_start3A_803 = tpu.memref_squeeze %dma_start3A_802 : memref<1x1x4x8x128xf32, #tpu.memory_space<hbm>> -> memref<4x8x128xf32, #tpu.memory_space<hbm>>
      %dma_start3A_804 = arith.constant 0 : i32
      %dma_start3A_805 = arith.constant 0 : i32
      %dma_start3A_806 = arith.constant 0 : i32
      %dma_start3A_807 = tpu.memref_slice %arg9[%dma_start3A_789, %dma_start3A_804, %dma_start3A_805, %dma_start3A_806] : memref<4x5x8x129xf32, #tpu.memory_space<vmem>> -> memref<1x4x8x128xf32, #tpu.memory_space<vmem>>
      %dma_start3A_808 = tpu.memref_squeeze %dma_start3A_807 : memref<1x4x8x128xf32, #tpu.memory_space<vmem>> -> memref<4x8x128xf32, #tpu.memory_space<vmem>>
      tpu.enqueue_dma source(%dma_start3A_808 : memref<4x8x128xf32, #tpu.memory_space<vmem>>) target(%dma_start3A_803 : memref<4x8x128xf32, #tpu.memory_space<hbm>>) target_semaphore(%arg13 : memref<!tpu.dma_semaphore, #tpu.memory_space<semaphore_mem>>)
      %dma_start3A_809 = arith.constant 2 : i32
      %dma_start3A_810 = arith.constant 2 : i32
      %dma_start3A_811 = arith.constant 0 : i32
      %dma_start3A_812 = arith.constant 0 : i32
      %dma_start3A_813 = arith.constant 0 : i32
      %dma_start3A_814 = tpu.memref_slice %arg9[%dma_start3A_809, %dma_start3A_811, %dma_start3A_812, %dma_start3A_813] : memref<4x5x8x129xf32, #tpu.memory_space<vmem>> -> memref<1x4x8x128xf32, #tpu.memory_space<vmem>>
      %dma_start3A_815 = tpu.memref_squeeze %dma_start3A_814 : memref<1x4x8x128xf32, #tpu.memory_space<vmem>> -> memref<4x8x128xf32, #tpu.memory_space<vmem>>
      %dma_start3A_816 = arith.constant 0 : i32
      %dma_start3A_817 = arith.constant 0 : i32
      %dma_start3A_818 = tpu.memref_slice %arg4[%select_n3A_750, %dma_start3A_810, %mul3A_768, %dma_start3A_816, %dma_start3A_817] : memref<50x4x128x8x128xf32, #tpu.memory_space<hbm>> -> memref<1x1x4x8x128xf32, #tpu.memory_space<hbm>>
      %dma_start3A_819 = tpu.memref_squeeze %dma_start3A_818 : memref<1x1x4x8x128xf32, #tpu.memory_space<hbm>> -> memref<4x8x128xf32, #tpu.memory_space<hbm>>
      %dma_start3A_820 = arith.constant 0 : i32
      %dma_start3A_821 = arith.constant 0 : i32
      %dma_start3A_822 = tpu.memref_slice %arg4[%select_n3A_750, %dma_start3A_810, %mul3A_768, %dma_start3A_820, %dma_start3A_821] : memref<50x4x128x8x128xf32, #tpu.memory_space<hbm>> -> memref<1x1x4x8x128xf32, #tpu.memory_space<hbm>>
      %dma_start3A_823 = tpu.memref_squeeze %dma_start3A_822 : memref<1x1x4x8x128xf32, #tpu.memory_space<hbm>> -> memref<4x8x128xf32, #tpu.memory_space<hbm>>
      %dma_start3A_824 = arith.constant 0 : i32
      %dma_start3A_825 = arith.constant 0 : i32
      %dma_start3A_826 = arith.constant 0 : i32
      %dma_start3A_827 = tpu.memref_slice %arg9[%dma_start3A_809, %dma_start3A_824, %dma_start3A_825, %dma_start3A_826] : memref<4x5x8x129xf32, #tpu.memory_space<vmem>> -> memref<1x4x8x128xf32, #tpu.memory_space<vmem>>
      %dma_start3A_828 = tpu.memref_squeeze %dma_start3A_827 : memref<1x4x8x128xf32, #tpu.memory_space<vmem>> -> memref<4x8x128xf32, #tpu.memory_space<vmem>>
      tpu.enqueue_dma source(%dma_start3A_828 : memref<4x8x128xf32, #tpu.memory_space<vmem>>) target(%dma_start3A_823 : memref<4x8x128xf32, #tpu.memory_space<hbm>>) target_semaphore(%arg13 : memref<!tpu.dma_semaphore, #tpu.memory_space<semaphore_mem>>)
      %dma_start3A_829 = arith.constant 3 : i32
      %dma_start3A_830 = arith.constant 3 : i32
      %dma_start3A_831 = arith.constant 0 : i32
      %dma_start3A_832 = arith.constant 0 : i32
      %dma_start3A_833 = arith.constant 0 : i32
      %dma_start3A_834 = tpu.memref_slice %arg9[%dma_start3A_829, %dma_start3A_831, %dma_start3A_832, %dma_start3A_833] : memref<4x5x8x129xf32, #tpu.memory_space<vmem>> -> memref<1x4x8x128xf32, #tpu.memory_space<vmem>>
      %dma_start3A_835 = tpu.memref_squeeze %dma_start3A_834 : memref<1x4x8x128xf32, #tpu.memory_space<vmem>> -> memref<4x8x128xf32, #tpu.memory_space<vmem>>
      %dma_start3A_836 = arith.constant 0 : i32
      %dma_start3A_837 = arith.constant 0 : i32
      %dma_start3A_838 = tpu.memref_slice %arg4[%select_n3A_750, %dma_start3A_830, %mul3A_768, %dma_start3A_836, %dma_start3A_837] : memref<50x4x128x8x128xf32, #tpu.memory_space<hbm>> -> memref<1x1x4x8x128xf32, #tpu.memory_space<hbm>>
      %dma_start3A_839 = tpu.memref_squeeze %dma_start3A_838 : memref<1x1x4x8x128xf32, #tpu.memory_space<hbm>> -> memref<4x8x128xf32, #tpu.memory_space<hbm>>
      %dma_start3A_840 = arith.constant 0 : i32
      %dma_start3A_841 = arith.constant 0 : i32
      %dma_start3A_842 = tpu.memref_slice %arg4[%select_n3A_750, %dma_start3A_830, %mul3A_768, %dma_start3A_840, %dma_start3A_841] : memref<50x4x128x8x128xf32, #tpu.memory_space<hbm>> -> memref<1x1x4x8x128xf32, #tpu.memory_space<hbm>>
      %dma_start3A_843 = tpu.memref_squeeze %dma_start3A_842 : memref<1x1x4x8x128xf32, #tpu.memory_space<hbm>> -> memref<4x8x128xf32, #tpu.memory_space<hbm>>
      %dma_start3A_844 = arith.constant 0 : i32
      %dma_start3A_845 = arith.constant 0 : i32
      %dma_start3A_846 = arith.constant 0 : i32
      %dma_start3A_847 = tpu.memref_slice %arg9[%dma_start3A_829, %dma_start3A_844, %dma_start3A_845, %dma_start3A_846] : memref<4x5x8x129xf32, #tpu.memory_space<vmem>> -> memref<1x4x8x128xf32, #tpu.memory_space<vmem>>
      %dma_start3A_848 = tpu.memref_squeeze %dma_start3A_847 : memref<1x4x8x128xf32, #tpu.memory_space<vmem>> -> memref<4x8x128xf32, #tpu.memory_space<vmem>>
      tpu.enqueue_dma source(%dma_start3A_848 : memref<4x8x128xf32, #tpu.memory_space<vmem>>) target(%dma_start3A_843 : memref<4x8x128xf32, #tpu.memory_space<hbm>>) target_semaphore(%arg13 : memref<!tpu.dma_semaphore, #tpu.memory_space<semaphore_mem>>)
    }
    %scan3A_157 = arith.constant 25 : i32
    %add3A_158 = arith.constant 48 : i32
    %add3A_159 = arith.addi %mul3A_4, %add3A_158 : i32
    %jit3A_160 = arith.constant 32 : i32
    %div3A_161 = arith.divsi %add3A_159, %jit3A_160 : i32
    %sign3A_162 = arith.constant 0 : i32
    %sign3A_163 = arith.cmpi sgt, %add3A_159, %sign3A_162 : i32
    %sign3A_164 = arith.extui %sign3A_163 : i1 to i32
    %sign3A_165 = arith.constant 0 : i32
    %sign3A_166 = arith.cmpi slt, %add3A_159, %sign3A_165 : i32
    %sign3A_167 = arith.extui %sign3A_166 : i1 to i32
    %sign3A_168 = arith.subi %sign3A_164, %sign3A_167 : i32
    %sign3A_169 = arith.constant 0 : i32
    %sign3A_170 = arith.cmpi sgt, %jit3A_160, %sign3A_169 : i32
    %sign3A_171 = arith.extui %sign3A_170 : i1 to i32
    %sign3A_172 = arith.constant 0 : i32
    %sign3A_173 = arith.cmpi slt, %jit3A_160, %sign3A_172 : i32
    %sign3A_174 = arith.extui %sign3A_173 : i1 to i32
    %sign3A_175 = arith.subi %sign3A_171, %sign3A_174 : i32
    %ne3A_176 = arith.cmpi ne, %sign3A_168, %sign3A_175 : i32
    %rem3A_177 = arith.remsi %add3A_159, %jit3A_160 : i32
    %ne3A_178 = arith.constant 0 : i32
    %ne3A_179 = arith.cmpi ne, %rem3A_177, %ne3A_178 : i32
    %and3A_180 = arith.andi %ne3A_176, %ne3A_179 : i1
    %sub3A_181 = arith.constant 1 : i32
    %sub3A_182 = arith.subi %div3A_161, %sub3A_181 : i32
    %select_n3A_183 = arith.select %and3A_180, %sub3A_182, %div3A_161 : i32
    %jit3A_184 = arith.constant 32 : i32
    %eq3A_185 = arith.constant 0 : i32
    %eq3A_186 = arith.cmpi eq, %jit3A_184, %eq3A_185 : i32
    %jit3A_187 = arith.constant 1 : i32
    %select_n3A_188 = arith.select %eq3A_186, %jit3A_187, %jit3A_184 : i32
    %rem3A_189 = arith.remsi %add3A_159, %select_n3A_188 : i32
    %ne3A_190 = arith.constant 0 : i32
    %ne3A_191 = arith.cmpi ne, %rem3A_189, %ne3A_190 : i32
    %lt3A_192 = arith.constant 0 : i32
    %lt3A_193 = arith.cmpi slt, %rem3A_189, %lt3A_192 : i32
    %lt3A_194 = arith.constant 0 : i32
    %lt3A_195 = arith.cmpi slt, %select_n3A_188, %lt3A_194 : i32
    %ne3A_196 = arith.xori %lt3A_193, %lt3A_195 : i1
    %and3A_197 = arith.andi %ne3A_196, %ne3A_191 : i1
    %add3A_198 = arith.addi %rem3A_189, %select_n3A_188 : i32
    %select_n3A_199 = arith.select %and3A_197, %add3A_198, %rem3A_189 : i32
    %mul3A_200 = arith.constant 4 : i32
    %mul3A_201 = arith.muli %select_n3A_199, %mul3A_200 : i32
    %dma_wait3A = arith.constant 0 : i32
    %dma_wait3A_202 = arith.constant 0 : i32
    %dma_wait3A_203 = arith.constant 0 : i32
    %dma_wait3A_204 = arith.constant 0 : i32
    %dma_wait3A_205 = arith.constant 0 : i32
    %dma_wait3A_206 = tpu.memref_slice %arg8[%dma_wait3A, %dma_wait3A_203, %dma_wait3A_204, %dma_wait3A_205] : memref<4x5x8x129xf32, #tpu.memory_space<vmem>> -> memref<1x4x8x128xf32, #tpu.memory_space<vmem>>
    %dma_wait3A_207 = tpu.memref_squeeze %dma_wait3A_206 : memref<1x4x8x128xf32, #tpu.memory_space<vmem>> -> memref<4x8x128xf32, #tpu.memory_space<vmem>>
    %dma_wait3A_208 = arith.constant 0 : i32
    %dma_wait3A_209 = arith.constant 0 : i32
    %dma_wait3A_210 = tpu.memref_slice %arg4[%select_n3A_183, %dma_wait3A_202, %mul3A_201, %dma_wait3A_208, %dma_wait3A_209] : memref<50x4x128x8x128xf32, #tpu.memory_space<hbm>> -> memref<1x1x4x8x128xf32, #tpu.memory_space<hbm>>
    %dma_wait3A_211 = tpu.memref_squeeze %dma_wait3A_210 : memref<1x1x4x8x128xf32, #tpu.memory_space<hbm>> -> memref<4x8x128xf32, #tpu.memory_space<hbm>>
    %dma_wait3A_212 = arith.constant 0 : i32
    %dma_wait3A_213 = arith.constant 0 : i32
    %dma_wait3A_214 = tpu.memref_slice %arg4[%select_n3A_183, %dma_wait3A_202, %mul3A_201, %dma_wait3A_212, %dma_wait3A_213] : memref<50x4x128x8x128xf32, #tpu.memory_space<hbm>> -> memref<1x1x4x8x128xf32, #tpu.memory_space<hbm>>
    %dma_wait3A_215 = tpu.memref_squeeze %dma_wait3A_214 : memref<1x1x4x8x128xf32, #tpu.memory_space<hbm>> -> memref<4x8x128xf32, #tpu.memory_space<hbm>>
    %dma_wait3A_216 = arith.constant 0 : i32
    %dma_wait3A_217 = arith.constant 0 : i32
    %dma_wait3A_218 = arith.constant 0 : i32
    %dma_wait3A_219 = tpu.memref_slice %arg8[%dma_wait3A, %dma_wait3A_216, %dma_wait3A_217, %dma_wait3A_218] : memref<4x5x8x129xf32, #tpu.memory_space<vmem>> -> memref<1x4x8x128xf32, #tpu.memory_space<vmem>>
    %dma_wait3A_220 = tpu.memref_squeeze %dma_wait3A_219 : memref<1x4x8x128xf32, #tpu.memory_space<vmem>> -> memref<4x8x128xf32, #tpu.memory_space<vmem>>
    tpu.wait_dma2 semaphore(%arg12 : memref<!tpu.dma_semaphore, #tpu.memory_space<semaphore_mem>>) src(%dma_wait3A_220 : memref<4x8x128xf32, #tpu.memory_space<vmem>>) dst(%dma_wait3A_215 : memref<4x8x128xf32, #tpu.memory_space<hbm>>)
    %dma_wait3A_221 = arith.constant 1 : i32
    %dma_wait3A_222 = arith.constant 1 : i32
    %dma_wait3A_223 = arith.constant 0 : i32
    %dma_wait3A_224 = arith.constant 0 : i32
    %dma_wait3A_225 = arith.constant 0 : i32
    %dma_wait3A_226 = tpu.memref_slice %arg8[%dma_wait3A_221, %dma_wait3A_223, %dma_wait3A_224, %dma_wait3A_225] : memref<4x5x8x129xf32, #tpu.memory_space<vmem>> -> memref<1x4x8x128xf32, #tpu.memory_space<vmem>>
    %dma_wait3A_227 = tpu.memref_squeeze %dma_wait3A_226 : memref<1x4x8x128xf32, #tpu.memory_space<vmem>> -> memref<4x8x128xf32, #tpu.memory_space<vmem>>
    %dma_wait3A_228 = arith.constant 0 : i32
    %dma_wait3A_229 = arith.constant 0 : i32
    %dma_wait3A_230 = tpu.memref_slice %arg4[%select_n3A_183, %dma_wait3A_222, %mul3A_201, %dma_wait3A_228, %dma_wait3A_229] : memref<50x4x128x8x128xf32, #tpu.memory_space<hbm>> -> memref<1x1x4x8x128xf32, #tpu.memory_space<hbm>>
    %dma_wait3A_231 = tpu.memref_squeeze %dma_wait3A_230 : memref<1x1x4x8x128xf32, #tpu.memory_space<hbm>> -> memref<4x8x128xf32, #tpu.memory_space<hbm>>
    %dma_wait3A_232 = arith.constant 0 : i32
    %dma_wait3A_233 = arith.constant 0 : i32
    %dma_wait3A_234 = tpu.memref_slice %arg4[%select_n3A_183, %dma_wait3A_222, %mul3A_201, %dma_wait3A_232, %dma_wait3A_233] : memref<50x4x128x8x128xf32, #tpu.memory_space<hbm>> -> memref<1x1x4x8x128xf32, #tpu.memory_space<hbm>>
    %dma_wait3A_235 = tpu.memref_squeeze %dma_wait3A_234 : memref<1x1x4x8x128xf32, #tpu.memory_space<hbm>> -> memref<4x8x128xf32, #tpu.memory_space<hbm>>
    %dma_wait3A_236 = arith.constant 0 : i32
    %dma_wait3A_237 = arith.constant 0 : i32
    %dma_wait3A_238 = arith.constant 0 : i32
    %dma_wait3A_239 = tpu.memref_slice %arg8[%dma_wait3A_221, %dma_wait3A_236, %dma_wait3A_237, %dma_wait3A_238] : memref<4x5x8x129xf32, #tpu.memory_space<vmem>> -> memref<1x4x8x128xf32, #tpu.memory_space<vmem>>
    %dma_wait3A_240 = tpu.memref_squeeze %dma_wait3A_239 : memref<1x4x8x128xf32, #tpu.memory_space<vmem>> -> memref<4x8x128xf32, #tpu.memory_space<vmem>>
    tpu.wait_dma2 semaphore(%arg12 : memref<!tpu.dma_semaphore, #tpu.memory_space<semaphore_mem>>) src(%dma_wait3A_240 : memref<4x8x128xf32, #tpu.memory_space<vmem>>) dst(%dma_wait3A_235 : memref<4x8x128xf32, #tpu.memory_space<hbm>>)
    %dma_wait3A_241 = arith.constant 2 : i32
    %dma_wait3A_242 = arith.constant 2 : i32
    %dma_wait3A_243 = arith.constant 0 : i32
    %dma_wait3A_244 = arith.constant 0 : i32
    %dma_wait3A_245 = arith.constant 0 : i32
    %dma_wait3A_246 = tpu.memref_slice %arg8[%dma_wait3A_241, %dma_wait3A_243, %dma_wait3A_244, %dma_wait3A_245] : memref<4x5x8x129xf32, #tpu.memory_space<vmem>> -> memref<1x4x8x128xf32, #tpu.memory_space<vmem>>
    %dma_wait3A_247 = tpu.memref_squeeze %dma_wait3A_246 : memref<1x4x8x128xf32, #tpu.memory_space<vmem>> -> memref<4x8x128xf32, #tpu.memory_space<vmem>>
    %dma_wait3A_248 = arith.constant 0 : i32
    %dma_wait3A_249 = arith.constant 0 : i32
    %dma_wait3A_250 = tpu.memref_slice %arg4[%select_n3A_183, %dma_wait3A_242, %mul3A_201, %dma_wait3A_248, %dma_wait3A_249] : memref<50x4x128x8x128xf32, #tpu.memory_space<hbm>> -> memref<1x1x4x8x128xf32, #tpu.memory_space<hbm>>
    %dma_wait3A_251 = tpu.memref_squeeze %dma_wait3A_250 : memref<1x1x4x8x128xf32, #tpu.memory_space<hbm>> -> memref<4x8x128xf32, #tpu.memory_space<hbm>>
    %dma_wait3A_252 = arith.constant 0 : i32
    %dma_wait3A_253 = arith.constant 0 : i32
    %dma_wait3A_254 = tpu.memref_slice %arg4[%select_n3A_183, %dma_wait3A_242, %mul3A_201, %dma_wait3A_252, %dma_wait3A_253] : memref<50x4x128x8x128xf32, #tpu.memory_space<hbm>> -> memref<1x1x4x8x128xf32, #tpu.memory_space<hbm>>
    %dma_wait3A_255 = tpu.memref_squeeze %dma_wait3A_254 : memref<1x1x4x8x128xf32, #tpu.memory_space<hbm>> -> memref<4x8x128xf32, #tpu.memory_space<hbm>>
    %dma_wait3A_256 = arith.constant 0 : i32
    %dma_wait3A_257 = arith.constant 0 : i32
    %dma_wait3A_258 = arith.constant 0 : i32
    %dma_wait3A_259 = tpu.memref_slice %arg8[%dma_wait3A_241, %dma_wait3A_256, %dma_wait3A_257, %dma_wait3A_258] : memref<4x5x8x129xf32, #tpu.memory_space<vmem>> -> memref<1x4x8x128xf32, #tpu.memory_space<vmem>>
    %dma_wait3A_260 = tpu.memref_squeeze %dma_wait3A_259 : memref<1x4x8x128xf32, #tpu.memory_space<vmem>> -> memref<4x8x128xf32, #tpu.memory_space<vmem>>
    tpu.wait_dma2 semaphore(%arg12 : memref<!tpu.dma_semaphore, #tpu.memory_space<semaphore_mem>>) src(%dma_wait3A_260 : memref<4x8x128xf32, #tpu.memory_space<vmem>>) dst(%dma_wait3A_255 : memref<4x8x128xf32, #tpu.memory_space<hbm>>)
    %dma_wait3A_261 = arith.constant 3 : i32
    %dma_wait3A_262 = arith.constant 3 : i32
    %dma_wait3A_263 = arith.constant 0 : i32
    %dma_wait3A_264 = arith.constant 0 : i32
    %dma_wait3A_265 = arith.constant 0 : i32
    %dma_wait3A_266 = tpu.memref_slice %arg8[%dma_wait3A_261, %dma_wait3A_263, %dma_wait3A_264, %dma_wait3A_265] : memref<4x5x8x129xf32, #tpu.memory_space<vmem>> -> memref<1x4x8x128xf32, #tpu.memory_space<vmem>>
    %dma_wait3A_267 = tpu.memref_squeeze %dma_wait3A_266 : memref<1x4x8x128xf32, #tpu.memory_space<vmem>> -> memref<4x8x128xf32, #tpu.memory_space<vmem>>
    %dma_wait3A_268 = arith.constant 0 : i32
    %dma_wait3A_269 = arith.constant 0 : i32
    %dma_wait3A_270 = tpu.memref_slice %arg4[%select_n3A_183, %dma_wait3A_262, %mul3A_201, %dma_wait3A_268, %dma_wait3A_269] : memref<50x4x128x8x128xf32, #tpu.memory_space<hbm>> -> memref<1x1x4x8x128xf32, #tpu.memory_space<hbm>>
    %dma_wait3A_271 = tpu.memref_squeeze %dma_wait3A_270 : memref<1x1x4x8x128xf32, #tpu.memory_space<hbm>> -> memref<4x8x128xf32, #tpu.memory_space<hbm>>
    %dma_wait3A_272 = arith.constant 0 : i32
    %dma_wait3A_273 = arith.constant 0 : i32
    %dma_wait3A_274 = tpu.memref_slice %arg4[%select_n3A_183, %dma_wait3A_262, %mul3A_201, %dma_wait3A_272, %dma_wait3A_273] : memref<50x4x128x8x128xf32, #tpu.memory_space<hbm>> -> memref<1x1x4x8x128xf32, #tpu.memory_space<hbm>>
    %dma_wait3A_275 = tpu.memref_squeeze %dma_wait3A_274 : memref<1x1x4x8x128xf32, #tpu.memory_space<hbm>> -> memref<4x8x128xf32, #tpu.memory_space<hbm>>
    %dma_wait3A_276 = arith.constant 0 : i32
    %dma_wait3A_277 = arith.constant 0 : i32
    %dma_wait3A_278 = arith.constant 0 : i32
    %dma_wait3A_279 = tpu.memref_slice %arg8[%dma_wait3A_261, %dma_wait3A_276, %dma_wait3A_277, %dma_wait3A_278] : memref<4x5x8x129xf32, #tpu.memory_space<vmem>> -> memref<1x4x8x128xf32, #tpu.memory_space<vmem>>
    %dma_wait3A_280 = tpu.memref_squeeze %dma_wait3A_279 : memref<1x4x8x128xf32, #tpu.memory_space<vmem>> -> memref<4x8x128xf32, #tpu.memory_space<vmem>>
    tpu.wait_dma2 semaphore(%arg12 : memref<!tpu.dma_semaphore, #tpu.memory_space<semaphore_mem>>) src(%dma_wait3A_280 : memref<4x8x128xf32, #tpu.memory_space<vmem>>) dst(%dma_wait3A_275 : memref<4x8x128xf32, #tpu.memory_space<hbm>>)
    %add3A_281 = arith.constant 49 : i32
    %add3A_282 = arith.addi %mul3A_4, %add3A_281 : i32
    %jit3A_283 = arith.constant 32 : i32
    %div3A_284 = arith.divsi %add3A_282, %jit3A_283 : i32
    %sign3A_285 = arith.constant 0 : i32
    %sign3A_286 = arith.cmpi sgt, %add3A_282, %sign3A_285 : i32
    %sign3A_287 = arith.extui %sign3A_286 : i1 to i32
    %sign3A_288 = arith.constant 0 : i32
    %sign3A_289 = arith.cmpi slt, %add3A_282, %sign3A_288 : i32
    %sign3A_290 = arith.extui %sign3A_289 : i1 to i32
    %sign3A_291 = arith.subi %sign3A_287, %sign3A_290 : i32
    %sign3A_292 = arith.constant 0 : i32
    %sign3A_293 = arith.cmpi sgt, %jit3A_283, %sign3A_292 : i32
    %sign3A_294 = arith.extui %sign3A_293 : i1 to i32
    %sign3A_295 = arith.constant 0 : i32
    %sign3A_296 = arith.cmpi slt, %jit3A_283, %sign3A_295 : i32
    %sign3A_297 = arith.extui %sign3A_296 : i1 to i32
    %sign3A_298 = arith.subi %sign3A_294, %sign3A_297 : i32
    %ne3A_299 = arith.cmpi ne, %sign3A_291, %sign3A_298 : i32
    %rem3A_300 = arith.remsi %add3A_282, %jit3A_283 : i32
    %ne3A_301 = arith.constant 0 : i32
    %ne3A_302 = arith.cmpi ne, %rem3A_300, %ne3A_301 : i32
    %and3A_303 = arith.andi %ne3A_299, %ne3A_302 : i1
    %sub3A_304 = arith.constant 1 : i32
    %sub3A_305 = arith.subi %div3A_284, %sub3A_304 : i32
    %select_n3A_306 = arith.select %and3A_303, %sub3A_305, %div3A_284 : i32
    %jit3A_307 = arith.constant 32 : i32
    %eq3A_308 = arith.constant 0 : i32
    %eq3A_309 = arith.cmpi eq, %jit3A_307, %eq3A_308 : i32
    %jit3A_310 = arith.constant 1 : i32
    %select_n3A_311 = arith.select %eq3A_309, %jit3A_310, %jit3A_307 : i32
    %rem3A_312 = arith.remsi %add3A_282, %select_n3A_311 : i32
    %ne3A_313 = arith.constant 0 : i32
    %ne3A_314 = arith.cmpi ne, %rem3A_312, %ne3A_313 : i32
    %lt3A_315 = arith.constant 0 : i32
    %lt3A_316 = arith.cmpi slt, %rem3A_312, %lt3A_315 : i32
    %lt3A_317 = arith.constant 0 : i32
    %lt3A_318 = arith.cmpi slt, %select_n3A_311, %lt3A_317 : i32
    %ne3A_319 = arith.xori %lt3A_316, %lt3A_318 : i1
    %and3A_320 = arith.andi %ne3A_319, %ne3A_314 : i1
    %add3A_321 = arith.addi %rem3A_312, %select_n3A_311 : i32
    %select_n3A_322 = arith.select %and3A_320, %add3A_321, %rem3A_312 : i32
    %mul3A_323 = arith.constant 4 : i32
    %mul3A_324 = arith.muli %select_n3A_322, %mul3A_323 : i32
    %dma_wait3A_325 = arith.constant 0 : i32
    %dma_wait3A_326 = arith.constant 0 : i32
    %dma_wait3A_327 = arith.constant 0 : i32
    %dma_wait3A_328 = arith.constant 0 : i32
    %dma_wait3A_329 = arith.constant 0 : i32
    %dma_wait3A_330 = tpu.memref_slice %arg9[%dma_wait3A_325, %dma_wait3A_327, %dma_wait3A_328, %dma_wait3A_329] : memref<4x5x8x129xf32, #tpu.memory_space<vmem>> -> memref<1x4x8x128xf32, #tpu.memory_space<vmem>>
    %dma_wait3A_331 = tpu.memref_squeeze %dma_wait3A_330 : memref<1x4x8x128xf32, #tpu.memory_space<vmem>> -> memref<4x8x128xf32, #tpu.memory_space<vmem>>
    %dma_wait3A_332 = arith.constant 0 : i32
    %dma_wait3A_333 = arith.constant 0 : i32
    %dma_wait3A_334 = tpu.memref_slice %arg4[%select_n3A_306, %dma_wait3A_326, %mul3A_324, %dma_wait3A_332, %dma_wait3A_333] : memref<50x4x128x8x128xf32, #tpu.memory_space<hbm>> -> memref<1x1x4x8x128xf32, #tpu.memory_space<hbm>>
    %dma_wait3A_335 = tpu.memref_squeeze %dma_wait3A_334 : memref<1x1x4x8x128xf32, #tpu.memory_space<hbm>> -> memref<4x8x128xf32, #tpu.memory_space<hbm>>
    %dma_wait3A_336 = arith.constant 0 : i32
    %dma_wait3A_337 = arith.constant 0 : i32
    %dma_wait3A_338 = tpu.memref_slice %arg4[%select_n3A_306, %dma_wait3A_326, %mul3A_324, %dma_wait3A_336, %dma_wait3A_337] : memref<50x4x128x8x128xf32, #tpu.memory_space<hbm>> -> memref<1x1x4x8x128xf32, #tpu.memory_space<hbm>>
    %dma_wait3A_339 = tpu.memref_squeeze %dma_wait3A_338 : memref<1x1x4x8x128xf32, #tpu.memory_space<hbm>> -> memref<4x8x128xf32, #tpu.memory_space<hbm>>
    %dma_wait3A_340 = arith.constant 0 : i32
    %dma_wait3A_341 = arith.constant 0 : i32
    %dma_wait3A_342 = arith.constant 0 : i32
    %dma_wait3A_343 = tpu.memref_slice %arg9[%dma_wait3A_325, %dma_wait3A_340, %dma_wait3A_341, %dma_wait3A_342] : memref<4x5x8x129xf32, #tpu.memory_space<vmem>> -> memref<1x4x8x128xf32, #tpu.memory_space<vmem>>
    %dma_wait3A_344 = tpu.memref_squeeze %dma_wait3A_343 : memref<1x4x8x128xf32, #tpu.memory_space<vmem>> -> memref<4x8x128xf32, #tpu.memory_space<vmem>>
    tpu.wait_dma2 semaphore(%arg13 : memref<!tpu.dma_semaphore, #tpu.memory_space<semaphore_mem>>) src(%dma_wait3A_344 : memref<4x8x128xf32, #tpu.memory_space<vmem>>) dst(%dma_wait3A_339 : memref<4x8x128xf32, #tpu.memory_space<hbm>>)
    %dma_wait3A_345 = arith.constant 1 : i32
    %dma_wait3A_346 = arith.constant 1 : i32
    %dma_wait3A_347 = arith.constant 0 : i32
    %dma_wait3A_348 = arith.constant 0 : i32
    %dma_wait3A_349 = arith.constant 0 : i32
    %dma_wait3A_350 = tpu.memref_slice %arg9[%dma_wait3A_345, %dma_wait3A_347, %dma_wait3A_348, %dma_wait3A_349] : memref<4x5x8x129xf32, #tpu.memory_space<vmem>> -> memref<1x4x8x128xf32, #tpu.memory_space<vmem>>
    %dma_wait3A_351 = tpu.memref_squeeze %dma_wait3A_350 : memref<1x4x8x128xf32, #tpu.memory_space<vmem>> -> memref<4x8x128xf32, #tpu.memory_space<vmem>>
    %dma_wait3A_352 = arith.constant 0 : i32
    %dma_wait3A_353 = arith.constant 0 : i32
    %dma_wait3A_354 = tpu.memref_slice %arg4[%select_n3A_306, %dma_wait3A_346, %mul3A_324, %dma_wait3A_352, %dma_wait3A_353] : memref<50x4x128x8x128xf32, #tpu.memory_space<hbm>> -> memref<1x1x4x8x128xf32, #tpu.memory_space<hbm>>
    %dma_wait3A_355 = tpu.memref_squeeze %dma_wait3A_354 : memref<1x1x4x8x128xf32, #tpu.memory_space<hbm>> -> memref<4x8x128xf32, #tpu.memory_space<hbm>>
    %dma_wait3A_356 = arith.constant 0 : i32
    %dma_wait3A_357 = arith.constant 0 : i32
    %dma_wait3A_358 = tpu.memref_slice %arg4[%select_n3A_306, %dma_wait3A_346, %mul3A_324, %dma_wait3A_356, %dma_wait3A_357] : memref<50x4x128x8x128xf32, #tpu.memory_space<hbm>> -> memref<1x1x4x8x128xf32, #tpu.memory_space<hbm>>
    %dma_wait3A_359 = tpu.memref_squeeze %dma_wait3A_358 : memref<1x1x4x8x128xf32, #tpu.memory_space<hbm>> -> memref<4x8x128xf32, #tpu.memory_space<hbm>>
    %dma_wait3A_360 = arith.constant 0 : i32
    %dma_wait3A_361 = arith.constant 0 : i32
    %dma_wait3A_362 = arith.constant 0 : i32
    %dma_wait3A_363 = tpu.memref_slice %arg9[%dma_wait3A_345, %dma_wait3A_360, %dma_wait3A_361, %dma_wait3A_362] : memref<4x5x8x129xf32, #tpu.memory_space<vmem>> -> memref<1x4x8x128xf32, #tpu.memory_space<vmem>>
    %dma_wait3A_364 = tpu.memref_squeeze %dma_wait3A_363 : memref<1x4x8x128xf32, #tpu.memory_space<vmem>> -> memref<4x8x128xf32, #tpu.memory_space<vmem>>
    tpu.wait_dma2 semaphore(%arg13 : memref<!tpu.dma_semaphore, #tpu.memory_space<semaphore_mem>>) src(%dma_wait3A_364 : memref<4x8x128xf32, #tpu.memory_space<vmem>>) dst(%dma_wait3A_359 : memref<4x8x128xf32, #tpu.memory_space<hbm>>)
    %dma_wait3A_365 = arith.constant 2 : i32
    %dma_wait3A_366 = arith.constant 2 : i32
    %dma_wait3A_367 = arith.constant 0 : i32
    %dma_wait3A_368 = arith.constant 0 : i32
    %dma_wait3A_369 = arith.constant 0 : i32
    %dma_wait3A_370 = tpu.memref_slice %arg9[%dma_wait3A_365, %dma_wait3A_367, %dma_wait3A_368, %dma_wait3A_369] : memref<4x5x8x129xf32, #tpu.memory_space<vmem>> -> memref<1x4x8x128xf32, #tpu.memory_space<vmem>>
    %dma_wait3A_371 = tpu.memref_squeeze %dma_wait3A_370 : memref<1x4x8x128xf32, #tpu.memory_space<vmem>> -> memref<4x8x128xf32, #tpu.memory_space<vmem>>
    %dma_wait3A_372 = arith.constant 0 : i32
    %dma_wait3A_373 = arith.constant 0 : i32
    %dma_wait3A_374 = tpu.memref_slice %arg4[%select_n3A_306, %dma_wait3A_366, %mul3A_324, %dma_wait3A_372, %dma_wait3A_373] : memref<50x4x128x8x128xf32, #tpu.memory_space<hbm>> -> memref<1x1x4x8x128xf32, #tpu.memory_space<hbm>>
    %dma_wait3A_375 = tpu.memref_squeeze %dma_wait3A_374 : memref<1x1x4x8x128xf32, #tpu.memory_space<hbm>> -> memref<4x8x128xf32, #tpu.memory_space<hbm>>
    %dma_wait3A_376 = arith.constant 0 : i32
    %dma_wait3A_377 = arith.constant 0 : i32
    %dma_wait3A_378 = tpu.memref_slice %arg4[%select_n3A_306, %dma_wait3A_366, %mul3A_324, %dma_wait3A_376, %dma_wait3A_377] : memref<50x4x128x8x128xf32, #tpu.memory_space<hbm>> -> memref<1x1x4x8x128xf32, #tpu.memory_space<hbm>>
    %dma_wait3A_379 = tpu.memref_squeeze %dma_wait3A_378 : memref<1x1x4x8x128xf32, #tpu.memory_space<hbm>> -> memref<4x8x128xf32, #tpu.memory_space<hbm>>
    %dma_wait3A_380 = arith.constant 0 : i32
    %dma_wait3A_381 = arith.constant 0 : i32
    %dma_wait3A_382 = arith.constant 0 : i32
    %dma_wait3A_383 = tpu.memref_slice %arg9[%dma_wait3A_365, %dma_wait3A_380, %dma_wait3A_381, %dma_wait3A_382] : memref<4x5x8x129xf32, #tpu.memory_space<vmem>> -> memref<1x4x8x128xf32, #tpu.memory_space<vmem>>
    %dma_wait3A_384 = tpu.memref_squeeze %dma_wait3A_383 : memref<1x4x8x128xf32, #tpu.memory_space<vmem>> -> memref<4x8x128xf32, #tpu.memory_space<vmem>>
    tpu.wait_dma2 semaphore(%arg13 : memref<!tpu.dma_semaphore, #tpu.memory_space<semaphore_mem>>) src(%dma_wait3A_384 : memref<4x8x128xf32, #tpu.memory_space<vmem>>) dst(%dma_wait3A_379 : memref<4x8x128xf32, #tpu.memory_space<hbm>>)
    %dma_wait3A_385 = arith.constant 3 : i32
    %dma_wait3A_386 = arith.constant 3 : i32
    %dma_wait3A_387 = arith.constant 0 : i32
    %dma_wait3A_388 = arith.constant 0 : i32
    %dma_wait3A_389 = arith.constant 0 : i32
    %dma_wait3A_390 = tpu.memref_slice %arg9[%dma_wait3A_385, %dma_wait3A_387, %dma_wait3A_388, %dma_wait3A_389] : memref<4x5x8x129xf32, #tpu.memory_space<vmem>> -> memref<1x4x8x128xf32, #tpu.memory_space<vmem>>
    %dma_wait3A_391 = tpu.memref_squeeze %dma_wait3A_390 : memref<1x4x8x128xf32, #tpu.memory_space<vmem>> -> memref<4x8x128xf32, #tpu.memory_space<vmem>>
    %dma_wait3A_392 = arith.constant 0 : i32
    %dma_wait3A_393 = arith.constant 0 : i32
    %dma_wait3A_394 = tpu.memref_slice %arg4[%select_n3A_306, %dma_wait3A_386, %mul3A_324, %dma_wait3A_392, %dma_wait3A_393] : memref<50x4x128x8x128xf32, #tpu.memory_space<hbm>> -> memref<1x1x4x8x128xf32, #tpu.memory_space<hbm>>
    %dma_wait3A_395 = tpu.memref_squeeze %dma_wait3A_394 : memref<1x1x4x8x128xf32, #tpu.memory_space<hbm>> -> memref<4x8x128xf32, #tpu.memory_space<hbm>>
    %dma_wait3A_396 = arith.constant 0 : i32
    %dma_wait3A_397 = arith.constant 0 : i32
    %dma_wait3A_398 = tpu.memref_slice %arg4[%select_n3A_306, %dma_wait3A_386, %mul3A_324, %dma_wait3A_396, %dma_wait3A_397] : memref<50x4x128x8x128xf32, #tpu.memory_space<hbm>> -> memref<1x1x4x8x128xf32, #tpu.memory_space<hbm>>
    %dma_wait3A_399 = tpu.memref_squeeze %dma_wait3A_398 : memref<1x1x4x8x128xf32, #tpu.memory_space<hbm>> -> memref<4x8x128xf32, #tpu.memory_space<hbm>>
    %dma_wait3A_400 = arith.constant 0 : i32
    %dma_wait3A_401 = arith.constant 0 : i32
    %dma_wait3A_402 = arith.constant 0 : i32
    %dma_wait3A_403 = tpu.memref_slice %arg9[%dma_wait3A_385, %dma_wait3A_400, %dma_wait3A_401, %dma_wait3A_402] : memref<4x5x8x129xf32, #tpu.memory_space<vmem>> -> memref<1x4x8x128xf32, #tpu.memory_space<vmem>>
    %dma_wait3A_404 = tpu.memref_squeeze %dma_wait3A_403 : memref<1x4x8x128xf32, #tpu.memory_space<vmem>> -> memref<4x8x128xf32, #tpu.memory_space<vmem>>
    tpu.wait_dma2 semaphore(%arg13 : memref<!tpu.dma_semaphore, #tpu.memory_space<semaphore_mem>>) src(%dma_wait3A_404 : memref<4x8x128xf32, #tpu.memory_space<vmem>>) dst(%dma_wait3A_399 : memref<4x8x128xf32, #tpu.memory_space<hbm>>)
    return
  }
}

module attributes {stable_mosaic.version = 14 : i64} {
  func.func @_mask_body(%arg0: i32, %arg1: memref<50x2048xi32, #tpu.memory_space<vmem>>, %arg2: memref<50x2048xi32, #tpu.memory_space<vmem>>) attributes {dimension_semantics = [#tpu.dimension_semantics<arbitrary>], iteration_bounds = array<i64: 8>, scalar_prefetch = 0 : i64, scratch_operands = 0 : i64, tpu.core_type = #tpu.core_type<tc>, window_params = [{transform_indices = @transform_0, window_bounds = array<i64: 50, 2048>}, {transform_indices = @transform_1, window_bounds = array<i64: 50, 2048>}]} {
    %get3A = arith.constant 0 : index
    %get3A_0 = arith.constant 0 : index
    %get3A_1 = vector.load %arg1[%get3A, %get3A_0] : memref<50x2048xi32, #tpu.memory_space<vmem>>, vector<50x2048xi32>
    %ne3A = arith.constant 0 : i32
    %ne3A_2 = vector.broadcast %ne3A : i32 to vector<50x2048xi32>
    %ne3A_3 = arith.cmpi ne, %get3A_1, %ne3A_2 : vector<50x2048xi32>
    %swap3A = arith.constant 0 : index
    %swap3A_4 = arith.constant 0 : index
    %swap3A_5 = vector.load %arg2[%swap3A, %swap3A_4] : memref<50x2048xi32, #tpu.memory_space<vmem>>, vector<50x2048xi32>
    %swap3A_6 = arith.extui %ne3A_3 : vector<50x2048xi1> to vector<50x2048xi32>
    %swap3A_7 = arith.constant dense<0> : vector<50x2048xi32>
    %swap3A_8 = arith.cmpi ne, %swap3A_5, %swap3A_7 : vector<50x2048xi32>
    tpu.vector_store %arg2[%swap3A, %swap3A_4], %swap3A_6 {strides = array<i32>} : memref<50x2048xi32, #tpu.memory_space<vmem>>, vector<50x2048xi32>,
    return
  }
  func.func @transform_0(%arg0: i32) -> (i32, i32) {
    %c0_i32 = arith.constant 0 : i32
    %c0_i32_0 = arith.constant 0 : i32
    return %c0_i32, %arg0 : i32, i32
  }
  func.func @transform_1(%arg0: i32) -> (i32, i32) {
    %c0_i32 = arith.constant 0 : i32
    %c0_i32_0 = arith.constant 0 : i32
    return %c0_i32, %arg0 : i32, i32
  }
}

</mosaic_0001>

<sc_bundles>
// kernel: kernel.4.cloned.1.call-start
scs
__scs_entry_jumppad:
0x0: {  	(pc) =	sbr.rel $0x88, $3  }
0x1: {  	(tag) =	ssettag $0x0;
	lr =	simm.s32 $0x1  }
0x2: {  	[smem:$0x3F9F] =	sst lr;
	_ =	strace $0xD0000000  }
0x3: {  	_ = 	snop  }
0x4: {  	_ = 	snop  }
0x5: {  	_ = 	snop  }
0x6: {  	_ = 	snop  }
0x7: {  	_ = 	snop  }
__scs_overlays_trampoline_lowered:
0x8: {  	[smem:$0x3FAE] =	sst s0  }
0x9: {  	[smem:$0x3FAF] =	sst s1  }
0xa: {  	[smem:$0x3FB0] =	sst s2  }
0xb: {  	[smem:$0x3FB1] =	sst s3  }
0xc: {  	[smem:$0x3FB2] =	sst s4  }
0xd: {  	[smem:$0x3FB3] =	sst s5  }
0xe: {  	[smem:$0x3FB4] =	sst s6  }
0xf: {  	[smem:$0x3FB5] =	sst s7  }
0x10: {  	[smem:$0x3FB6] =	sst s8  }
0x11: {  	[smem:$0x3FB7] =	sst s9;
	s0 =	simm.s32 @!p0 $0x0  }
0x12: {  	s1 =	sld [smem:$0x3F9D];
	s0 =	simm.s32 @p0 $0x1  }
0x13: {  	[smem:$0x3FB8] =	sst s0;
	s0 =	simm.s32 @!p1 $0x0  }
0x14: {  	s2 =	sld [smem:$0x3F9C];
	s0 =	simm.s32 @p1 $0x1  }
0x15: {  	[smem:$0x3FB9] =	sst s0;
	s0 =	simm.s32 @!p2 $0x0  }
0x16: {  	s3 =	sld [smem:$0x3FDB];
	s0 =	simm.s32 @p2 $0x1  }
0x17: {  	s4 =	simm.s32 $0x1BF5;
	[smem:$0x3FBB] =	sst s0  }
0x18: {  	s0 =	sld [smem:$0x3F9E];
	_ =	swait.ge [sflag:s4], $0x0  }
0x19: {  	s7 =	sld [smem:$0x3F9F]  }
0x1a: {  	s8 =	sadd.s32 $0xFFFFE003, lr  }
0x1b: {  	s9 =	sadd.s32 $0xFFFFFEF7, lr;
	s5 =	simm.s32 $0xFFFFFFFF;
	p2 =	slt.u32 s8, $0xFFFFF086  }
0x1c: {  	p1 =	slt.u32 s9, $0xF7A;
	s5 =	simm.s32 @!p2 $0x0  }
0x1d: {  	s5 =	simm.s32 @p1 $0x1;
	p0 =	seq.s32 s7, s2  }
0x1e: {  	s7 =	smul.u32 @!p0 $0xF7A, s2;
	p2 =	seq.s32 @!p0 s5, $0x0  }
0x1f: {  	s9 =	smul.u32 $0xF7A, s1;
	s8 =	simm.s32 @!p0 $0x1BF5;
	p2 =	por !p2, p0  }
0x20: {  	[sflag:s8] =	ssyncset.s32 @!p0 $0xFFFFF086;
	s6 =	sadd.s32 @!p0 s3, s7;
	s7 =	simm.s32 @!p0 $0x108  }
0x21: {  	s3 =	sadd.s32 s3, s9;
	s6 =	sadd.s32 @!p0 $0x88, s6;
	s7 =	simm.s32 @p2 $0x1082  }
0x22: {  	[simem:s7], [sflag:s8] =	dma.local @!p0 [hbm:s6], $0xF7A  }
0x23: {  	s9 =	sor.u32 $0xD0000000, s2;
	s6 =	simm.s32 $0x108;
	_ =	swait.ge @!p0 [sflag:s8], $0x0  }
0x24: {  	s3 =	sadd.s32 $0x88, s3;
	s6 =	simm.s32 @!p1 $0x1082;
	[sflag:s4] =	ssyncset.s32 $0xFFFFF086  }
0x25: {  	[simem:s6], [sflag:s4] =	dma.local [hbm:s3], $0xF7A  }
0x26: {  	[smem:$0x3F9F] =	sst s1;
	(tag) =	ssettag s2;
	_ =	strace s9  }
0x27: {  	s1 =	sld [smem:$0x3FAF]  }
0x28: {  	s2 =	sld [smem:$0x3FB0]  }
0x29: {  	s4 =	sld [smem:$0x3FB2]  }
0x2a: {  	p0 =	seq.s32 s5, $0x0;
	s5 =	sld [smem:$0x3FB3]  }
0x2b: {  	s6 =	sld [smem:$0x3FB4]  }
0x2c: {  	s7 =	sld [smem:$0x3FB5]  }
0x2d: {  	s3 =	simm.s32 $0x108;
	s8 =	sld [smem:$0x3FB6]  }
0x2e: {  	s3 =	simm.s32 @!p0 $0x1082;
	s9 =	sld [smem:$0x3FB7]  }
0x2f: {  	lr =	sadd.s32 s0, s3;
	s0 =	sld [smem:$0x3FAE]  }
0x30: {  	s3 =	sld [smem:$0x3FB1]  }
0x31: {  	[smem:$0x3FBA] =	sst s10  }
0x32: {  	s10 =	sld [smem:$0x3FB8];
	_ =	sdelay $0x3  }
0x33: {  	p0 =	seq.s32 s10, $0x1;
	s10 =	sld [smem:$0x3FBA];
	_ =	sdelay $0x3  }
0x34: {  	[smem:$0x3FBA] =	sst s10  }
0x35: {  	s10 =	sld [smem:$0x3FB9];
	_ =	sdelay $0x3  }
0x36: {  	p1 =	seq.s32 s10, $0x1;
	s10 =	sld [smem:$0x3FBA];
	_ =	sdelay $0x3  }
0x37: {  	[smem:$0x3FBA] =	sst s10  }
0x38: {  	s10 =	sld [smem:$0x3FBB]  }
0x39: {  	_ = 	snop;
	(pc) =	sbr.ind lr, $3  }
0x3a: {  	_ = 	snop  }
0x3b: {  	_ = 	snop  }
0x3c: {  	p2 =	seq.s32 s10, $0x1;
	s10 =	sld [smem:$0x3FBA]  }
0x3d: {  	_ =	shalt  }
0x3e: {  	_ =	shalt  }
0x3f: {  	_ =	shalt  }
0x40: {  	_ =	shalt  }
0x41: {  	_ =	shalt  }
0x42: {  	_ =	shalt  }
0x43: {  	_ =	shalt  }
0x44: {  	_ =	shalt  }
0x45: {  	_ =	shalt  }
0x46: {  	_ =	shalt  }
0x47: {  	_ =	shalt  }
0x48: {  	_ =	shalt  }
0x49: {  	_ =	shalt  }
0x4a: {  	_ =	shalt  }
0x4b: {  	_ =	shalt  }
0x4c: {  	_ =	shalt  }
0x4d: {  	_ =	shalt  }
0x4e: {  	_ =	shalt  }
0x4f: {  	_ =	shalt  }
0x50: {  	_ =	shalt  }
0x51: {  	_ =	shalt  }
0x52: {  	_ =	shalt  }
0x53: {  	_ =	shalt  }
0x54: {  	_ =	shalt  }
0x55: {  	_ =	shalt  }
0x56: {  	_ =	shalt  }
0x57: {  	_ =	shalt  }
0x58: {  	_ =	shalt  }
0x59: {  	_ =	shalt  }
0x5a: {  	_ =	shalt  }
0x5b: {  	_ =	shalt  }
0x5c: {  	_ =	shalt  }
0x5d: {  	_ =	shalt  }
0x5e: {  	_ =	shalt  }
0x5f: {  	_ =	shalt  }
0x60: {  	_ =	shalt  }
0x61: {  	_ =	shalt  }
0x62: {  	_ =	shalt  }
0x63: {  	_ =	shalt  }
0x64: {  	_ =	shalt  }
0x65: {  	_ =	shalt  }
0x66: {  	_ =	shalt  }
0x67: {  	_ =	shalt  }
0x68: {  	_ =	shalt  }
0x69: {  	_ =	shalt  }
0x6a: {  	_ =	shalt  }
0x6b: {  	_ =	shalt  }
0x6c: {  	_ =	shalt  }
0x6d: {  	_ =	shalt  }
0x6e: {  	_ =	shalt  }
0x6f: {  	_ =	shalt  }
0x70: {  	_ =	shalt  }
0x71: {  	_ =	shalt  }
0x72: {  	_ =	shalt  }
0x73: {  	_ =	shalt  }
0x74: {  	_ =	shalt  }
0x75: {  	_ =	shalt  }
0x76: {  	_ =	shalt  }
0x77: {  	_ =	shalt  }
0x78: {  	_ =	shalt  }
0x79: {  	_ =	shalt  }
0x7a: {  	_ =	shalt  }
0x7b: {  	_ =	shalt  }
0x7c: {  	_ =	shalt  }
0x7d: {  	_ =	shalt  }
0x7e: {  	_ =	shalt  }
0x7f: {  	_ =	shalt  }
0x80: {  	_ =	shalt  }
0x81: {  	_ =	shalt  }
0x82: {  	_ =	shalt  }
0x83: {  	_ =	shalt  }
0x84: {  	_ =	shalt  }
0x85: {  	_ =	shalt  }
0x86: {  	_ =	shalt  }
0x87: {  	_ =	shalt  }
.Lfunc_end0:
.L_simem_size_0:
called_computation_lowered:
.L_overlay_start_0:
0x88: {  	s2 =	sld [smem:$0x3FD9]  }
0x89: {  	s3 =	sld [smem:$0x3FFE];
	_ =	sdelay $0x1  }
0x8a: {  	s1 =	srdreg.scid  }
0x8b: {  	s0 =	sand.u32 $0x1, s1  }
0x8c: {  	s14 =	sshll.u32 s0, $0xA;
	s2 =	sadd.s32 s3, s2  }
0x8d: {  	s2 =	sadd.s32 s2, s14  }
0x8e: {  	[smem:$0x3FC6] =	sst s2  }
0x8f: {  	_ = 	snop  }
0x90: {  	s2 =	sld [smem:$0x3FD0];
	_ =	sdelay $0x2  }
0x91: {  	s15 =	simm.s32 $0xA;
	s4 =	simm.s32 $0x10  }
0x92: {  	[smem:s4], [sflag:s15] =	dma.local [hbm:s2], $0x1  }
0x93: {  	_ =	swait.eq [sflag:s15], $0x1  }
0x94: {  	[sflag:s15] =	ssyncset.done $0x0  }
0x95: {  	[sflag:s15] =	ssyncadd.s32 $0xFFFFFFFF  }
0x96: {  	s16 =	sld [smem:$0x10];
	(tm) =	ssettm $0x1  }
0x97: {  	s17 =	sld [smem:$0x3FFB];
	_ =	sdelay $0x3  }
0x98: {  	_ =	strace s17  }
0x99: {  	s3 =	sld [smem:$0x3FFC];
	_ =	sdelay $0x3  }
0x9a: {  	_ =	strace s3  }
0x9b: {  	s3 =	sld [smem:$0x3FFD];
	_ =	sdelay $0x3  }
0x9c: {  	_ =	strace s3  }
0x9d: {  	_ =	strace $0x8FFFFFFF  }
0x9e: {  	s18 =	sld [smem:$0x3FDB];
	_ =	sdelay $0x1  }
0x9f: {  	s19 =	simm.s32 $_scs_section_size  }
0xa0: {  	s5 =	simm.s32 $_size__tile_overlayer_lowered;
	s6 =	simm.s32 $_tile_overlayer_lowered  }
0xa1: {  	s22 =	simm.s32 $0x1BFF;
	s21 =	sshll.u32 s6, $0x1;
	s3 =	sadd.s32 s19, s18  }
0xa2: {  	s7 =	simm.s32 $0x0;
	s20 =	sshll.u32 s5, $0x1;
	s5 =	sadd.s32 s21, s3  }
0xa3: {  	[timem:s7], [sflag:s22] =	dma.local [hbm:s5], s20  }
0xa4: {  	_ =	swait.ge [sflag:s22], s20  }
0xa5: {  	s4 =	ssub.s32 $0x0, s20;
	[sflag:s22] =	ssyncset.done $0x0  }
0xa6: {  	[sflag:s22] =	ssyncadd.s32 s4;
	_ =	sdelay $0x1  }
0xa7: {  	s23 =	simm.s32 $0x1B8B  }
0xa8: {  	_ =	swait.ge [sflag:s23], $0x1  }
0xa9: {  	[sflag:s23] =	ssyncset.done $0x0  }
0xaa: {  	s25 =	simm.s32 $0x1B8E;
	s24 =	sld [smem:$0x3FFE];
	[sflag:s23] =	ssyncadd.s32 $0xFFFFFFFF  }
0xab: {  	s26 =	simm.s32 $execute0_lowered;
	[smem:$0x3FD2] =	sst s25  }
0xac: {  	s5 =	sshll.u32 s26, $0x1;
	_ =	strace $0x80000046;
	[dreg:$0x1] =	wrdreg $0xFFFFFFFF  }
0xad: {  	s28 =	simm.s32 $_size_execute0_lowered;
	s3 =	sadd.s32 s3, s5;
	[dreg:$0x0] =	wrdreg $0x0  }
0xae: {  	s5 =	sshll.u32 s28, $0x1;
	[dreg:$0x2] =	wrdreg s3  }
0xaf: {  	[dreg:$0x3] =	wrdreg s5  }
0xb0: {  	[dreg:$0x4] =	wrdreg $0xC0  }
0xb1: {  	_ =	task [dreg:s7], $0x5FFFF  }
0xb2: {  	[dreg:$0x1] =	wrdreg $0xFFFFFFFF  }
0xb3: {  	[dreg:$0x0] =	wrdreg $0x60  }
0xb4: {  	[dreg:$0x2] =	wrdreg s24  }
0xb5: {  	[dreg:$0x3] =	wrdreg s16  }
0xb6: {  	[dreg:$0x4] =	wrdreg $0x9  }
0xb7: {  	_ =	task.clear_ibuf [dreg:s7], $0x5FFFF;
	_ =	strace $0x90000046  }
0xb8: {  	s29 =	simm.s32 $0x9;
	_ =	strace $0x80000048  }
0xb9: {  	_ =	swait.ge [sflag:s29], $0x1  }
0xba: {  	[sflag:s29] =	ssyncadd.s32 $0xFFFFFFFF  }
0xbb: {  	_ =	strace $0x90000048  }
0xbc: {  	_ =	sfence  }
0xbd: {  	s30 =	sld [smem:$0x0];
	_ =	sdelay $0x2  }
0xbe: {  	s31 =	sshll.u32 s1, $0xD;
	s1 =	sshrl.u32 s1, $0x2  }
0xbf: {  	s3 =	sand.u32 $0x4000, s31;
	s1 =	sadd.s32 s1, s30  }
0xc0: {  	s0 =	sor.u32 s3, s0;
	s1 =	sshll.u32 s1, $0x11  }
0xc1: {  	s0 =	sor.u32 s1, s0  }
0xc2: {  	s0 =	sadd.s32 $0x8F2B, s0  }
0xc3: {  	[sflag:s0] =	ssyncadd.remote.s32 $0x1  }
0xc4: {  	_ =	sfence.sel $0xFFFF  }
0xc5: {  	[dreg:$0x0] =	wrdreg $0xFFFFFFFF;
	(pc) =	sbr.abs _section_cstart, $3  }
0xc6: {  	[dreg:$0x1] =	wrdreg $0xFFFFFFFF  }
0xc7: {  	_ =	task.clear_ibuf [dreg:s7], $0x2FFFF;
	_ =	strace $0x9FFFFFFF  }
0xc8: {  	(tm) =	ssettm $0x7FFFFFFF  }
0xc9: {  	_ =	shalt  }
tec
execute0_lowered:
.L_overlay_start_1:
0x0: {  	(tag) =	ssettag $0x1  }
0x1: {  	v0 =	vimm.s32 $0x18F8;
	vm14 =	vcmask $0x300  }
0x2: {  	v1 =	vimm.s32 $0x4378;
	vm13 =	vcmask $0x704;
	vm12 =	vcmask $0xB08  }
0x3: {  	vm11 =	vcmask $0xF0C;
	vm10 =	vcmask $0x1310;
	vm9 =	vcmask $0x1714  }
0x4: {  	vm8 =	vcmask $0x1B18;
	vm7 =	vcmask $0x1F1C;
	vm6 =	vcmask $0x2320  }
0x5: {  	vm5 =	vcmask $0x2724;
	vm4 =	vcmask $0x2B28;
	vm3 =	vcmask $0x2F2C  }
0x6: {  	vm2 =	vcmask $0x3330;
	vm1 =	vcmask $0x3734;
	vm0 =	vcmask $0x3B38  }
0x7: {  	v2 =	vimm.s32 $0x1D38;
	v3 =	vimm.s32 $0x47B8;
	v4 =	vimm.s32 $0x2178  }
0x8: {  	v5 =	vimm.s32 $0x4BF8;
	v6 =	vimm.s32 $0x25B8;
	v7 =	vimm.s32 $0x5038  }
0x9: {  	v0 =	vsel vm14, $0x0, v0;
	v1 =	vsel vm14, $0x2A80, v1;
	v2 =	vsel vm14, $0x440, v2  }
0xa: {  	v3 =	vsel vm14, $0x2EC0, v3;
	v4 =	vsel vm14, $0x880, v4;
	v5 =	vsel vm14, $0x3300, v5  }
0xb: {  	v6 =	vsel vm14, $0xCC0, v6;
	v7 =	vsel vm14, $0x3740, v7;
	v0 =	vsel vm13, $0x88, v0  }
0xc: {  	v1 =	vsel vm13, $0x2B08, v1;
	v2 =	vsel vm13, $0x4C8, v2;
	v3 =	vsel vm13, $0x2F48, v3  }
0xd: {  	v4 =	vsel vm13, $0x908, v4;
	v5 =	vsel vm13, $0x3388, v5;
	v6 =	vsel vm13, $0xD48, v6  }
0xe: {  	v7 =	vsel vm13, $0x37C8, v7;
	v0 =	vsel vm12, $0x110, v0;
	v1 =	vsel vm12, $0x2B90, v1  }
0xf: {  	v2 =	vsel vm12, $0x550, v2;
	v3 =	vsel vm12, $0x2FD0, v3;
	v4 =	vsel vm12, $0x990, v4  }
0x10: {  	v5 =	vsel vm12, $0x3410, v5;
	v6 =	vsel vm12, $0xDD0, v6;
	v7 =	vsel vm12, $0x3850, v7  }
0x11: {  	v0 =	vsel vm11, $0x198, v0;
	v1 =	vsel vm11, $0x2C18, v1;
	v2 =	vsel vm11, $0x5D8, v2  }
0x12: {  	v3 =	vsel vm11, $0x3058, v3;
	v4 =	vsel vm11, $0xA18, v4;
	v5 =	vsel vm11, $0x3498, v5  }
0x13: {  	v6 =	vsel vm11, $0xE58, v6;
	v7 =	vsel vm11, $0x38D8, v7;
	v0 =	vsel vm10, $0x220, v0  }
0x14: {  	v1 =	vsel vm10, $0x2CA0, v1;
	v2 =	vsel vm10, $0x660, v2;
	v3 =	vsel vm10, $0x30E0, v3  }
0x15: {  	v4 =	vsel vm10, $0xAA0, v4;
	v5 =	vsel vm10, $0x3520, v5;
	v6 =	vsel vm10, $0xEE0, v6  }
0x16: {  	v7 =	vsel vm10, $0x3960, v7;
	v0 =	vsel vm9, $0x2A8, v0;
	v1 =	vsel vm9, $0x2D28, v1  }
0x17: {  	v2 =	vsel vm9, $0x6E8, v2;
	v3 =	vsel vm9, $0x3168, v3;
	v4 =	vsel vm9, $0xB28, v4  }
0x18: {  	v5 =	vsel vm9, $0x35A8, v5;
	v6 =	vsel vm9, $0xF68, v6;
	v7 =	vsel vm9, $0x39E8, v7  }
0x19: {  	v0 =	vsel vm8, $0x330, v0;
	v1 =	vsel vm8, $0x2DB0, v1;
	v2 =	vsel vm8, $0x770, v2  }
0x1a: {  	v3 =	vsel vm8, $0x31F0, v3;
	v4 =	vsel vm8, $0xBB0, v4;
	v5 =	vsel vm8, $0x3630, v5  }
0x1b: {  	v6 =	vsel vm8, $0xFF0, v6;
	v7 =	vsel vm8, $0x3A70, v7;
	v0 =	vsel vm7, $0x3B8, v0  }
0x1c: {  	v1 =	vsel vm7, $0x2E38, v1;
	v2 =	vsel vm7, $0x7F8, v2;
	v3 =	vsel vm7, $0x3278, v3  }
0x1d: {  	v4 =	vsel vm7, $0xC38, v4;
	v5 =	vsel vm7, $0x36B8, v5;
	v6 =	vsel vm7, $0x1078, v6  }
0x1e: {  	v7 =	vsel vm7, $0x3AF8, v7;
	v0 =	vsel vm6, $0x1540, v0;
	v1 =	vsel vm6, $0x3FC0, v1  }
0x1f: {  	v2 =	vsel vm6, $0x1980, v2;
	v3 =	vsel vm6, $0x4400, v3;
	v4 =	vsel vm6, $0x1DC0, v4  }
0x20: {  	v5 =	vsel vm6, $0x4840, v5;
	v6 =	vsel vm6, $0x2200, v6;
	v7 =	vsel vm6, $0x4C80, v7  }
0x21: {  	v0 =	vsel vm5, $0x15C8, v0;
	v1 =	vsel vm5, $0x4048, v1;
	v2 =	vsel vm5, $0x1A08, v2  }
0x22: {  	v3 =	vsel vm5, $0x4488, v3;
	v4 =	vsel vm5, $0x1E48, v4;
	v5 =	vsel vm5, $0x48C8, v5  }
0x23: {  	v6 =	vsel vm5, $0x2288, v6;
	v7 =	vsel vm5, $0x4D08, v7;
	v0 =	vsel vm4, $0x1650, v0  }
0x24: {  	s0 =	srdreg.scid;
	v1 =	vsel vm4, $0x40D0, v1;
	v2 =	vsel vm4, $0x1A90, v2;
	v3 =	vsel vm4, $0x4510, v3  }
0x25: {  	s2 =	stileid.u32;
	s1 =	rddreg [dreg:$0x0];
	v4 =	vsel vm4, $0x1ED0, v4;
	v5 =	vsel vm4, $0x4950, v5;
	v6 =	vsel vm4, $0x2310, v6  }
0x26: {  	s11 =	simm.s32 $0x5;
	s12 =	simm.s32 $0x80;
	s18 =	simm.s32 $0x9400;
	v7 =	vsel vm4, $0x4D90, v7;
	v0 =	vsel vm3, $0x16D8, v0;
	v1 =	vsel vm3, $0x4158, v1  }
0x27: {  	s19 =	simm.s32 $0xA400;
	s20 =	simm.s32 $0xB400;
	s21 =	simm.s32 $0xC400;
	v2 =	vsel vm3, $0x1B18, v2;
	v3 =	vsel vm3, $0x4598, v3;
	v4 =	vsel vm3, $0x1F58, v4  }
0x28: {  	s22 =	simm.s32 $0xD400;
	s23 =	simm.s32 $0x1;
	s24 =	simm.s32 $0xE400;
	v5 =	vsel vm3, $0x49D8, v5;
	v6 =	vsel vm3, $0x2398, v6;
	v7 =	vsel vm3, $0x4E18, v7  }
0x29: {  	s25 =	simm.s32 $0x2;
	s26 =	simm.s32 $0x13900;
	s28 =	simm.s32 $0x3;
	v0 =	vsel vm2, $0x1760, v0;
	v1 =	vsel vm2, $0x41E0, v1;
	v2 =	vsel vm2, $0x1BA0, v2  }
0x2a: {  	s29 =	simm.s32 $0x4;
	s0 =	sand.u32 $0x1, s0;
	s3 =	sshll.u32 s2, $0x1;
	v3 =	vsel vm2, $0x4620, v3;
	v4 =	vsel vm2, $0x1FE0, v4;
	v5 =	vsel vm2, $0x4A60, v5  }
0x2b: {  	s30 =	simm.s32 $0x0;
	s2 =	rddreg [dreg:$0x1];
	s6 =	sor.u32 s0, s3;
	v6 =	vsel vm2, $0x2420, v6;
	v7 =	vsel vm2, $0x4EA0, v7;
	v0 =	vsel vm1, $0x17E8, v0  }
0x2c: {  	s3 =	simm.s32 $0x0;
	s0 =	ssub.s32 $0x2, s0;
	s8 =	sadd.s32 $0x8000, s2;
	v1 =	vsel vm1, $0x4268, v1;
	v2 =	vsel vm1, $0x1C28, v2;
	v3 =	vsel vm1, $0x46A8, v3  }
0x2d: {  	s9 =	sadd.s32 $0xC000, s2;
	s4 =	smul.u32 $0xC80, s6;
	[smem:$0x7FF] =	sst s3;
	v4 =	vsel vm1, $0x2068, v4;
	v5 =	vsel vm1, $0x4AE8, v5;
	v6 =	vsel vm1, $0x24A8, v6  }
0x2e: {  	s7 =	sshrl.u32 s0, $0x1;
	s6 =	smul.u32 $0x32, s6;
	_ =	strace $0x80000047;
	v7 =	vsel vm1, $0x4F28, v7;
	v0 =	vsel vm0, $0x1870, v0;
	v1 =	vsel vm0, $0x42F0, v1  }
0x2f: {  	s0 =	ssub.s32 s0, s7;
	s7 =	sadd.s32 $0x4000, s2;
	s5 =	sadd.s32 s4, s1;
	v2 =	vsel vm0, $0x1CB0, v2;
	v3 =	vsel vm0, $0x4730, v3;
	v4 =	vsel vm0, $0x20F0, v4  }
0x30: {  	s4 =	sadd.s32 $0xF5BC00, s1;
	s10 =	smax.u32 s0, $0x1;
	s5 =	sadd.s32 $0x600, s5;
	v5 =	vsel vm0, $0x4B70, v5;
	v6 =	vsel vm0, $0x2530, v6;
	v7 =	vsel vm0, $0x4FB0, v7  }
.LBB2_1:
0x31: {  	[tilespmem:s3], [sflag:$0x5] =	stream.linear.gather [hbm4b:s5+s3], $0x6400, $0x38;
	[tilespmem:$0x18E00] =	vst v63  }
0x32: {  	_ =	swait.ge [sflag:s11], $0x6400  }
0x33: {  	[sflag:s11] =	ssyncset.done $0x0  }
0x34: {  	s0 =	simm.s32 $0x6400;
	[sflag:s11] =	ssyncadd.s32 $0xFFFF9C00  }
0x35: {  	[tilespmem:s0], [sflag:$0x1] =	stream.indirect.gather [hbm4b:s4+s12], $0x20, s3, s12, $0xb8;
	[tilespmem:$0x18E00] =	vst v63  }
0x36: {  	s15 =	simm.s32 $0x7400  }
0x37: {  	[tilespmem:s15], [sflag:$0x1] =	stream.indirect.gather [hbm4b:s4+s12], $0x20, s12, s12, $0xb8;
	[tilespmem:$0x18E00] =	vst v63  }
0x38: {  	s16 =	simm.s32 $0x100;
	s1 =	simm.s32 $0x8400  }
0x39: {  	[tilespmem:s1], [sflag:$0x1] =	stream.indirect.gather [hbm4b:s4+s12], $0x20, s16, s12, $0xb8;
	[tilespmem:$0x18E00] =	vst v63  }
0x3a: {  	s17 =	simm.s32 $0x180;
	s31 =	simm.s32 $0x0  }
0x3b: {  	[tilespmem:s18], [sflag:$0x1] =	stream.indirect.gather [hbm4b:s4+s12], $0x20, s17, s12, $0xb8;
	[tilespmem:$0x18E00] =	vst v63  }
.LBB2_2:
0x3c: {  	s1 =	sshllo.u32 s31, $0x1  }
0x3d: {  	s0 =	sshll.u32 s1, $0x9  }
0x3e: {  	s0 =	sand.u32 $0x3FFFFE00, s0  }
0x3f: {  	[tilespmem:s19], [sflag:$0x2] =	stream.indirect.gather [hbm4b:s4+s12], $0x20, s0, s12, $0xb8;
	[tilespmem:$0x18E00] =	vst v63  }
0x40: {  	s13 =	sor.u32 $0x80, s0  }
0x41: {  	[tilespmem:s20], [sflag:$0x2] =	stream.indirect.gather [hbm4b:s4+s12], $0x20, s13, s12, $0xb8;
	[tilespmem:$0x18E00] =	vst v63  }
0x42: {  	s17 =	sor.u32 $0x100, s0  }
0x43: {  	[tilespmem:s21], [sflag:$0x2] =	stream.indirect.gather [hbm4b:s4+s12], $0x20, s17, s12, $0xb8;
	[tilespmem:$0x18E00] =	vst v63  }
0x44: {  	s0 =	sor.u32 $0x180, s0  }
0x45: {  	[tilespmem:s22], [sflag:$0x2] =	stream.indirect.gather [hbm4b:s4+s12], $0x20, s0, s12, $0xb8;
	[tilespmem:$0x18E00] =	vst v63  }
0x46: {  	_ =	swait.ge [sflag:s23], $0x1000  }
0x47: {  	[sflag:s23] =	ssyncset.done $0x0  }
0x48: {  	[sflag:s23] =	ssyncadd.s32 $0xFFFFF000  }
0x49: {  	_ =	swait.ge [sflag:s23], $0x1000  }
0x4a: {  	[sflag:s23] =	ssyncset.done $0x0  }
0x4b: {  	[sflag:s23] =	ssyncadd.s32 $0xFFFFF000  }
0x4c: {  	_ =	swait.ge [sflag:s23], $0x1000  }
0x4d: {  	[sflag:s23] =	ssyncset.done $0x0  }
0x4e: {  	[sflag:s23] =	ssyncadd.s32 $0xFFFFF000  }
0x4f: {  	_ =	swait.ge [sflag:s23], $0x1000  }
0x50: {  	p0 =	seq.s32 s31, $0x0;
	[sflag:s23] =	ssyncset.done $0x0  }
0x51: {  	s13 =	simm.s32 @!p0 $0x3;
	[sflag:s23] =	ssyncadd.s32 $0xFFFFF000  }
0x52: {  	_ =	swait.ge @!p0 [sflag:s13], $0x1000  }
0x53: {  	[sflag:s13] =	ssyncset.done @!p0 $0x0  }
0x54: {  	[sflag:s13] =	ssyncadd.s32 @!p0 $0xFFFFF000  }
0x55: {  	_ =	swait.ge @!p0 [sflag:s13], $0x1000  }
0x56: {  	[sflag:s13] =	ssyncset.done @!p0 $0x0  }
0x57: {  	[sflag:s13] =	ssyncadd.s32 @!p0 $0xFFFFF000  }
0x58: {  	_ =	swait.ge @!p0 [sflag:s13], $0x1000  }
0x59: {  	[sflag:s13] =	ssyncset.done @!p0 $0x0  }
0x5a: {  	[sflag:s13] =	ssyncadd.s32 @!p0 $0xFFFFF000  }
0x5b: {  	_ =	swait.ge @!p0 [sflag:s13], $0x1000  }
0x5c: {  	s14 =	simm.s32 $0x6440;
	s15 =	simm.s32 $0x0;
	[sflag:s13] =	ssyncset.done @!p0 $0x0  }
0x5d: {  	s0 =	sshll.u32 s31, $0x1;
	[sflag:s13] =	ssyncadd.s32 @!p0 $0xFFFFF000;
	s13 =	simm.s32 $0x0  }
.LBB2_3:
0x5e: {  	v8 =	vld [tilespmem:s14+$0xFFFFFFC0];
	v10 =	vmov s15  }
0x5f: {  	v9 =	vld [tilespmem:s14+$0xFFFFFFD0];
	s16 =	sadd.s32 $0x1, s15;
	v10 =	vand.u32 $0x7C, v10  }
0x60: {  	v11 =	vld [tilespmem:s14+$0xFFFFFFE0];
	v14 =	vmov s16;
	v13 =	vadd.s32 v0, v10  }
0x61: {  	v12 =	vld [tilespmem:s14+$0xFFFFFFF0];
	s17 =	sadd.s32 $0x2, s15;
	v10 =	vadd.s32 v1, v10;
	v14 =	vand.u32 $0x7D, v14  }
0x62: {  	v15 =	vld [tilespmem:s14+$0x0];
	v18 =	vmov s17;
	v17 =	vadd.s32 v0, v14  }
0x63: {  	v16 =	vld [tilespmem:s14+$0x10];
	s17 =	sadd.s32 $0x3, s15;
	v18 =	vand.u32 $0x7E, v18;
	v14 =	vadd.s32 v1, v14  }
0x64: {  	v19 =	vld [tilespmem:s14+$0x20];
	v22 =	vmov s17;
	v21 =	vadd.s32 v0, v18  }
0x65: {  	v20 =	vld [tilespmem:s14+$0x30];
	v61 =	vand.u32 $0x7F, v22;
	[tilespmem:v13+s24+$0x0] =	vst.idx.msk $0xffff, v8;
	v8 =	vadd.s32 v1, v18  }
0x66: {  	v62 =	vadd.s32 v0, v61;
	[tilespmem:v10+s24+$0x0] =	vst.idx.msk $0xffff, v9  }
0x67: {  	p1 =	sne.s32 s15, $0x7C;
	v63 =	vadd.s32 v1, v61;
	[tilespmem:v17+s24+$0x0] =	vst.idx.msk $0xffff, v11  }
.Ltmp0:
0x68: {  	[tilespmem:v14+s24+$0x0] =	vst.idx.msk $0xffff, v12;
	(pc) =	sbr.rel @p1 .LBB2_3-.Ltmp0, $4  }
0x69: {  	[tilespmem:v21+s24+$0x0] =	vst.idx.msk $0xffff, v15  }
0x6a: {  	[tilespmem:v8+s24+$0x0] =	vst.idx.msk $0xffff, v16  }
0x6b: {  	[tilespmem:v62+s24+$0x0] =	vst.idx.msk $0xffff, v19  }
0x6c: {  	s14 =	sadd.s32 $0x80, s14;
	s15 =	sadd.s32 $0x4, s15;
	[tilespmem:v63+s24+$0x0] =	vst.idx.msk $0xffff, v20  }
0x6d: {  	s14 =	simm.s32 $0x7470  }
.LBB2_5:
0x6e: {  	v8 =	vld [tilespmem:s14+$0xFFFFFF90];
	v10 =	vmov s13  }
0x6f: {  	v9 =	vld [tilespmem:s14+$0xFFFFFFA0];
	s15 =	sadd.s32 $0x1, s13;
	v10 =	vand.u32 $0x7C, v10  }
0x70: {  	v11 =	vld [tilespmem:s14+$0xFFFFFFB0];
	v14 =	vmov s15;
	v13 =	vadd.s32 v2, v10  }
0x71: {  	v12 =	vld [tilespmem:s14+$0xFFFFFFC0];
	s16 =	sadd.s32 $0x2, s13;
	v10 =	vadd.s32 v3, v10;
	v14 =	vand.u32 $0x7D, v14  }
0x72: {  	v15 =	vld [tilespmem:s14+$0xFFFFFFD0];
	v18 =	vmov s16;
	v17 =	vadd.s32 v2, v14  }
0x73: {  	v16 =	vld [tilespmem:s14+$0xFFFFFFE0];
	s17 =	sadd.s32 $0x3, s13;
	v18 =	vand.u32 $0x7E, v18;
	v14 =	vadd.s32 v3, v14  }
0x74: {  	v19 =	vld [tilespmem:s14+$0xFFFFFFF0];
	v22 =	vmov s17;
	v21 =	vadd.s32 v2, v18  }
0x75: {  	v20 =	vld [tilespmem:s14+$0x0];
	v61 =	vand.u32 $0x7F, v22;
	[tilespmem:v13+s24+$0x0] =	vst.idx.msk $0xffff, v8;
	v8 =	vadd.s32 v3, v18  }
0x76: {  	v62 =	vadd.s32 v2, v61;
	[tilespmem:v10+s24+$0x0] =	vst.idx.msk $0xffff, v9  }
0x77: {  	p1 =	sne.s32 s13, $0x7C;
	v63 =	vadd.s32 v3, v61;
	[tilespmem:v17+s24+$0x0] =	vst.idx.msk $0xffff, v11  }
.Ltmp1:
0x78: {  	[tilespmem:v14+s24+$0x0] =	vst.idx.msk $0xffff, v12;
	(pc) =	sbr.rel @p1 .LBB2_5-.Ltmp1, $4  }
0x79: {  	[tilespmem:v21+s24+$0x0] =	vst.idx.msk $0xffff, v15  }
0x7a: {  	[tilespmem:v8+s24+$0x0] =	vst.idx.msk $0xffff, v16  }
0x7b: {  	[tilespmem:v62+s24+$0x0] =	vst.idx.msk $0xffff, v19  }
0x7c: {  	s14 =	sadd.s32 $0x80, s14;
	s13 =	sadd.s32 $0x4, s13;
	[tilespmem:v63+s24+$0x0] =	vst.idx.msk $0xffff, v20  }
0x7d: {  	s14 =	simm.s32 $0x0;
	s13 =	simm.s32 $0x8470;
	s15 =	simm.s32 $0x0  }
.LBB2_7:
0x7e: {  	v8 =	vld [tilespmem:s13+$0xFFFFFF90];
	v10 =	vmov s15  }
0x7f: {  	v9 =	vld [tilespmem:s13+$0xFFFFFFA0];
	s16 =	sadd.s32 $0x1, s15;
	v10 =	vand.u32 $0x7C, v10  }
0x80: {  	v11 =	vld [tilespmem:s13+$0xFFFFFFB0];
	v14 =	vmov s16;
	v13 =	vadd.s32 v4, v10  }
0x81: {  	v12 =	vld [tilespmem:s13+$0xFFFFFFC0];
	s17 =	sadd.s32 $0x2, s15;
	v10 =	vadd.s32 v5, v10;
	v14 =	vand.u32 $0x7D, v14  }
0x82: {  	v15 =	vld [tilespmem:s13+$0xFFFFFFD0];
	v18 =	vmov s17;
	v17 =	vadd.s32 v4, v14  }
0x83: {  	v16 =	vld [tilespmem:s13+$0xFFFFFFE0];
	s17 =	sadd.s32 $0x3, s15;
	v18 =	vand.u32 $0x7E, v18;
	v14 =	vadd.s32 v5, v14  }
0x84: {  	v19 =	vld [tilespmem:s13+$0xFFFFFFF0];
	v22 =	vmov s17;
	v21 =	vadd.s32 v4, v18  }
0x85: {  	v20 =	vld [tilespmem:s13+$0x0];
	v61 =	vand.u32 $0x7F, v22;
	[tilespmem:v13+s24+$0x0] =	vst.idx.msk $0xffff, v8;
	v8 =	vadd.s32 v5, v18  }
0x86: {  	v62 =	vadd.s32 v4, v61;
	[tilespmem:v10+s24+$0x0] =	vst.idx.msk $0xffff, v9  }
0x87: {  	p1 =	sne.s32 s15, $0x7C;
	v63 =	vadd.s32 v5, v61;
	[tilespmem:v17+s24+$0x0] =	vst.idx.msk $0xffff, v11  }
.Ltmp2:
0x88: {  	[tilespmem:v14+s24+$0x0] =	vst.idx.msk $0xffff, v12;
	(pc) =	sbr.rel @p1 .LBB2_7-.Ltmp2, $4  }
0x89: {  	[tilespmem:v21+s24+$0x0] =	vst.idx.msk $0xffff, v15  }
0x8a: {  	[tilespmem:v8+s24+$0x0] =	vst.idx.msk $0xffff, v16  }
0x8b: {  	[tilespmem:v62+s24+$0x0] =	vst.idx.msk $0xffff, v19  }
0x8c: {  	s13 =	sadd.s32 $0x80, s13;
	s15 =	sadd.s32 $0x4, s15;
	[tilespmem:v63+s24+$0x0] =	vst.idx.msk $0xffff, v20  }
0x8d: {  	s13 =	simm.s32 $0x9470  }
0x8e: {  	v9 =	vmov s14;
	v8 =	vld [tilespmem:s13+$0x0]  }
0x8f: {  	s15 =	simm.s32 $0x1;
	v10 =	vld [tilespmem:s13+$0xFFFFFFF0];
	v9 =	vand.u32 $0x7C, v9  }
0x90: {  	v12 =	vld [tilespmem:s13+$0xFFFFFF90];
	v14 =	vmov s15;
	v13 =	vadd.s32 v6, v9  }
0x91: {  	s16 =	simm.s32 $0x2;
	v15 =	vld [tilespmem:s13+$0xFFFFFFA0];
	v9 =	vadd.s32 v7, v9;
	v14 =	vand.u32 $0x7D, v14  }
0x92: {  	v16 =	vld [tilespmem:s13+$0xFFFFFFB0];
	v18 =	vmov s16;
	v17 =	vadd.s32 v6, v14  }
0x93: {  	s17 =	simm.s32 $0x3;
	v19 =	vld [tilespmem:s13+$0xFFFFFFC0];
	v18 =	vand.u32 $0x7E, v18;
	v14 =	vadd.s32 v7, v14  }
0x94: {  	v20 =	vld [tilespmem:s13+$0xFFFFFFD0];
	v22 =	vmov s17;
	v21 =	vadd.s32 v6, v18  }
0x95: {  	v11 =	vld [tilespmem:s13+$0xFFFFFFE0];
	v62 =	vand.u32 $0x7F, v22;
	v61 =	vadd.s32 v7, v18;
	[tilespmem:v13+s24+$0x0] =	vst.idx.msk $0xffff, v12  }
0x96: {  	v63 =	vadd.s32 v6, v62;
	[tilespmem:v9+s24+$0x0] =	vst.idx.msk $0xffff, v15  }
0x97: {  	[tilespmem:v17+s24+$0x0] =	vst.idx.msk $0xffff, v16  }
0x98: {  	v9 =	vadd.s32 v7, v62;
	[tilespmem:v14+s24+$0x0] =	vst.idx.msk $0xffff, v19  }
0x99: {  	[tilespmem:v21+s24+$0x0] =	vst.idx.msk $0xffff, v20  }
0x9a: {  	[tilespmem:v61+s24+$0x0] =	vst.idx.msk $0xffff, v11  }
0x9b: {  	s14 =	simm.s32 $0x4;
	[tilespmem:v63+s24+$0x0] =	vst.idx.msk $0xffff, v10  }
.LBB2_9:
0x9c: {  	p1 =	sne.s32 s14, $0x7C  }
0x9d: {  	[tilespmem:v9+s24+$0x0] =	vst.idx.msk $0xffff, v8;
	s13 =	sadd.s32 $0x80, s13;
	s15 =	smov.u32 s14;
	s14 =	sadd.s32 $0x4, s14  }
0x9e: {  	v8 =	vld [tilespmem:s13+$0x0]  }
0x9f: {  	v9 =	vmov s15;
	v10 =	vld [tilespmem:s13+$0xFFFFFFF0]  }
0xa0: {  	s16 =	sadd.s32 $0x1, s15;
	v9 =	vand.u32 $0x7C, v9;
	v11 =	vld [tilespmem:s13+$0xFFFFFFE0]  }
0xa1: {  	v14 =	vmov s16;
	v13 =	vadd.s32 v6, v9;
	v12 =	vld [tilespmem:s13+$0xFFFFFF90]  }
0xa2: {  	s16 =	sadd.s32 $0x2, s15;
	v9 =	vadd.s32 v7, v9;
	v14 =	vand.u32 $0x7D, v14;
	v15 =	vld [tilespmem:s13+$0xFFFFFFA0]  }
0xa3: {  	v18 =	vmov s16;
	v17 =	vadd.s32 v6, v14;
	v16 =	vld [tilespmem:s13+$0xFFFFFFB0]  }
0xa4: {  	s15 =	sadd.s32 $0x3, s15;
	v14 =	vadd.s32 v7, v14;
	v18 =	vand.u32 $0x7E, v18;
	v19 =	vld [tilespmem:s13+$0xFFFFFFC0]  }
0xa5: {  	v22 =	vmov s15;
	v21 =	vadd.s32 v6, v18;
	v20 =	vld [tilespmem:s13+$0xFFFFFFD0]  }
0xa6: {  	[tilespmem:v13+s24+$0x0] =	vst.idx.msk $0xffff, v12;
	v12 =	vadd.s32 v7, v18;
	v13 =	vand.u32 $0x7F, v22  }
0xa7: {  	[tilespmem:v9+s24+$0x0] =	vst.idx.msk $0xffff, v15;
	v15 =	vadd.s32 v6, v13  }
.Ltmp3:
0xa8: {  	v9 =	vadd.s32 v7, v13;
	[tilespmem:v17+s24+$0x0] =	vst.idx.msk $0xffff, v16;
	(pc) =	sbr.rel @p1 .LBB2_9-.Ltmp3, $4  }
0xa9: {  	[tilespmem:v14+s24+$0x0] =	vst.idx.msk $0xffff, v19  }
0xaa: {  	[tilespmem:v21+s24+$0x0] =	vst.idx.msk $0xffff, v20  }
0xab: {  	[tilespmem:v12+s24+$0x0] =	vst.idx.msk $0xffff, v11  }
0xac: {  	[tilespmem:v15+s24+$0x0] =	vst.idx.msk $0xffff, v10  }
0xad: {  	s0 =	sadd.s32 s6, s0  }
0xae: {  	s13 =	sshll.u32 s0, $0x9;
	s0 =	sshll.u32 s0, $0xB  }
0xaf: {  	s13 =	sand.u32 $0x3C00, s13;
	s0 =	sand.u32 $0xFFF0000, s0  }
0xb0: {  	s0 =	sor.u32 s13, s0  }
0xb1: {  	s14 =	simm.s32 $0xE400;
	s13 =	sadd.s32 s2, s0  }
0xb2: {  	[tilespmem:v9+s24+$0x0] =	vst.idx.msk $0xffff, v8;
	s15 =	simm.s32 $0x10;
	s16 =	simm.s32 $0xE488;
	s17 =	sadd.s32 $0x0, s13  }
.LBB2_11:
0xb3: {  	[hbm4b:s17+s3] =	stream.linear.scatter [tilespmem:s14], [sflag:$0x3], $0x80, $0x38;
	[tilespmem:$0x18E00] =	vst v63  }
0xb4: {  	s17 =	smov.u32 s15;
	s14 =	smov.u32 s16;
	p1 =	sne.s32 s15, $0x1F0  }
.Ltmp4:
0xb5: {  	s15 =	sadd.s32 $0x10, s15;
	(pc) =	sbr.rel @p1 .LBB2_11-.Ltmp4, $2  }
0xb6: {  	_ =	sdelay $0x2  }
0xb7: {  	s16 =	sadd.s32 $0x88, s16;
	s17 =	sadd.s32 s17, s13  }
0xb8: {  	[hbm4b:s17+s3] =	stream.linear.scatter [tilespmem:s14], [sflag:$0x3], $0x80, $0x38;
	[tilespmem:$0x18E00] =	vst v63  }
0xb9: {  	s13 =	sadd.s32 s0, s7;
	s14 =	simm.s32 $0xF940  }
0xba: {  	s15 =	simm.s32 $0x10;
	s16 =	simm.s32 $0xF9C8;
	s17 =	sadd.s32 $0x0, s13  }
.LBB2_13:
0xbb: {  	[hbm4b:s17+s3] =	stream.linear.scatter [tilespmem:s14], [sflag:$0x3], $0x80, $0x38;
	[tilespmem:$0x18E00] =	vst v63  }
0xbc: {  	s17 =	smov.u32 s15;
	s14 =	smov.u32 s16;
	p1 =	sne.s32 s15, $0x1F0  }
.Ltmp5:
0xbd: {  	s15 =	sadd.s32 $0x10, s15;
	(pc) =	sbr.rel @p1 .LBB2_13-.Ltmp5, $2  }
0xbe: {  	_ =	sdelay $0x2  }
0xbf: {  	s16 =	sadd.s32 $0x88, s16;
	s17 =	sadd.s32 s17, s13  }
0xc0: {  	[hbm4b:s17+s3] =	stream.linear.scatter [tilespmem:s14], [sflag:$0x3], $0x80, $0x38;
	[tilespmem:$0x18E00] =	vst v63  }
0xc1: {  	s13 =	sadd.s32 s0, s8;
	s14 =	simm.s32 $0x10E80  }
0xc2: {  	s15 =	simm.s32 $0x10;
	s16 =	simm.s32 $0x10F08;
	s17 =	sadd.s32 $0x0, s13  }
.LBB2_15:
0xc3: {  	[hbm4b:s17+s3] =	stream.linear.scatter [tilespmem:s14], [sflag:$0x3], $0x80, $0x38;
	[tilespmem:$0x18E00] =	vst v63  }
0xc4: {  	s17 =	smov.u32 s15;
	s14 =	smov.u32 s16;
	p1 =	sne.s32 s15, $0x1F0  }
.Ltmp6:
0xc5: {  	s15 =	sadd.s32 $0x10, s15;
	(pc) =	sbr.rel @p1 .LBB2_15-.Ltmp6, $2  }
0xc6: {  	_ =	sdelay $0x2  }
0xc7: {  	s16 =	sadd.s32 $0x88, s16;
	s17 =	sadd.s32 s17, s13  }
0xc8: {  	[hbm4b:s17+s3] =	stream.linear.scatter [tilespmem:s14], [sflag:$0x3], $0x80, $0x38;
	[tilespmem:$0x18E00] =	vst v63  }
0xc9: {  	s0 =	sadd.s32 s0, s9;
	s13 =	simm.s32 $0x123C0  }
0xca: {  	s14 =	simm.s32 $0x10;
	s15 =	simm.s32 $0x12448;
	s16 =	sadd.s32 $0x0, s0  }
.LBB2_17:
0xcb: {  	[hbm4b:s16+s3] =	stream.linear.scatter [tilespmem:s13], [sflag:$0x3], $0x80, $0x38;
	[tilespmem:$0x18E00] =	vst v63  }
0xcc: {  	s16 =	smov.u32 s14;
	s13 =	smov.u32 s15;
	p1 =	sne.s32 s14, $0x1F0  }
.Ltmp7:
0xcd: {  	s14 =	sadd.s32 $0x10, s14;
	(pc) =	sbr.rel @p1 .LBB2_17-.Ltmp7, $2  }
0xce: {  	_ =	sdelay $0x2  }
0xcf: {  	s15 =	sadd.s32 $0x88, s15;
	s16 =	sadd.s32 s16, s0  }
0xd0: {  	[hbm4b:s16+s3] =	stream.linear.scatter [tilespmem:s13], [sflag:$0x3], $0x80, $0x38;
	[tilespmem:$0x18E00] =	vst v63  }
0xd1: {  	p1 =	seq.s32 s31, $0x18  }
0xd2: {  	s0 =	sshll.u32 @!p1 s31, $0xA  }
0xd3: {  	s0 =	sand.u32 @!p1 $0x3FFFFC00, s0  }
0xd4: {  	s14 =	simm.s32 @!p1 $0x80;
	s15 =	simm.s32 @!p1 $0x6400;
	s13 =	sadd.s32 @!p1 $0x400, s0  }
0xd5: {  	[tilespmem:s15], [sflag:$0x1] =	stream.indirect.gather @!p1 [hbm4b:s4+s14], $0x20, s13, s14, $0xb8;
	[tilespmem:$0x18E00] =	vst v63  }
0xd6: {  	s13 =	sadd.s32 @!p1 $0x480, s0;
	s15 =	simm.s32 @!p1 $0x7400  }
0xd7: {  	[tilespmem:s15], [sflag:$0x1] =	stream.indirect.gather @!p1 [hbm4b:s4+s14], $0x20, s13, s14, $0xb8;
	[tilespmem:$0x18E00] =	vst v63  }
0xd8: {  	s13 =	sadd.s32 @!p1 $0x500, s0;
	s15 =	simm.s32 @!p1 $0x8400  }
0xd9: {  	[tilespmem:s15], [sflag:$0x1] =	stream.indirect.gather @!p1 [hbm4b:s4+s14], $0x20, s13, s14, $0xb8;
	[tilespmem:$0x18E00] =	vst v63  }
0xda: {  	s0 =	sadd.s32 @!p1 $0x580, s0;
	s13 =	simm.s32 @!p1 $0x9400  }
0xdb: {  	[tilespmem:s13], [sflag:$0x1] =	stream.indirect.gather @!p1 [hbm4b:s4+s14], $0x20, s0, s14, $0xb8;
	[tilespmem:$0x18E00] =	vst v63  }
0xdc: {  	_ =	swait.ge [sflag:s25], $0x1000  }
0xdd: {  	[sflag:s25] =	ssyncset.done $0x0  }
0xde: {  	[sflag:s25] =	ssyncadd.s32 $0xFFFFF000  }
0xdf: {  	_ =	swait.ge [sflag:s25], $0x1000  }
0xe0: {  	[sflag:s25] =	ssyncset.done $0x0  }
0xe1: {  	[sflag:s25] =	ssyncadd.s32 $0xFFFFF000  }
0xe2: {  	_ =	swait.ge [sflag:s25], $0x1000  }
0xe3: {  	[sflag:s25] =	ssyncset.done $0x0  }
0xe4: {  	[sflag:s25] =	ssyncadd.s32 $0xFFFFF000  }
0xe5: {  	_ =	swait.ge [sflag:s25], $0x1000  }
0xe6: {  	[sflag:s25] =	ssyncset.done $0x0  }
0xe7: {  	s0 =	simm.s32 @!p0 $0x4;
	[sflag:s25] =	ssyncadd.s32 $0xFFFFF000  }
0xe8: {  	_ =	swait.ge @!p0 [sflag:s0], $0x1000  }
0xe9: {  	[sflag:s0] =	ssyncset.done @!p0 $0x0  }
0xea: {  	[sflag:s0] =	ssyncadd.s32 @!p0 $0xFFFFF000  }
0xeb: {  	_ =	swait.ge @!p0 [sflag:s0], $0x1000  }
0xec: {  	[sflag:s0] =	ssyncset.done @!p0 $0x0  }
0xed: {  	[sflag:s0] =	ssyncadd.s32 @!p0 $0xFFFFF000  }
0xee: {  	_ =	swait.ge @!p0 [sflag:s0], $0x1000  }
0xef: {  	[sflag:s0] =	ssyncset.done @!p0 $0x0  }
0xf0: {  	[sflag:s0] =	ssyncadd.s32 @!p0 $0xFFFFF000  }
0xf1: {  	_ =	swait.ge @!p0 [sflag:s0], $0x1000  }
0xf2: {  	s13 =	simm.s32 $0xA440;
	[sflag:s0] =	ssyncset.done @!p0 $0x0  }
0xf3: {  	s14 =	simm.s32 $0x0;
	[sflag:s0] =	ssyncadd.s32 @!p0 $0xFFFFF000;
	s0 =	simm.s32 $0x0  }
.LBB2_19:
0xf4: {  	v8 =	vld [tilespmem:s13+$0xFFFFFFC0];
	v10 =	vmov s14  }
0xf5: {  	v9 =	vld [tilespmem:s13+$0xFFFFFFD0];
	s15 =	sadd.s32 $0x1, s14;
	v10 =	vand.u32 $0x7C, v10  }
0xf6: {  	v11 =	vld [tilespmem:s13+$0xFFFFFFE0];
	v14 =	vmov s15;
	v13 =	vadd.s32 v0, v10  }
0xf7: {  	v12 =	vld [tilespmem:s13+$0xFFFFFFF0];
	s16 =	sadd.s32 $0x2, s14;
	v10 =	vadd.s32 v1, v10;
	v14 =	vand.u32 $0x7D, v14  }
0xf8: {  	v15 =	vld [tilespmem:s13+$0x0];
	v18 =	vmov s16;
	v17 =	vadd.s32 v0, v14  }
0xf9: {  	v16 =	vld [tilespmem:s13+$0x10];
	s17 =	sadd.s32 $0x3, s14;
	v18 =	vand.u32 $0x7E, v18;
	v14 =	vadd.s32 v1, v14  }
0xfa: {  	v19 =	vld [tilespmem:s13+$0x20];
	v22 =	vmov s17;
	v21 =	vadd.s32 v0, v18  }
0xfb: {  	v20 =	vld [tilespmem:s13+$0x30];
	v61 =	vand.u32 $0x7F, v22;
	[tilespmem:v13+s26+$0x0] =	vst.idx.msk $0xffff, v8;
	v8 =	vadd.s32 v1, v18  }
0xfc: {  	v62 =	vadd.s32 v0, v61;
	[tilespmem:v10+s26+$0x0] =	vst.idx.msk $0xffff, v9  }
0xfd: {  	p0 =	sne.s32 s14, $0x7C;
	v63 =	vadd.s32 v1, v61;
	[tilespmem:v17+s26+$0x0] =	vst.idx.msk $0xffff, v11  }
.Ltmp8:
0xfe: {  	[tilespmem:v14+s26+$0x0] =	vst.idx.msk $0xffff, v12;
	(pc) =	sbr.rel @p0 .LBB2_19-.Ltmp8, $4  }
0xff: {  	[tilespmem:v21+s26+$0x0] =	vst.idx.msk $0xffff, v15  }
0x100: {  	[tilespmem:v8+s26+$0x0] =	vst.idx.msk $0xffff, v16  }
0x101: {  	[tilespmem:v62+s26+$0x0] =	vst.idx.msk $0xffff, v19  }
0x102: {  	s13 =	sadd.s32 $0x80, s13;
	s14 =	sadd.s32 $0x4, s14;
	[tilespmem:v63+s26+$0x0] =	vst.idx.msk $0xffff, v20  }
0x103: {  	s13 =	simm.s32 $0xB470  }
.LBB2_21:
0x104: {  	v8 =	vld [tilespmem:s13+$0xFFFFFF90];
	v10 =	vmov s0  }
0x105: {  	v9 =	vld [tilespmem:s13+$0xFFFFFFA0];
	s14 =	sadd.s32 $0x1, s0;
	v10 =	vand.u32 $0x7C, v10  }
0x106: {  	v11 =	vld [tilespmem:s13+$0xFFFFFFB0];
	v14 =	vmov s14;
	v13 =	vadd.s32 v2, v10  }
0x107: {  	v12 =	vld [tilespmem:s13+$0xFFFFFFC0];
	s16 =	sadd.s32 $0x2, s0;
	v10 =	vadd.s32 v3, v10;
	v14 =	vand.u32 $0x7D, v14  }
0x108: {  	v15 =	vld [tilespmem:s13+$0xFFFFFFD0];
	v18 =	vmov s16;
	v17 =	vadd.s32 v2, v14  }
0x109: {  	v16 =	vld [tilespmem:s13+$0xFFFFFFE0];
	s17 =	sadd.s32 $0x3, s0;
	v18 =	vand.u32 $0x7E, v18;
	v14 =	vadd.s32 v3, v14  }
0x10a: {  	v19 =	vld [tilespmem:s13+$0xFFFFFFF0];
	v22 =	vmov s17;
	v21 =	vadd.s32 v2, v18  }
0x10b: {  	v20 =	vld [tilespmem:s13+$0x0];
	v61 =	vand.u32 $0x7F, v22;
	[tilespmem:v13+s26+$0x0] =	vst.idx.msk $0xffff, v8;
	v8 =	vadd.s32 v3, v18  }
0x10c: {  	v62 =	vadd.s32 v2, v61;
	[tilespmem:v10+s26+$0x0] =	vst.idx.msk $0xffff, v9  }
0x10d: {  	p0 =	sne.s32 s0, $0x7C;
	v63 =	vadd.s32 v3, v61;
	[tilespmem:v17+s26+$0x0] =	vst.idx.msk $0xffff, v11  }
.Ltmp9:
0x10e: {  	[tilespmem:v14+s26+$0x0] =	vst.idx.msk $0xffff, v12;
	(pc) =	sbr.rel @p0 .LBB2_21-.Ltmp9, $4  }
0x10f: {  	[tilespmem:v21+s26+$0x0] =	vst.idx.msk $0xffff, v15  }
0x110: {  	[tilespmem:v8+s26+$0x0] =	vst.idx.msk $0xffff, v16  }
0x111: {  	[tilespmem:v62+s26+$0x0] =	vst.idx.msk $0xffff, v19  }
0x112: {  	s13 =	sadd.s32 $0x80, s13;
	s0 =	sadd.s32 $0x4, s0;
	[tilespmem:v63+s26+$0x0] =	vst.idx.msk $0xffff, v20  }
0x113: {  	s13 =	simm.s32 $0x0;
	s0 =	simm.s32 $0xC470;
	s14 =	simm.s32 $0x0  }
.LBB2_23:
0x114: {  	v8 =	vld [tilespmem:s0+$0xFFFFFF90];
	v10 =	vmov s14  }
0x115: {  	v9 =	vld [tilespmem:s0+$0xFFFFFFA0];
	s15 =	sadd.s32 $0x1, s14;
	v10 =	vand.u32 $0x7C, v10  }
0x116: {  	v11 =	vld [tilespmem:s0+$0xFFFFFFB0];
	v14 =	vmov s15;
	v13 =	vadd.s32 v4, v10  }
0x117: {  	v12 =	vld [tilespmem:s0+$0xFFFFFFC0];
	s16 =	sadd.s32 $0x2, s14;
	v10 =	vadd.s32 v5, v10;
	v14 =	vand.u32 $0x7D, v14  }
0x118: {  	v15 =	vld [tilespmem:s0+$0xFFFFFFD0];
	v18 =	vmov s16;
	v17 =	vadd.s32 v4, v14  }
0x119: {  	v16 =	vld [tilespmem:s0+$0xFFFFFFE0];
	s17 =	sadd.s32 $0x3, s14;
	v18 =	vand.u32 $0x7E, v18;
	v14 =	vadd.s32 v5, v14  }
0x11a: {  	v19 =	vld [tilespmem:s0+$0xFFFFFFF0];
	v22 =	vmov s17;
	v21 =	vadd.s32 v4, v18  }
0x11b: {  	v20 =	vld [tilespmem:s0+$0x0];
	v61 =	vand.u32 $0x7F, v22;
	[tilespmem:v13+s26+$0x0] =	vst.idx.msk $0xffff, v8;
	v8 =	vadd.s32 v5, v18  }
0x11c: {  	v62 =	vadd.s32 v4, v61;
	[tilespmem:v10+s26+$0x0] =	vst.idx.msk $0xffff, v9  }
0x11d: {  	p0 =	sne.s32 s14, $0x7C;
	v63 =	vadd.s32 v5, v61;
	[tilespmem:v17+s26+$0x0] =	vst.idx.msk $0xffff, v11  }
.Ltmp10:
0x11e: {  	[tilespmem:v14+s26+$0x0] =	vst.idx.msk $0xffff, v12;
	(pc) =	sbr.rel @p0 .LBB2_23-.Ltmp10, $4  }
0x11f: {  	[tilespmem:v21+s26+$0x0] =	vst.idx.msk $0xffff, v15  }
0x120: {  	[tilespmem:v8+s26+$0x0] =	vst.idx.msk $0xffff, v16  }
0x121: {  	[tilespmem:v62+s26+$0x0] =	vst.idx.msk $0xffff, v19  }
0x122: {  	s0 =	sadd.s32 $0x80, s0;
	s14 =	sadd.s32 $0x4, s14;
	[tilespmem:v63+s26+$0x0] =	vst.idx.msk $0xffff, v20  }
0x123: {  	s0 =	simm.s32 $0xD470  }
0x124: {  	v9 =	vmov s13;
	v8 =	vld [tilespmem:s0+$0x0]  }
0x125: {  	s15 =	simm.s32 $0x1;
	v10 =	vld [tilespmem:s0+$0xFFFFFFF0];
	v9 =	vand.u32 $0x7C, v9  }
0x126: {  	v12 =	vld [tilespmem:s0+$0xFFFFFF90];
	v14 =	vmov s15;
	v13 =	vadd.s32 v6, v9  }
0x127: {  	s16 =	simm.s32 $0x2;
	v15 =	vld [tilespmem:s0+$0xFFFFFFA0];
	v9 =	vadd.s32 v7, v9;
	v14 =	vand.u32 $0x7D, v14  }
0x128: {  	v16 =	vld [tilespmem:s0+$0xFFFFFFB0];
	v18 =	vmov s16;
	v17 =	vadd.s32 v6, v14  }
0x129: {  	s17 =	simm.s32 $0x3;
	v19 =	vld [tilespmem:s0+$0xFFFFFFC0];
	v18 =	vand.u32 $0x7E, v18;
	v14 =	vadd.s32 v7, v14  }
0x12a: {  	v20 =	vld [tilespmem:s0+$0xFFFFFFD0];
	v22 =	vmov s17;
	v21 =	vadd.s32 v6, v18  }
0x12b: {  	v11 =	vld [tilespmem:s0+$0xFFFFFFE0];
	v62 =	vand.u32 $0x7F, v22;
	v61 =	vadd.s32 v7, v18;
	[tilespmem:v13+s26+$0x0] =	vst.idx.msk $0xffff, v12  }
0x12c: {  	v63 =	vadd.s32 v6, v62;
	[tilespmem:v9+s26+$0x0] =	vst.idx.msk $0xffff, v15  }
0x12d: {  	[tilespmem:v17+s26+$0x0] =	vst.idx.msk $0xffff, v16  }
0x12e: {  	v9 =	vadd.s32 v7, v62;
	[tilespmem:v14+s26+$0x0] =	vst.idx.msk $0xffff, v19  }
0x12f: {  	[tilespmem:v21+s26+$0x0] =	vst.idx.msk $0xffff, v20  }
0x130: {  	[tilespmem:v61+s26+$0x0] =	vst.idx.msk $0xffff, v11  }
0x131: {  	s13 =	simm.s32 $0x4;
	[tilespmem:v63+s26+$0x0] =	vst.idx.msk $0xffff, v10  }
.LBB2_25:
0x132: {  	p0 =	sne.s32 s13, $0x7C  }
0x133: {  	[tilespmem:v9+s26+$0x0] =	vst.idx.msk $0xffff, v8;
	s0 =	sadd.s32 $0x80, s0;
	s14 =	smov.u32 s13;
	s13 =	sadd.s32 $0x4, s13  }
0x134: {  	v8 =	vld [tilespmem:s0+$0x0]  }
0x135: {  	v9 =	vmov s14;
	v10 =	vld [tilespmem:s0+$0xFFFFFFF0]  }
0x136: {  	s15 =	sadd.s32 $0x1, s14;
	v9 =	vand.u32 $0x7C, v9;
	v11 =	vld [tilespmem:s0+$0xFFFFFFE0]  }
0x137: {  	v14 =	vmov s15;
	v13 =	vadd.s32 v6, v9;
	v12 =	vld [tilespmem:s0+$0xFFFFFF90]  }
0x138: {  	s15 =	sadd.s32 $0x2, s14;
	v9 =	vadd.s32 v7, v9;
	v14 =	vand.u32 $0x7D, v14;
	v15 =	vld [tilespmem:s0+$0xFFFFFFA0]  }
0x139: {  	v18 =	vmov s15;
	v17 =	vadd.s32 v6, v14;
	v16 =	vld [tilespmem:s0+$0xFFFFFFB0]  }
0x13a: {  	s14 =	sadd.s32 $0x3, s14;
	v14 =	vadd.s32 v7, v14;
	v18 =	vand.u32 $0x7E, v18;
	v19 =	vld [tilespmem:s0+$0xFFFFFFC0]  }
0x13b: {  	v22 =	vmov s14;
	v21 =	vadd.s32 v6, v18;
	v20 =	vld [tilespmem:s0+$0xFFFFFFD0]  }
0x13c: {  	[tilespmem:v13+s26+$0x0] =	vst.idx.msk $0xffff, v12;
	v12 =	vadd.s32 v7, v18;
	v13 =	vand.u32 $0x7F, v22  }
0x13d: {  	[tilespmem:v9+s26+$0x0] =	vst.idx.msk $0xffff, v15;
	v15 =	vadd.s32 v6, v13  }
.Ltmp11:
0x13e: {  	v9 =	vadd.s32 v7, v13;
	[tilespmem:v17+s26+$0x0] =	vst.idx.msk $0xffff, v16;
	(pc) =	sbr.rel @p0 .LBB2_25-.Ltmp11, $4  }
0x13f: {  	[tilespmem:v14+s26+$0x0] =	vst.idx.msk $0xffff, v19  }
0x140: {  	[tilespmem:v21+s26+$0x0] =	vst.idx.msk $0xffff, v20  }
0x141: {  	[tilespmem:v12+s26+$0x0] =	vst.idx.msk $0xffff, v11  }
0x142: {  	[tilespmem:v15+s26+$0x0] =	vst.idx.msk $0xffff, v10  }
0x143: {  	s0 =	sadd.s32 s6, s1  }
0x144: {  	s1 =	sshll.u32 s0, $0x9;
	s0 =	sshll.u32 s0, $0xB  }
0x145: {  	s1 =	sand.u32 $0x3E00, s1;
	s0 =	sand.u32 $0xFFF0000, s0  }
0x146: {  	s0 =	sor.u32 s1, s0  }
0x147: {  	s13 =	simm.s32 $0x13900;
	s1 =	sadd.s32 s2, s0  }
0x148: {  	[tilespmem:v9+s26+$0x0] =	vst.idx.msk $0xffff, v8;
	s14 =	simm.s32 $0x10;
	s15 =	simm.s32 $0x13988;
	s16 =	sadd.s32 $0x0, s1  }
.LBB2_27:
0x149: {  	[hbm4b:s16+s3] =	stream.linear.scatter [tilespmem:s13], [sflag:$0x4], $0x80, $0x38;
	[tilespmem:$0x18E00] =	vst v63  }
0x14a: {  	s16 =	smov.u32 s14;
	s13 =	smov.u32 s15;
	p0 =	sne.s32 s14, $0x1F0  }
.Ltmp12:
0x14b: {  	s14 =	sadd.s32 $0x10, s14;
	(pc) =	sbr.rel @p0 .LBB2_27-.Ltmp12, $2  }
0x14c: {  	_ =	sdelay $0x2  }
0x14d: {  	s15 =	sadd.s32 $0x88, s15;
	s16 =	sadd.s32 s16, s1  }
0x14e: {  	[hbm4b:s16+s3] =	stream.linear.scatter [tilespmem:s13], [sflag:$0x4], $0x80, $0x38;
	[tilespmem:$0x18E00] =	vst v63  }
0x14f: {  	s1 =	sadd.s32 s0, s7;
	s13 =	simm.s32 $0x14E40  }
0x150: {  	s14 =	simm.s32 $0x10;
	s15 =	simm.s32 $0x14EC8;
	s16 =	sadd.s32 $0x0, s1  }
.LBB2_29:
0x151: {  	[hbm4b:s16+s3] =	stream.linear.scatter [tilespmem:s13], [sflag:$0x4], $0x80, $0x38;
	[tilespmem:$0x18E00] =	vst v63  }
0x152: {  	s16 =	smov.u32 s14;
	s13 =	smov.u32 s15;
	p0 =	sne.s32 s14, $0x1F0  }
.Ltmp13:
0x153: {  	s14 =	sadd.s32 $0x10, s14;
	(pc) =	sbr.rel @p0 .LBB2_29-.Ltmp13, $2  }
0x154: {  	_ =	sdelay $0x2  }
0x155: {  	s15 =	sadd.s32 $0x88, s15;
	s16 =	sadd.s32 s16, s1  }
0x156: {  	[hbm4b:s16+s3] =	stream.linear.scatter [tilespmem:s13], [sflag:$0x4], $0x80, $0x38;
	[tilespmem:$0x18E00] =	vst v63  }
0x157: {  	s1 =	sadd.s32 s0, s8;
	s13 =	simm.s32 $0x16380  }
0x158: {  	s14 =	simm.s32 $0x10;
	s15 =	simm.s32 $0x16408;
	s16 =	sadd.s32 $0x0, s1  }
.LBB2_31:
0x159: {  	[hbm4b:s16+s3] =	stream.linear.scatter [tilespmem:s13], [sflag:$0x4], $0x80, $0x38;
	[tilespmem:$0x18E00] =	vst v63  }
0x15a: {  	s16 =	smov.u32 s14;
	s13 =	smov.u32 s15;
	p0 =	sne.s32 s14, $0x1F0  }
.Ltmp14:
0x15b: {  	s14 =	sadd.s32 $0x10, s14;
	(pc) =	sbr.rel @p0 .LBB2_31-.Ltmp14, $2  }
0x15c: {  	_ =	sdelay $0x2  }
0x15d: {  	s15 =	sadd.s32 $0x88, s15;
	s16 =	sadd.s32 s16, s1  }
0x15e: {  	[hbm4b:s16+s3] =	stream.linear.scatter [tilespmem:s13], [sflag:$0x4], $0x80, $0x38;
	[tilespmem:$0x18E00] =	vst v63  }
0x15f: {  	s0 =	sadd.s32 s0, s9;
	s1 =	simm.s32 $0x178C0  }
0x160: {  	s13 =	simm.s32 $0x10;
	s14 =	simm.s32 $0x17948;
	s15 =	sadd.s32 $0x0, s0  }
.LBB2_33:
0x161: {  	[hbm4b:s15+s3] =	stream.linear.scatter [tilespmem:s1], [sflag:$0x4], $0x80, $0x38;
	[tilespmem:$0x18E00] =	vst v63  }
0x162: {  	s15 =	smov.u32 s13;
	s1 =	smov.u32 s14;
	p0 =	sne.s32 s13, $0x1F0  }
.Ltmp15:
0x163: {  	s13 =	sadd.s32 $0x10, s13;
	(pc) =	sbr.rel @p0 .LBB2_33-.Ltmp15, $2  }
0x164: {  	_ =	sdelay $0x2  }
0x165: {  	s14 =	sadd.s32 $0x88, s14;
	s15 =	sadd.s32 s15, s0  }
0x166: {  	s31 =	sadd.s32 $0x1, s31  }
0x167: {  	p0 =	sne.s32 s31, $0x19  }
.Ltmp16:
0x168: {  	_ = 	snop;
	(pc) =	sbr.rel @p0 .LBB2_2-.Ltmp16, $2  }
0x169: {  	_ =	sdelay $0x2  }
0x16a: {  	[hbm4b:s15+s3] =	stream.linear.scatter [tilespmem:s1], [sflag:$0x4], $0x80, $0x38;
	[tilespmem:$0x18E00] =	vst v63  }
0x16b: {  	_ =	swait.ge [sflag:s28], $0x1000  }
0x16c: {  	[sflag:s28] =	ssyncset.done $0x0  }
0x16d: {  	[sflag:s28] =	ssyncadd.s32 $0xFFFFF000  }
0x16e: {  	_ =	swait.ge [sflag:s28], $0x1000  }
0x16f: {  	[sflag:s28] =	ssyncset.done $0x0  }
0x170: {  	[sflag:s28] =	ssyncadd.s32 $0xFFFFF000  }
0x171: {  	_ =	swait.ge [sflag:s28], $0x1000  }
0x172: {  	[sflag:s28] =	ssyncset.done $0x0  }
0x173: {  	[sflag:s28] =	ssyncadd.s32 $0xFFFFF000  }
0x174: {  	_ =	swait.ge [sflag:s28], $0x1000  }
0x175: {  	[sflag:s28] =	ssyncset.done $0x0  }
0x176: {  	[sflag:s28] =	ssyncadd.s32 $0xFFFFF000  }
0x177: {  	_ =	swait.ge [sflag:s29], $0x1000  }
0x178: {  	[sflag:s29] =	ssyncset.done $0x0  }
0x179: {  	[sflag:s29] =	ssyncadd.s32 $0xFFFFF000  }
0x17a: {  	_ =	swait.ge [sflag:s29], $0x1000  }
0x17b: {  	[sflag:s29] =	ssyncset.done $0x0  }
0x17c: {  	s30 =	sadd.s32 $0x1, s30;
	[sflag:s29] =	ssyncadd.s32 $0xFFFFF000  }
0x17d: {  	p0 =	sne.s32 s30, s10;
	_ =	swait.ge [sflag:s29], $0x1000  }
.Ltmp17:
0x17e: {  	[sflag:s29] =	ssyncset.done $0x0;
	(pc) =	sbr.rel @p0 .LBB2_1-.Ltmp17, $4  }
0x17f: {  	[sflag:s29] =	ssyncadd.s32 $0xFFFFF000  }
0x180: {  	_ =	swait.ge [sflag:s29], $0x1000  }
0x181: {  	[sflag:s29] =	ssyncset.done $0x0  }
0x182: {  	[sflag:s29] =	ssyncadd.s32 $0xFFFFF000  }
0x183: {  	_ =	sfence.sel $0x180000  }
0x184: {  	[bflag:$0x0] =	sbarrier.arrive $0xFFFF  }
0x185: {  	_ =	strace $0x90000047  }
0x186: {  	s0 =	stileid.u32;
	[bflag:$0x2] =	sbarrier.arrive $0xFFFF  }
0x187: {  	p0 =	sne.s32 s0, $0x0;
	s0 =	rddreg [dreg:$0x2]  }
0x188: {  	s0 =	sadd.s32 @!p0 $0x100000, s0  }
0x189: {  	[sflag:s0] =	ssyncadd.tile.s32 @!p0 $0x1;
	_ =	shalt  }
.Lfunc_end2:
_tile_overlayer_lowered:
.L_overlay_start_2:
0x18a: {  	(tag) =	ssettag $0x2  }
0x18b: {  	s0 =	rddreg [dreg:$0x0];
	s2 =	stileid.u32  }
0x18c: {  	s1 =	rddreg [dreg:$0x1];
	p0 =	sne.s32 s2, $0x0  }
0x18d: {  	s3 =	rddreg [dreg:$0x2];
	[bflag:$0x3] =	sbarrier.arrive $0xFFFF;
	s2 =	simm.s32 @!p0 $0x1C05  }
0x18e: {  	[timem:s3], [sflag:s2] =	dma.local @!p0 [hbm:s0], s1  }
0x18f: {  	s0 =	simm.s32 @!p0 $0x5  }
0x190: {  	_ =	swait.ge @!p0 [sflag:s0], s1  }
0x191: {  	s1 =	ssub.s32 @!p0 $0x0, s1;
	[sflag:s0] =	ssyncset.done @!p0 $0x0  }
0x192: {  	[sflag:s0] =	ssyncadd.s32 @!p0 s1  }
0x193: {  	[bflag:$0x3] =	sbarrier.arrive $0xFFFF  }
0x194: {  	_ =	shalt  }

</sc_bundles>
